<compile_context>
chip_gen: v7x
topology: tpu7x:2x2x1
jax: 0.10.2.dev20260603
libtpu: 0.0.44.dev20260713+nightly
codegen_flags: <defaults>
</compile_context>

<pallas_src>
import jax
import jax.numpy as jnp
from jax import lax
from jax.experimental import pallas as pl
from jax.experimental.pallas import tpu as pltpu
from jax.experimental.pallas import tpu_sc as plsc

N = 10000
E = 320000
F = 128
NC = 2
NS = 16
NW = NC * NS
C = 128
CH = 80
EPAD = NW * CH * C
NPAD = 10240
RPT = NPAD // NS
RCHUNKS = [(o, min(C, RPT - o)) for o in range(0, RPT, C)]
NPAD_DEG = 10240
RPT_DEG = NPAD_DEG // NS
EPS = 1e-5

def _deg_body(dst_hbm, out_hbm, dst_v, ones_v, zer_v, acc_sh):
    c = lax.axis_index("c")
    s = lax.axis_index("s")
    w = c * NS + s
    for q in range(C // 16):
        ones_v[pl.ds(q * 16, 16)] = jnp.ones((16,), jnp.float32)

    def _zb(i, carry):
        zer_v[pl.ds(i * 16, 16)] = jnp.zeros((16,), jnp.float32)
        return carry

    lax.fori_loop(0, RPT_DEG // 16, _zb, 0)
    pltpu.sync_copy(zer_v, acc_sh.at[pl.ds(s * RPT_DEG, RPT_DEG)])
    plsc.subcore_barrier()
    pltpu.sync_copy(dst_hbm.at[w], dst_v)

    def _sb(j, carry):
        pltpu.sync_copy(ones_v, acc_sh.at[dst_v.at[j]], add=True)
        return carry

    lax.fori_loop(0, CH, _sb, 0)
    plsc.subcore_barrier()
    pltpu.sync_copy(
        acc_sh.at[pl.ds(s * RPT_DEG, RPT_DEG)],
        out_hbm.at[c, pl.ds(s * RPT_DEG, RPT_DEG)],
    )


def _scatter_body(g_hbm, eidx_hbm, out_hbm, idx_v, rows_v, acc_sh,
                  gsem0, gsem1, isem0, isem1):
    c = lax.axis_index("c")
    s = lax.axis_index("s")
    w = c * NS + s
    gsems = (gsem0, gsem1)
    isems = (isem0, isem1)

    def _zb(i, carry):
        for q in range(F // 16):
            rows_v[0, i, pl.ds(q * 16, 16)] = jnp.zeros((16,), jnp.float32)
        return carry

    lax.fori_loop(0, C, _zb, 0)
    for off, size in RCHUNKS:
        pltpu.sync_copy(
            rows_v.at[0, pl.ds(0, size)], acc_sh.at[pl.ds(s * RPT + off, size)]
        )
    plsc.subcore_barrier()

    def _idx_start(j, bi):
        pltpu.async_copy(eidx_hbm.at[w, j], idx_v.at[bi], isems[bi])

    def _idx_wait(j, bi):
        pltpu.make_async_copy(eidx_hbm.at[w, j], idx_v.at[bi], isems[bi]).wait()

    def _gather_start(br, bi):
        pltpu.async_copy(g_hbm.at[idx_v.at[bi, 0]], rows_v.at[br], gsems[br])

    def _gather_wait(br, bi):
        pltpu.make_async_copy(g_hbm.at[idx_v.at[bi, 0]], rows_v.at[br], gsems[br]).wait()

    def _scatter(br, bi):
        pltpu.sync_copy(rows_v.at[br], acc_sh.at[idx_v.at[bi, 1]], add=True)

    _idx_start(0, 0)
    _idx_start(1, 1)
    _idx_wait(0, 0)
    _gather_start(0, 0)

    def _mb(i, carry):
        j2 = i * 2
        for b in range(2):
            j = j2 + b
            nb = 1 - b
            _idx_wait(j + 1, nb)
            _gather_start(nb, nb)
            _gather_wait(b, b)
            _scatter(b, b)
            _idx_start(j + 2, b)
        return carry

    lax.fori_loop(0, CH // 2 - 1, _mb, 0)
    _idx_wait(CH - 1, 1)
    _gather_start(1, 1)
    _gather_wait(0, 0)
    _scatter(0, 0)
    _gather_wait(1, 1)
    _scatter(1, 1)
    plsc.subcore_barrier()
    for off, size in RCHUNKS:
        pltpu.sync_copy(
            acc_sh.at[pl.ds(s * RPT + off, size)],
            out_hbm.at[c, pl.ds(s * RPT + off, size)],
        )


_sc_calls_cache = {}


def _sc_calls():
    if "deg" not in _sc_calls_cache:
        mesh = plsc.VectorSubcoreMesh(
            core_axis_name="c", subcore_axis_name="s", num_cores=NC, num_subcores=NS
        )
        _sc_calls_cache["deg"] = pl.kernel(
            _deg_body,
            out_type=jax.ShapeDtypeStruct((NC, NPAD_DEG), jnp.float32),
            mesh=mesh,
            scratch_types=[
                pltpu.VMEM((CH, C), jnp.int32),
                pltpu.VMEM((C,), jnp.float32),
                pltpu.VMEM((RPT_DEG,), jnp.float32),
                pltpu.VMEM_SHARED((NPAD_DEG,), jnp.float32),
            ],
        )
        _sc_calls_cache["scatter"] = pl.kernel(
            _scatter_body,
            out_type=jax.ShapeDtypeStruct((NC, NPAD, F), jnp.float32),
            mesh=mesh,
            scratch_types=[
                pltpu.VMEM((2, 2, C), jnp.int32),
                pltpu.VMEM((2, C, F), jnp.float32),
                pltpu.VMEM_SHARED((NPAD, F), jnp.float32),
            ] + [pltpu.SemaphoreType.DMA] * 4,
        )
    return _sc_calls_cache["deg"], _sc_calls_cache["scatter"]


def _dinv_from(degp_ref):
    deg = degp_ref[0, :N] + degp_ref[1, :N] + 1.0
    return lax.rsqrt(deg)


def _tc1_body(x_ref, w1_ref, degp_ref, g1_ref):
    dinv = _dinv_from(degp_ref)
    h = jnp.dot(x_ref[...], w1_ref[...], preferred_element_type=jnp.float32)
    g1_ref[...] = h * dinv[:, None]


_tc1 = pl.pallas_call(
    _tc1_body,
    out_shape=jax.ShapeDtypeStruct((N, F), jnp.float32),
)


def _tc2_body(accp_ref, g1_ref, degp_ref, b1_ref, gamma_ref, beta_ref, w2_ref, g2_ref):
    dinv = _dinv_from(degp_ref)
    acc = accp_ref[0, :N, :] + accp_ref[1, :N, :] + g1_ref[...]
    t = acc * dinv[:, None] + b1_ref[...]
    mean = jnp.mean(t, axis=0)
    var = jnp.mean((t - mean) ** 2, axis=0)
    t = (t - mean) * lax.rsqrt(var + EPS) * gamma_ref[...] + beta_ref[...]
    t = jnp.maximum(t, 0.0)
    h2 = jnp.dot(t, w2_ref[...], preferred_element_type=jnp.float32)
    g2_ref[...] = h2 * dinv[:, None]


_tc2 = pl.pallas_call(
    _tc2_body,
    out_shape=jax.ShapeDtypeStruct((N, F), jnp.float32),
)


def _tc3_body(accp_ref, g2_ref, degp_ref, b2_ref, out_ref):
    dinv = _dinv_from(degp_ref)
    acc = accp_ref[0, :N, :] + accp_ref[1, :N, :] + g2_ref[...]
    out_ref[...] = acc * dinv[:, None] + b2_ref[...]


_tc3 = pl.pallas_call(
    _tc3_body,
    out_shape=jax.ShapeDtypeStruct((N, F), jnp.float32),
)


def kernel(x, edge_index, W1, b1, W2, b2, gamma, beta):
    src = edge_index[0].astype(jnp.int32)
    dst = edge_index[1].astype(jnp.int32)
    pad = EPAD - E
    pad_i = jnp.arange(pad, dtype=jnp.int32)
    src_p = jnp.concatenate([src, pad_i % N]).reshape(NW, CH, C)
    dst_p = jnp.concatenate([dst, N + pad_i % (NPAD - N)]).reshape(NW, CH, C)
    eidx = jnp.stack([src_p, dst_p], axis=2)

    deg_call, scatter_call = _sc_calls()
    degp = deg_call(dst_p)
    g1 = _tc1(x, W1, degp)
    acc1 = scatter_call(g1, eidx)
    g2 = _tc2(acc1, g1, degp, b1, gamma, beta, W2)
    acc2 = scatter_call(g2, eidx)
    return _tc3(acc2, g2, degp, b2)

# --- scband reference (transcript-rebuilt; emitter-appended) ---
"""Pipeline reference for scband-gcn-55155970015713 (READ-ONLY COPY).

The authoritative reference and input builder live on the scoring server;
editing this copy changes nothing except your own understanding.
"""

import jax, jax.numpy as jnp
import numpy as np

N = 10000
E = 320000
F_IN = 128
H = 128
F_OUT = 128


def setup_inputs(seed: int = 0) -> dict:
    key = jax.random.key(seed)
    ks = jax.random.split(key, 8)
    x = jax.random.normal(ks[0], (N, F_IN), dtype=jnp.float32)
    edge_index = jax.random.randint(ks[1], (2, E), 0, N, dtype=jnp.int32)
    s1 = 1.0 / np.sqrt(F_IN)
    s2 = 1.0 / np.sqrt(H)
    W1 = jax.random.uniform(ks[2], (F_IN, H), dtype=jnp.float32, minval=-s1, maxval=s1)
    b1 = jax.random.uniform(ks[3], (H,), dtype=jnp.float32, minval=-s1, maxval=s1)
    W2 = jax.random.uniform(ks[4], (H, F_OUT), dtype=jnp.float32, minval=-s2, maxval=s2)
    b2 = jax.random.uniform(ks[5], (F_OUT,), dtype=jnp.float32, minval=-s2, maxval=s2)
    gamma = jnp.ones((H,), dtype=jnp.float32)
    beta = jnp.zeros((H,), dtype=jnp.float32)
    return {"x": x, "edge_index": edge_index, "W1": W1, "b1": b1, "W2": W2, "b2": b2, "gamma": gamma, "beta": beta}


def gcn_conv(x, edge_index, W, b, num_nodes):
    # linear transform
    h = x @ W
    src = edge_index[0]
    dst = edge_index[1]
    # add self-loops (PyG GCNConv default)
    loop = jnp.arange(num_nodes, dtype=src.dtype)
    src = jnp.concatenate([src, loop])
    dst = jnp.concatenate([dst, loop])
    # symmetric normalization: deg^-1/2[src] * deg^-1/2[dst]
    deg = jnp.zeros((num_nodes,), dtype=h.dtype).at[dst].add(1.0)
    dinv = jnp.where(deg > 0, deg ** -0.5, 0.0)
    norm = dinv[src] * dinv[dst]
    # gather messages, scale, scatter-add to destination nodes
    msg = h[src] * norm[:, None]
    out = jax.ops.segment_sum(msg, dst, num_segments=num_nodes)
    return out + b


def batch_norm(h, gamma, beta, eps=1e-5):
    mean = jnp.mean(h, axis=0)
    var = jnp.var(h, axis=0)
    return (h - mean) / jnp.sqrt(var + eps) * gamma + beta


def reference(x, edge_index, W1, b1, W2, b2, gamma, beta):
    h = gcn_conv(x, edge_index, W1, b1, N)
    h = batch_norm(h, gamma, beta)
    h = jax.nn.relu(h)
    out = gcn_conv(h, edge_index, W2, b2, N)
    return out

if __name__ == "__main__":
    import jax
    _d = setup_inputs()
    print(jax.jit(kernel)(*tuple(_d.values())))

</pallas_src>

<mosaic_0001>
#map = affine_map<(d0, d1) -> (0, 0)>
#map1 = affine_map<(d0, d1) -> (0, 0, 0, 0)>
#map2 = affine_map<(d0, d1) -> (0, 0, 0)>
module attributes {stable_mosaic.version = 14 : i64} {
  func.func @_scatter_body(%arg0: i32, %arg1: i32, %arg2: memref<10000x128xf32, #tpu.memory_space<hbm>>, %arg3: memref<32x80x2x128xi32, #tpu.memory_space<hbm>>, %arg4: memref<2x10240x128xf32, #tpu.memory_space<hbm>>, %arg5: memref<2x2x128xi32, #tpu.memory_space<vmem>>, %arg6: memref<2x128x128xf32, #tpu.memory_space<vmem>>, %arg7: memref<10240x128xf32, #tpu.memory_space<vmem_shared>>, %arg8: memref<!tpu.dma_semaphore, #tpu.memory_space<semaphore_mem>>, %arg9: memref<!tpu.dma_semaphore, #tpu.memory_space<semaphore_mem>>, %arg10: memref<!tpu.dma_semaphore, #tpu.memory_space<semaphore_mem>>, %arg11: memref<!tpu.dma_semaphore, #tpu.memory_space<semaphore_mem>>) attributes {dimension_semantics = [#tpu.dimension_semantics<core_parallel>, #tpu.dimension_semantics<subcore_parallel>], iteration_bounds = array<i64: 2, 16>, scalar_prefetch = 0 : i64, scratch_operands = 7 : i64, tpu.core_type = #tpu.core_type<sc_vector_subcore>, window_params = [{transform_indices = #map}, {transform_indices = #map1}, {transform_indices = #map2}]} {
    %mul3A = arith.constant 16 : i32
    %mul3A_0 = arith.muli %arg0, %mul3A : i32
    %add3A = arith.addi %mul3A_0, %arg1 : i32
    %scan3A = arith.constant 0 : i32
    %scan3A_1 = arith.constant 0 : i32
    %scan3A_2 = arith.constant 128 : i32
    %scan3A_3 = arith.addi %scan3A_1, %scan3A_2 : i32
    %scan3A_4 = arith.constant 1 : i32
    scf.for %scan3A_205 = %scan3A_1 to %scan3A_3 step %scan3A_4  : i32 {
      %broadcast_in_dim3A = arith.constant 0.000000e+00 : f32
      %broadcast_in_dim3A_206 = vector.broadcast %broadcast_in_dim3A : f32 to vector<16xf32>
      %swap3A = arith.constant 0 : i32
      %swap3A_207 = arith.index_cast %swap3A : i32 to index
      %swap3A_208 = arith.index_cast %scan3A_205 : i32 to index
      %swap3A_209 = arith.constant 0 : index
      %swap3A_210 = tpu.vector_load %arg6[%swap3A_207, %swap3A_208, %swap3A_209] {strides = array<i32>} : memref<2x128x128xf32, #tpu.memory_space<vmem>>, vector<1x1x16xf32>,
      %swap3A_211 = vector.shape_cast %swap3A_210 : vector<1x1x16xf32> to vector<16xf32>
      %swap3A_212 = vector.shape_cast %broadcast_in_dim3A_206 : vector<16xf32> to vector<1x1x16xf32>
      tpu.vector_store %arg6[%swap3A_207, %swap3A_208, %swap3A_209], %swap3A_212 {strides = array<i32>} : memref<2x128x128xf32, #tpu.memory_space<vmem>>, vector<1x1x16xf32>,
      %broadcast_in_dim3A_213 = arith.constant 0.000000e+00 : f32
      %broadcast_in_dim3A_214 = vector.broadcast %broadcast_in_dim3A_213 : f32 to vector<16xf32>
      %swap3A_215 = arith.constant 0 : i32
      %swap3A_216 = arith.index_cast %swap3A_215 : i32 to index
      %swap3A_217 = arith.index_cast %scan3A_205 : i32 to index
      %swap3A_218 = arith.constant 16 : index
      %swap3A_219 = tpu.vector_load %arg6[%swap3A_216, %swap3A_217, %swap3A_218] {strides = array<i32>} : memref<2x128x128xf32, #tpu.memory_space<vmem>>, vector<1x1x16xf32>,
      %swap3A_220 = vector.shape_cast %swap3A_219 : vector<1x1x16xf32> to vector<16xf32>
      %swap3A_221 = vector.shape_cast %broadcast_in_dim3A_214 : vector<16xf32> to vector<1x1x16xf32>
      tpu.vector_store %arg6[%swap3A_216, %swap3A_217, %swap3A_218], %swap3A_221 {strides = array<i32>} : memref<2x128x128xf32, #tpu.memory_space<vmem>>, vector<1x1x16xf32>,
      %broadcast_in_dim3A_222 = arith.constant 0.000000e+00 : f32
      %broadcast_in_dim3A_223 = vector.broadcast %broadcast_in_dim3A_222 : f32 to vector<16xf32>
      %swap3A_224 = arith.constant 0 : i32
      %swap3A_225 = arith.index_cast %swap3A_224 : i32 to index
      %swap3A_226 = arith.index_cast %scan3A_205 : i32 to index
      %swap3A_227 = arith.constant 32 : index
      %swap3A_228 = tpu.vector_load %arg6[%swap3A_225, %swap3A_226, %swap3A_227] {strides = array<i32>} : memref<2x128x128xf32, #tpu.memory_space<vmem>>, vector<1x1x16xf32>,
      %swap3A_229 = vector.shape_cast %swap3A_228 : vector<1x1x16xf32> to vector<16xf32>
      %swap3A_230 = vector.shape_cast %broadcast_in_dim3A_223 : vector<16xf32> to vector<1x1x16xf32>
      tpu.vector_store %arg6[%swap3A_225, %swap3A_226, %swap3A_227], %swap3A_230 {strides = array<i32>} : memref<2x128x128xf32, #tpu.memory_space<vmem>>, vector<1x1x16xf32>,
      %broadcast_in_dim3A_231 = arith.constant 0.000000e+00 : f32
      %broadcast_in_dim3A_232 = vector.broadcast %broadcast_in_dim3A_231 : f32 to vector<16xf32>
      %swap3A_233 = arith.constant 0 : i32
      %swap3A_234 = arith.index_cast %swap3A_233 : i32 to index
      %swap3A_235 = arith.index_cast %scan3A_205 : i32 to index
      %swap3A_236 = arith.constant 48 : index
      %swap3A_237 = tpu.vector_load %arg6[%swap3A_234, %swap3A_235, %swap3A_236] {strides = array<i32>} : memref<2x128x128xf32, #tpu.memory_space<vmem>>, vector<1x1x16xf32>,
      %swap3A_238 = vector.shape_cast %swap3A_237 : vector<1x1x16xf32> to vector<16xf32>
      %swap3A_239 = vector.shape_cast %broadcast_in_dim3A_232 : vector<16xf32> to vector<1x1x16xf32>
      tpu.vector_store %arg6[%swap3A_234, %swap3A_235, %swap3A_236], %swap3A_239 {strides = array<i32>} : memref<2x128x128xf32, #tpu.memory_space<vmem>>, vector<1x1x16xf32>,
      %broadcast_in_dim3A_240 = arith.constant 0.000000e+00 : f32
      %broadcast_in_dim3A_241 = vector.broadcast %broadcast_in_dim3A_240 : f32 to vector<16xf32>
      %swap3A_242 = arith.constant 0 : i32
      %swap3A_243 = arith.index_cast %swap3A_242 : i32 to index
      %swap3A_244 = arith.index_cast %scan3A_205 : i32 to index
      %swap3A_245 = arith.constant 64 : index
      %swap3A_246 = tpu.vector_load %arg6[%swap3A_243, %swap3A_244, %swap3A_245] {strides = array<i32>} : memref<2x128x128xf32, #tpu.memory_space<vmem>>, vector<1x1x16xf32>,
      %swap3A_247 = vector.shape_cast %swap3A_246 : vector<1x1x16xf32> to vector<16xf32>
      %swap3A_248 = vector.shape_cast %broadcast_in_dim3A_241 : vector<16xf32> to vector<1x1x16xf32>
      tpu.vector_store %arg6[%swap3A_243, %swap3A_244, %swap3A_245], %swap3A_248 {strides = array<i32>} : memref<2x128x128xf32, #tpu.memory_space<vmem>>, vector<1x1x16xf32>,
      %broadcast_in_dim3A_249 = arith.constant 0.000000e+00 : f32
      %broadcast_in_dim3A_250 = vector.broadcast %broadcast_in_dim3A_249 : f32 to vector<16xf32>
      %swap3A_251 = arith.constant 0 : i32
      %swap3A_252 = arith.index_cast %swap3A_251 : i32 to index
      %swap3A_253 = arith.index_cast %scan3A_205 : i32 to index
      %swap3A_254 = arith.constant 80 : index
      %swap3A_255 = tpu.vector_load %arg6[%swap3A_252, %swap3A_253, %swap3A_254] {strides = array<i32>} : memref<2x128x128xf32, #tpu.memory_space<vmem>>, vector<1x1x16xf32>,
      %swap3A_256 = vector.shape_cast %swap3A_255 : vector<1x1x16xf32> to vector<16xf32>
      %swap3A_257 = vector.shape_cast %broadcast_in_dim3A_250 : vector<16xf32> to vector<1x1x16xf32>
      tpu.vector_store %arg6[%swap3A_252, %swap3A_253, %swap3A_254], %swap3A_257 {strides = array<i32>} : memref<2x128x128xf32, #tpu.memory_space<vmem>>, vector<1x1x16xf32>,
      %broadcast_in_dim3A_258 = arith.constant 0.000000e+00 : f32
      %broadcast_in_dim3A_259 = vector.broadcast %broadcast_in_dim3A_258 : f32 to vector<16xf32>
      %swap3A_260 = arith.constant 0 : i32
      %swap3A_261 = arith.index_cast %swap3A_260 : i32 to index
      %swap3A_262 = arith.index_cast %scan3A_205 : i32 to index
      %swap3A_263 = arith.constant 96 : index
      %swap3A_264 = tpu.vector_load %arg6[%swap3A_261, %swap3A_262, %swap3A_263] {strides = array<i32>} : memref<2x128x128xf32, #tpu.memory_space<vmem>>, vector<1x1x16xf32>,
      %swap3A_265 = vector.shape_cast %swap3A_264 : vector<1x1x16xf32> to vector<16xf32>
      %swap3A_266 = vector.shape_cast %broadcast_in_dim3A_259 : vector<16xf32> to vector<1x1x16xf32>
      tpu.vector_store %arg6[%swap3A_261, %swap3A_262, %swap3A_263], %swap3A_266 {strides = array<i32>} : memref<2x128x128xf32, #tpu.memory_space<vmem>>, vector<1x1x16xf32>,
      %broadcast_in_dim3A_267 = arith.constant 0.000000e+00 : f32
      %broadcast_in_dim3A_268 = vector.broadcast %broadcast_in_dim3A_267 : f32 to vector<16xf32>
      %swap3A_269 = arith.constant 0 : i32
      %swap3A_270 = arith.index_cast %swap3A_269 : i32 to index
      %swap3A_271 = arith.index_cast %scan3A_205 : i32 to index
      %swap3A_272 = arith.constant 112 : index
      %swap3A_273 = tpu.vector_load %arg6[%swap3A_270, %swap3A_271, %swap3A_272] {strides = array<i32>} : memref<2x128x128xf32, #tpu.memory_space<vmem>>, vector<1x1x16xf32>,
      %swap3A_274 = vector.shape_cast %swap3A_273 : vector<1x1x16xf32> to vector<16xf32>
      %swap3A_275 = vector.shape_cast %broadcast_in_dim3A_268 : vector<16xf32> to vector<1x1x16xf32>
      tpu.vector_store %arg6[%swap3A_270, %swap3A_271, %swap3A_272], %swap3A_275 {strides = array<i32>} : memref<2x128x128xf32, #tpu.memory_space<vmem>>, vector<1x1x16xf32>,
    }
    %scan3A_5 = arith.constant 128 : i32
    %mul3A_6 = arith.constant 640 : i32
    %mul3A_7 = arith.muli %arg1, %mul3A_6 : i32
    %add3A_8 = arith.constant 0 : i32
    %add3A_9 = arith.addi %mul3A_7, %add3A_8 : i32
    %run_scoped3A = arith.constant 0 : i32
    "tpu.region"() ({
      %run_scoped3A_205 = tpu.sem_alloc : memref<!tpu.dma_semaphore, #tpu.memory_space<semaphore_mem>>
      %dma_start3A_206 = arith.constant 0 : i32
      %dma_start3A_207 = arith.constant 0 : i32
      %dma_start3A_208 = tpu.memref_slice %arg6[%run_scoped3A, %dma_start3A_206, %dma_start3A_207] : memref<2x128x128xf32, #tpu.memory_space<vmem>> -> memref<1x128x128xf32, #tpu.memory_space<vmem>>
      %dma_start3A_209 = tpu.memref_squeeze %dma_start3A_208 : memref<1x128x128xf32, #tpu.memory_space<vmem>> -> memref<128x128xf32, #tpu.memory_space<vmem>>
      %dma_start3A_210 = arith.constant 0 : i32
      %dma_start3A_211 = tpu.memref_slice %arg7[%add3A_9, %dma_start3A_210] : memref<10240x128xf32, #tpu.memory_space<vmem_shared>> -> memref<128x128xf32, #tpu.memory_space<vmem_shared>>
      %dma_start3A_212 = arith.constant 0 : i32
      %dma_start3A_213 = tpu.memref_slice %arg7[%add3A_9, %dma_start3A_212] : memref<10240x128xf32, #tpu.memory_space<vmem_shared>> -> memref<128x128xf32, #tpu.memory_space<vmem_shared>>
      %dma_start3A_214 = arith.constant 0 : i32
      %dma_start3A_215 = arith.constant 0 : i32
      %dma_start3A_216 = tpu.memref_slice %arg6[%run_scoped3A, %dma_start3A_214, %dma_start3A_215] : memref<2x128x128xf32, #tpu.memory_space<vmem>> -> memref<1x128x128xf32, #tpu.memory_space<vmem>>
      %dma_start3A_217 = tpu.memref_squeeze %dma_start3A_216 : memref<1x128x128xf32, #tpu.memory_space<vmem>> -> memref<128x128xf32, #tpu.memory_space<vmem>>
      tpu.enqueue_dma source(%dma_start3A_217 : memref<128x128xf32, #tpu.memory_space<vmem>>) target(%dma_start3A_213 : memref<128x128xf32, #tpu.memory_space<vmem_shared>>) target_semaphore(%run_scoped3A_205 : memref<!tpu.dma_semaphore, #tpu.memory_space<semaphore_mem>>)
      %dma_wait3A_218 = arith.constant 0 : i32
      %dma_wait3A_219 = arith.constant 0 : i32
      %dma_wait3A_220 = tpu.memref_slice %arg6[%run_scoped3A, %dma_wait3A_218, %dma_wait3A_219] : memref<2x128x128xf32, #tpu.memory_space<vmem>> -> memref<1x128x128xf32, #tpu.memory_space<vmem>>
      %dma_wait3A_221 = tpu.memref_squeeze %dma_wait3A_220 : memref<1x128x128xf32, #tpu.memory_space<vmem>> -> memref<128x128xf32, #tpu.memory_space<vmem>>
      %dma_wait3A_222 = arith.constant 0 : i32
      %dma_wait3A_223 = tpu.memref_slice %arg7[%add3A_9, %dma_wait3A_222] : memref<10240x128xf32, #tpu.memory_space<vmem_shared>> -> memref<128x128xf32, #tpu.memory_space<vmem_shared>>
      %dma_wait3A_224 = arith.constant 0 : i32
      %dma_wait3A_225 = tpu.memref_slice %arg7[%add3A_9, %dma_wait3A_224] : memref<10240x128xf32, #tpu.memory_space<vmem_shared>> -> memref<128x128xf32, #tpu.memory_space<vmem_shared>>
      %dma_wait3A_226 = arith.constant 0 : i32
      %dma_wait3A_227 = arith.constant 0 : i32
      %dma_wait3A_228 = tpu.memref_slice %arg6[%run_scoped3A, %dma_wait3A_226, %dma_wait3A_227] : memref<2x128x128xf32, #tpu.memory_space<vmem>> -> memref<1x128x128xf32, #tpu.memory_space<vmem>>
      %dma_wait3A_229 = tpu.memref_squeeze %dma_wait3A_228 : memref<1x128x128xf32, #tpu.memory_space<vmem>> -> memref<128x128xf32, #tpu.memory_space<vmem>>
      tpu.wait_dma2 semaphore(%run_scoped3A_205 : memref<!tpu.dma_semaphore, #tpu.memory_space<semaphore_mem>>) src(%dma_wait3A_229 : memref<128x128xf32, #tpu.memory_space<vmem>>) dst(%dma_wait3A_225 : memref<128x128xf32, #tpu.memory_space<vmem_shared>>)
      tpu.yield
    }) : () -> ()
    %mul3A_10 = arith.constant 640 : i32
    %mul3A_11 = arith.muli %arg1, %mul3A_10 : i32
    %add3A_12 = arith.constant 128 : i32
    %add3A_13 = arith.addi %mul3A_11, %add3A_12 : i32
    %run_scoped3A_14 = arith.constant 0 : i32
    "tpu.region"() ({
      %run_scoped3A_205 = tpu.sem_alloc : memref<!tpu.dma_semaphore, #tpu.memory_space<semaphore_mem>>
      %dma_start3A_206 = arith.constant 0 : i32
      %dma_start3A_207 = arith.constant 0 : i32
      %dma_start3A_208 = tpu.memref_slice %arg6[%run_scoped3A_14, %dma_start3A_206, %dma_start3A_207] : memref<2x128x128xf32, #tpu.memory_space<vmem>> -> memref<1x128x128xf32, #tpu.memory_space<vmem>>
      %dma_start3A_209 = tpu.memref_squeeze %dma_start3A_208 : memref<1x128x128xf32, #tpu.memory_space<vmem>> -> memref<128x128xf32, #tpu.memory_space<vmem>>
      %dma_start3A_210 = arith.constant 0 : i32
      %dma_start3A_211 = tpu.memref_slice %arg7[%add3A_13, %dma_start3A_210] : memref<10240x128xf32, #tpu.memory_space<vmem_shared>> -> memref<128x128xf32, #tpu.memory_space<vmem_shared>>
      %dma_start3A_212 = arith.constant 0 : i32
      %dma_start3A_213 = tpu.memref_slice %arg7[%add3A_13, %dma_start3A_212] : memref<10240x128xf32, #tpu.memory_space<vmem_shared>> -> memref<128x128xf32, #tpu.memory_space<vmem_shared>>
      %dma_start3A_214 = arith.constant 0 : i32
      %dma_start3A_215 = arith.constant 0 : i32
      %dma_start3A_216 = tpu.memref_slice %arg6[%run_scoped3A_14, %dma_start3A_214, %dma_start3A_215] : memref<2x128x128xf32, #tpu.memory_space<vmem>> -> memref<1x128x128xf32, #tpu.memory_space<vmem>>
      %dma_start3A_217 = tpu.memref_squeeze %dma_start3A_216 : memref<1x128x128xf32, #tpu.memory_space<vmem>> -> memref<128x128xf32, #tpu.memory_space<vmem>>
      tpu.enqueue_dma source(%dma_start3A_217 : memref<128x128xf32, #tpu.memory_space<vmem>>) target(%dma_start3A_213 : memref<128x128xf32, #tpu.memory_space<vmem_shared>>) target_semaphore(%run_scoped3A_205 : memref<!tpu.dma_semaphore, #tpu.memory_space<semaphore_mem>>)
      %dma_wait3A_218 = arith.constant 0 : i32
      %dma_wait3A_219 = arith.constant 0 : i32
      %dma_wait3A_220 = tpu.memref_slice %arg6[%run_scoped3A_14, %dma_wait3A_218, %dma_wait3A_219] : memref<2x128x128xf32, #tpu.memory_space<vmem>> -> memref<1x128x128xf32, #tpu.memory_space<vmem>>
      %dma_wait3A_221 = tpu.memref_squeeze %dma_wait3A_220 : memref<1x128x128xf32, #tpu.memory_space<vmem>> -> memref<128x128xf32, #tpu.memory_space<vmem>>
      %dma_wait3A_222 = arith.constant 0 : i32
      %dma_wait3A_223 = tpu.memref_slice %arg7[%add3A_13, %dma_wait3A_222] : memref<10240x128xf32, #tpu.memory_space<vmem_shared>> -> memref<128x128xf32, #tpu.memory_space<vmem_shared>>
      %dma_wait3A_224 = arith.constant 0 : i32
      %dma_wait3A_225 = tpu.memref_slice %arg7[%add3A_13, %dma_wait3A_224] : memref<10240x128xf32, #tpu.memory_space<vmem_shared>> -> memref<128x128xf32, #tpu.memory_space<vmem_shared>>
      %dma_wait3A_226 = arith.constant 0 : i32
      %dma_wait3A_227 = arith.constant 0 : i32
      %dma_wait3A_228 = tpu.memref_slice %arg6[%run_scoped3A_14, %dma_wait3A_226, %dma_wait3A_227] : memref<2x128x128xf32, #tpu.memory_space<vmem>> -> memref<1x128x128xf32, #tpu.memory_space<vmem>>
      %dma_wait3A_229 = tpu.memref_squeeze %dma_wait3A_228 : memref<1x128x128xf32, #tpu.memory_space<vmem>> -> memref<128x128xf32, #tpu.memory_space<vmem>>
      tpu.wait_dma2 semaphore(%run_scoped3A_205 : memref<!tpu.dma_semaphore, #tpu.memory_space<semaphore_mem>>) src(%dma_wait3A_229 : memref<128x128xf32, #tpu.memory_space<vmem>>) dst(%dma_wait3A_225 : memref<128x128xf32, #tpu.memory_space<vmem_shared>>)
      tpu.yield
    }) : () -> ()
    %mul3A_15 = arith.constant 640 : i32
    %mul3A_16 = arith.muli %arg1, %mul3A_15 : i32
    %add3A_17 = arith.constant 256 : i32
    %add3A_18 = arith.addi %mul3A_16, %add3A_17 : i32
    %run_scoped3A_19 = arith.constant 0 : i32
    "tpu.region"() ({
      %run_scoped3A_205 = tpu.sem_alloc : memref<!tpu.dma_semaphore, #tpu.memory_space<semaphore_mem>>
      %dma_start3A_206 = arith.constant 0 : i32
      %dma_start3A_207 = arith.constant 0 : i32
      %dma_start3A_208 = tpu.memref_slice %arg6[%run_scoped3A_19, %dma_start3A_206, %dma_start3A_207] : memref<2x128x128xf32, #tpu.memory_space<vmem>> -> memref<1x128x128xf32, #tpu.memory_space<vmem>>
      %dma_start3A_209 = tpu.memref_squeeze %dma_start3A_208 : memref<1x128x128xf32, #tpu.memory_space<vmem>> -> memref<128x128xf32, #tpu.memory_space<vmem>>
      %dma_start3A_210 = arith.constant 0 : i32
      %dma_start3A_211 = tpu.memref_slice %arg7[%add3A_18, %dma_start3A_210] : memref<10240x128xf32, #tpu.memory_space<vmem_shared>> -> memref<128x128xf32, #tpu.memory_space<vmem_shared>>
      %dma_start3A_212 = arith.constant 0 : i32
      %dma_start3A_213 = tpu.memref_slice %arg7[%add3A_18, %dma_start3A_212] : memref<10240x128xf32, #tpu.memory_space<vmem_shared>> -> memref<128x128xf32, #tpu.memory_space<vmem_shared>>
      %dma_start3A_214 = arith.constant 0 : i32
      %dma_start3A_215 = arith.constant 0 : i32
      %dma_start3A_216 = tpu.memref_slice %arg6[%run_scoped3A_19, %dma_start3A_214, %dma_start3A_215] : memref<2x128x128xf32, #tpu.memory_space<vmem>> -> memref<1x128x128xf32, #tpu.memory_space<vmem>>
      %dma_start3A_217 = tpu.memref_squeeze %dma_start3A_216 : memref<1x128x128xf32, #tpu.memory_space<vmem>> -> memref<128x128xf32, #tpu.memory_space<vmem>>
      tpu.enqueue_dma source(%dma_start3A_217 : memref<128x128xf32, #tpu.memory_space<vmem>>) target(%dma_start3A_213 : memref<128x128xf32, #tpu.memory_space<vmem_shared>>) target_semaphore(%run_scoped3A_205 : memref<!tpu.dma_semaphore, #tpu.memory_space<semaphore_mem>>)
      %dma_wait3A_218 = arith.constant 0 : i32
      %dma_wait3A_219 = arith.constant 0 : i32
      %dma_wait3A_220 = tpu.memref_slice %arg6[%run_scoped3A_19, %dma_wait3A_218, %dma_wait3A_219] : memref<2x128x128xf32, #tpu.memory_space<vmem>> -> memref<1x128x128xf32, #tpu.memory_space<vmem>>
      %dma_wait3A_221 = tpu.memref_squeeze %dma_wait3A_220 : memref<1x128x128xf32, #tpu.memory_space<vmem>> -> memref<128x128xf32, #tpu.memory_space<vmem>>
      %dma_wait3A_222 = arith.constant 0 : i32
      %dma_wait3A_223 = tpu.memref_slice %arg7[%add3A_18, %dma_wait3A_222] : memref<10240x128xf32, #tpu.memory_space<vmem_shared>> -> memref<128x128xf32, #tpu.memory_space<vmem_shared>>
      %dma_wait3A_224 = arith.constant 0 : i32
      %dma_wait3A_225 = tpu.memref_slice %arg7[%add3A_18, %dma_wait3A_224] : memref<10240x128xf32, #tpu.memory_space<vmem_shared>> -> memref<128x128xf32, #tpu.memory_space<vmem_shared>>
      %dma_wait3A_226 = arith.constant 0 : i32
      %dma_wait3A_227 = arith.constant 0 : i32
      %dma_wait3A_228 = tpu.memref_slice %arg6[%run_scoped3A_19, %dma_wait3A_226, %dma_wait3A_227] : memref<2x128x128xf32, #tpu.memory_space<vmem>> -> memref<1x128x128xf32, #tpu.memory_space<vmem>>
      %dma_wait3A_229 = tpu.memref_squeeze %dma_wait3A_228 : memref<1x128x128xf32, #tpu.memory_space<vmem>> -> memref<128x128xf32, #tpu.memory_space<vmem>>
      tpu.wait_dma2 semaphore(%run_scoped3A_205 : memref<!tpu.dma_semaphore, #tpu.memory_space<semaphore_mem>>) src(%dma_wait3A_229 : memref<128x128xf32, #tpu.memory_space<vmem>>) dst(%dma_wait3A_225 : memref<128x128xf32, #tpu.memory_space<vmem_shared>>)
      tpu.yield
    }) : () -> ()
    %mul3A_20 = arith.constant 640 : i32
    %mul3A_21 = arith.muli %arg1, %mul3A_20 : i32
    %add3A_22 = arith.constant 384 : i32
    %add3A_23 = arith.addi %mul3A_21, %add3A_22 : i32
    %run_scoped3A_24 = arith.constant 0 : i32
    "tpu.region"() ({
      %run_scoped3A_205 = tpu.sem_alloc : memref<!tpu.dma_semaphore, #tpu.memory_space<semaphore_mem>>
      %dma_start3A_206 = arith.constant 0 : i32
      %dma_start3A_207 = arith.constant 0 : i32
      %dma_start3A_208 = tpu.memref_slice %arg6[%run_scoped3A_24, %dma_start3A_206, %dma_start3A_207] : memref<2x128x128xf32, #tpu.memory_space<vmem>> -> memref<1x128x128xf32, #tpu.memory_space<vmem>>
      %dma_start3A_209 = tpu.memref_squeeze %dma_start3A_208 : memref<1x128x128xf32, #tpu.memory_space<vmem>> -> memref<128x128xf32, #tpu.memory_space<vmem>>
      %dma_start3A_210 = arith.constant 0 : i32
      %dma_start3A_211 = tpu.memref_slice %arg7[%add3A_23, %dma_start3A_210] : memref<10240x128xf32, #tpu.memory_space<vmem_shared>> -> memref<128x128xf32, #tpu.memory_space<vmem_shared>>
      %dma_start3A_212 = arith.constant 0 : i32
      %dma_start3A_213 = tpu.memref_slice %arg7[%add3A_23, %dma_start3A_212] : memref<10240x128xf32, #tpu.memory_space<vmem_shared>> -> memref<128x128xf32, #tpu.memory_space<vmem_shared>>
      %dma_start3A_214 = arith.constant 0 : i32
      %dma_start3A_215 = arith.constant 0 : i32
      %dma_start3A_216 = tpu.memref_slice %arg6[%run_scoped3A_24, %dma_start3A_214, %dma_start3A_215] : memref<2x128x128xf32, #tpu.memory_space<vmem>> -> memref<1x128x128xf32, #tpu.memory_space<vmem>>
      %dma_start3A_217 = tpu.memref_squeeze %dma_start3A_216 : memref<1x128x128xf32, #tpu.memory_space<vmem>> -> memref<128x128xf32, #tpu.memory_space<vmem>>
      tpu.enqueue_dma source(%dma_start3A_217 : memref<128x128xf32, #tpu.memory_space<vmem>>) target(%dma_start3A_213 : memref<128x128xf32, #tpu.memory_space<vmem_shared>>) target_semaphore(%run_scoped3A_205 : memref<!tpu.dma_semaphore, #tpu.memory_space<semaphore_mem>>)
      %dma_wait3A_218 = arith.constant 0 : i32
      %dma_wait3A_219 = arith.constant 0 : i32
      %dma_wait3A_220 = tpu.memref_slice %arg6[%run_scoped3A_24, %dma_wait3A_218, %dma_wait3A_219] : memref<2x128x128xf32, #tpu.memory_space<vmem>> -> memref<1x128x128xf32, #tpu.memory_space<vmem>>
      %dma_wait3A_221 = tpu.memref_squeeze %dma_wait3A_220 : memref<1x128x128xf32, #tpu.memory_space<vmem>> -> memref<128x128xf32, #tpu.memory_space<vmem>>
      %dma_wait3A_222 = arith.constant 0 : i32
      %dma_wait3A_223 = tpu.memref_slice %arg7[%add3A_23, %dma_wait3A_222] : memref<10240x128xf32, #tpu.memory_space<vmem_shared>> -> memref<128x128xf32, #tpu.memory_space<vmem_shared>>
      %dma_wait3A_224 = arith.constant 0 : i32
      %dma_wait3A_225 = tpu.memref_slice %arg7[%add3A_23, %dma_wait3A_224] : memref<10240x128xf32, #tpu.memory_space<vmem_shared>> -> memref<128x128xf32, #tpu.memory_space<vmem_shared>>
      %dma_wait3A_226 = arith.constant 0 : i32
      %dma_wait3A_227 = arith.constant 0 : i32
      %dma_wait3A_228 = tpu.memref_slice %arg6[%run_scoped3A_24, %dma_wait3A_226, %dma_wait3A_227] : memref<2x128x128xf32, #tpu.memory_space<vmem>> -> memref<1x128x128xf32, #tpu.memory_space<vmem>>
      %dma_wait3A_229 = tpu.memref_squeeze %dma_wait3A_228 : memref<1x128x128xf32, #tpu.memory_space<vmem>> -> memref<128x128xf32, #tpu.memory_space<vmem>>
      tpu.wait_dma2 semaphore(%run_scoped3A_205 : memref<!tpu.dma_semaphore, #tpu.memory_space<semaphore_mem>>) src(%dma_wait3A_229 : memref<128x128xf32, #tpu.memory_space<vmem>>) dst(%dma_wait3A_225 : memref<128x128xf32, #tpu.memory_space<vmem_shared>>)
      tpu.yield
    }) : () -> ()
    %mul3A_25 = arith.constant 640 : i32
    %mul3A_26 = arith.muli %arg1, %mul3A_25 : i32
    %add3A_27 = arith.constant 512 : i32
    %add3A_28 = arith.addi %mul3A_26, %add3A_27 : i32
    %run_scoped3A_29 = arith.constant 0 : i32
    "tpu.region"() ({
      %run_scoped3A_205 = tpu.sem_alloc : memref<!tpu.dma_semaphore, #tpu.memory_space<semaphore_mem>>
      %dma_start3A_206 = arith.constant 0 : i32
      %dma_start3A_207 = arith.constant 0 : i32
      %dma_start3A_208 = tpu.memref_slice %arg6[%run_scoped3A_29, %dma_start3A_206, %dma_start3A_207] : memref<2x128x128xf32, #tpu.memory_space<vmem>> -> memref<1x128x128xf32, #tpu.memory_space<vmem>>
      %dma_start3A_209 = tpu.memref_squeeze %dma_start3A_208 : memref<1x128x128xf32, #tpu.memory_space<vmem>> -> memref<128x128xf32, #tpu.memory_space<vmem>>
      %dma_start3A_210 = arith.constant 0 : i32
      %dma_start3A_211 = tpu.memref_slice %arg7[%add3A_28, %dma_start3A_210] : memref<10240x128xf32, #tpu.memory_space<vmem_shared>> -> memref<128x128xf32, #tpu.memory_space<vmem_shared>>
      %dma_start3A_212 = arith.constant 0 : i32
      %dma_start3A_213 = tpu.memref_slice %arg7[%add3A_28, %dma_start3A_212] : memref<10240x128xf32, #tpu.memory_space<vmem_shared>> -> memref<128x128xf32, #tpu.memory_space<vmem_shared>>
      %dma_start3A_214 = arith.constant 0 : i32
      %dma_start3A_215 = arith.constant 0 : i32
      %dma_start3A_216 = tpu.memref_slice %arg6[%run_scoped3A_29, %dma_start3A_214, %dma_start3A_215] : memref<2x128x128xf32, #tpu.memory_space<vmem>> -> memref<1x128x128xf32, #tpu.memory_space<vmem>>
      %dma_start3A_217 = tpu.memref_squeeze %dma_start3A_216 : memref<1x128x128xf32, #tpu.memory_space<vmem>> -> memref<128x128xf32, #tpu.memory_space<vmem>>
      tpu.enqueue_dma source(%dma_start3A_217 : memref<128x128xf32, #tpu.memory_space<vmem>>) target(%dma_start3A_213 : memref<128x128xf32, #tpu.memory_space<vmem_shared>>) target_semaphore(%run_scoped3A_205 : memref<!tpu.dma_semaphore, #tpu.memory_space<semaphore_mem>>)
      %dma_wait3A_218 = arith.constant 0 : i32
      %dma_wait3A_219 = arith.constant 0 : i32
      %dma_wait3A_220 = tpu.memref_slice %arg6[%run_scoped3A_29, %dma_wait3A_218, %dma_wait3A_219] : memref<2x128x128xf32, #tpu.memory_space<vmem>> -> memref<1x128x128xf32, #tpu.memory_space<vmem>>
      %dma_wait3A_221 = tpu.memref_squeeze %dma_wait3A_220 : memref<1x128x128xf32, #tpu.memory_space<vmem>> -> memref<128x128xf32, #tpu.memory_space<vmem>>
      %dma_wait3A_222 = arith.constant 0 : i32
      %dma_wait3A_223 = tpu.memref_slice %arg7[%add3A_28, %dma_wait3A_222] : memref<10240x128xf32, #tpu.memory_space<vmem_shared>> -> memref<128x128xf32, #tpu.memory_space<vmem_shared>>
      %dma_wait3A_224 = arith.constant 0 : i32
      %dma_wait3A_225 = tpu.memref_slice %arg7[%add3A_28, %dma_wait3A_224] : memref<10240x128xf32, #tpu.memory_space<vmem_shared>> -> memref<128x128xf32, #tpu.memory_space<vmem_shared>>
      %dma_wait3A_226 = arith.constant 0 : i32
      %dma_wait3A_227 = arith.constant 0 : i32
      %dma_wait3A_228 = tpu.memref_slice %arg6[%run_scoped3A_29, %dma_wait3A_226, %dma_wait3A_227] : memref<2x128x128xf32, #tpu.memory_space<vmem>> -> memref<1x128x128xf32, #tpu.memory_space<vmem>>
      %dma_wait3A_229 = tpu.memref_squeeze %dma_wait3A_228 : memref<1x128x128xf32, #tpu.memory_space<vmem>> -> memref<128x128xf32, #tpu.memory_space<vmem>>
      tpu.wait_dma2 semaphore(%run_scoped3A_205 : memref<!tpu.dma_semaphore, #tpu.memory_space<semaphore_mem>>) src(%dma_wait3A_229 : memref<128x128xf32, #tpu.memory_space<vmem>>) dst(%dma_wait3A_225 : memref<128x128xf32, #tpu.memory_space<vmem_shared>>)
      tpu.yield
    }) : () -> ()
    %barrier3A = arith.constant 0 : index
    tpu.barrier barrier_id(%barrier3A)
    %dma_start3A = arith.constant 0 : i32
    %dma_start3A_30 = arith.constant 0 : i32
    %dma_start3A_31 = arith.constant 0 : i32
    %dma_start3A_32 = arith.constant 0 : i32
    %dma_start3A_33 = tpu.memref_slice %arg5[%dma_start3A_30, %dma_start3A_31, %dma_start3A_32] : memref<2x2x128xi32, #tpu.memory_space<vmem>> -> memref<1x2x128xi32, #tpu.memory_space<vmem>>
    %dma_start3A_34 = tpu.memref_squeeze %dma_start3A_33 : memref<1x2x128xi32, #tpu.memory_space<vmem>> -> memref<2x128xi32, #tpu.memory_space<vmem>>
    %dma_start3A_35 = arith.constant 0 : i32
    %dma_start3A_36 = arith.constant 0 : i32
    %dma_start3A_37 = tpu.memref_slice %arg3[%add3A, %dma_start3A, %dma_start3A_35, %dma_start3A_36] : memref<32x80x2x128xi32, #tpu.memory_space<hbm>> -> memref<1x1x2x128xi32, #tpu.memory_space<hbm>>
    %dma_start3A_38 = tpu.memref_squeeze %dma_start3A_37 : memref<1x1x2x128xi32, #tpu.memory_space<hbm>> -> memref<2x128xi32, #tpu.memory_space<hbm>>
    %dma_start3A_39 = arith.constant 0 : i32
    %dma_start3A_40 = arith.constant 0 : i32
    %dma_start3A_41 = tpu.memref_slice %arg5[%dma_start3A_30, %dma_start3A_39, %dma_start3A_40] : memref<2x2x128xi32, #tpu.memory_space<vmem>> -> memref<1x2x128xi32, #tpu.memory_space<vmem>>
    %dma_start3A_42 = tpu.memref_squeeze %dma_start3A_41 : memref<1x2x128xi32, #tpu.memory_space<vmem>> -> memref<2x128xi32, #tpu.memory_space<vmem>>
    %dma_start3A_43 = arith.constant 0 : i32
    %dma_start3A_44 = arith.constant 0 : i32
    %dma_start3A_45 = tpu.memref_slice %arg3[%add3A, %dma_start3A, %dma_start3A_43, %dma_start3A_44] : memref<32x80x2x128xi32, #tpu.memory_space<hbm>> -> memref<1x1x2x128xi32, #tpu.memory_space<hbm>>
    %dma_start3A_46 = tpu.memref_squeeze %dma_start3A_45 : memref<1x1x2x128xi32, #tpu.memory_space<hbm>> -> memref<2x128xi32, #tpu.memory_space<hbm>>
    tpu.enqueue_dma source(%dma_start3A_46 : memref<2x128xi32, #tpu.memory_space<hbm>>) target(%dma_start3A_42 : memref<2x128xi32, #tpu.memory_space<vmem>>) target_semaphore(%arg10 : memref<!tpu.dma_semaphore, #tpu.memory_space<semaphore_mem>>)
    %dma_start3A_47 = arith.constant 1 : i32
    %dma_start3A_48 = arith.constant 1 : i32
    %dma_start3A_49 = arith.constant 0 : i32
    %dma_start3A_50 = arith.constant 0 : i32
    %dma_start3A_51 = tpu.memref_slice %arg5[%dma_start3A_48, %dma_start3A_49, %dma_start3A_50] : memref<2x2x128xi32, #tpu.memory_space<vmem>> -> memref<1x2x128xi32, #tpu.memory_space<vmem>>
    %dma_start3A_52 = tpu.memref_squeeze %dma_start3A_51 : memref<1x2x128xi32, #tpu.memory_space<vmem>> -> memref<2x128xi32, #tpu.memory_space<vmem>>
    %dma_start3A_53 = arith.constant 0 : i32
    %dma_start3A_54 = arith.constant 0 : i32
    %dma_start3A_55 = tpu.memref_slice %arg3[%add3A, %dma_start3A_47, %dma_start3A_53, %dma_start3A_54] : memref<32x80x2x128xi32, #tpu.memory_space<hbm>> -> memref<1x1x2x128xi32, #tpu.memory_space<hbm>>
    %dma_start3A_56 = tpu.memref_squeeze %dma_start3A_55 : memref<1x1x2x128xi32, #tpu.memory_space<hbm>> -> memref<2x128xi32, #tpu.memory_space<hbm>>
    %dma_start3A_57 = arith.constant 0 : i32
    %dma_start3A_58 = arith.constant 0 : i32
    %dma_start3A_59 = tpu.memref_slice %arg5[%dma_start3A_48, %dma_start3A_57, %dma_start3A_58] : memref<2x2x128xi32, #tpu.memory_space<vmem>> -> memref<1x2x128xi32, #tpu.memory_space<vmem>>
    %dma_start3A_60 = tpu.memref_squeeze %dma_start3A_59 : memref<1x2x128xi32, #tpu.memory_space<vmem>> -> memref<2x128xi32, #tpu.memory_space<vmem>>
    %dma_start3A_61 = arith.constant 0 : i32
    %dma_start3A_62 = arith.constant 0 : i32
    %dma_start3A_63 = tpu.memref_slice %arg3[%add3A, %dma_start3A_47, %dma_start3A_61, %dma_start3A_62] : memref<32x80x2x128xi32, #tpu.memory_space<hbm>> -> memref<1x1x2x128xi32, #tpu.memory_space<hbm>>
    %dma_start3A_64 = tpu.memref_squeeze %dma_start3A_63 : memref<1x1x2x128xi32, #tpu.memory_space<hbm>> -> memref<2x128xi32, #tpu.memory_space<hbm>>
    tpu.enqueue_dma source(%dma_start3A_64 : memref<2x128xi32, #tpu.memory_space<hbm>>) target(%dma_start3A_60 : memref<2x128xi32, #tpu.memory_space<vmem>>) target_semaphore(%arg11 : memref<!tpu.dma_semaphore, #tpu.memory_space<semaphore_mem>>)
    %dma_wait3A = arith.constant 0 : i32
    %dma_wait3A_65 = arith.constant 0 : i32
    %dma_wait3A_66 = arith.constant 0 : i32
    %dma_wait3A_67 = arith.constant 0 : i32
    %dma_wait3A_68 = tpu.memref_slice %arg5[%dma_wait3A_65, %dma_wait3A_66, %dma_wait3A_67] : memref<2x2x128xi32, #tpu.memory_space<vmem>> -> memref<1x2x128xi32, #tpu.memory_space<vmem>>
    %dma_wait3A_69 = tpu.memref_squeeze %dma_wait3A_68 : memref<1x2x128xi32, #tpu.memory_space<vmem>> -> memref<2x128xi32, #tpu.memory_space<vmem>>
    %dma_wait3A_70 = arith.constant 0 : i32
    %dma_wait3A_71 = arith.constant 0 : i32
    %dma_wait3A_72 = tpu.memref_slice %arg3[%add3A, %dma_wait3A, %dma_wait3A_70, %dma_wait3A_71] : memref<32x80x2x128xi32, #tpu.memory_space<hbm>> -> memref<1x1x2x128xi32, #tpu.memory_space<hbm>>
    %dma_wait3A_73 = tpu.memref_squeeze %dma_wait3A_72 : memref<1x1x2x128xi32, #tpu.memory_space<hbm>> -> memref<2x128xi32, #tpu.memory_space<hbm>>
    %dma_wait3A_74 = arith.constant 0 : i32
    %dma_wait3A_75 = arith.constant 0 : i32
    %dma_wait3A_76 = tpu.memref_slice %arg5[%dma_wait3A_65, %dma_wait3A_74, %dma_wait3A_75] : memref<2x2x128xi32, #tpu.memory_space<vmem>> -> memref<1x2x128xi32, #tpu.memory_space<vmem>>
    %dma_wait3A_77 = tpu.memref_squeeze %dma_wait3A_76 : memref<1x2x128xi32, #tpu.memory_space<vmem>> -> memref<2x128xi32, #tpu.memory_space<vmem>>
    %dma_wait3A_78 = arith.constant 0 : i32
    %dma_wait3A_79 = arith.constant 0 : i32
    %dma_wait3A_80 = tpu.memref_slice %arg3[%add3A, %dma_wait3A, %dma_wait3A_78, %dma_wait3A_79] : memref<32x80x2x128xi32, #tpu.memory_space<hbm>> -> memref<1x1x2x128xi32, #tpu.memory_space<hbm>>
    %dma_wait3A_81 = tpu.memref_squeeze %dma_wait3A_80 : memref<1x1x2x128xi32, #tpu.memory_space<hbm>> -> memref<2x128xi32, #tpu.memory_space<hbm>>
    tpu.wait_dma2 semaphore(%arg10 : memref<!tpu.dma_semaphore, #tpu.memory_space<semaphore_mem>>) src(%dma_wait3A_81 : memref<2x128xi32, #tpu.memory_space<hbm>>) dst(%dma_wait3A_77 : memref<2x128xi32, #tpu.memory_space<vmem>>)
    %dma_start3A_82 = arith.constant 0 : i32
    %dma_start3A_83 = arith.constant 0 : i32
    %dma_start3A_84 = arith.constant 0 : i32
    %dma_start3A_85 = arith.constant 0 : i32
    %dma_start3A_86 = arith.constant 0 : i32
    %dma_start3A_87 = tpu.memref_slice %arg6[%dma_start3A_84, %dma_start3A_85, %dma_start3A_86] : memref<2x128x128xf32, #tpu.memory_space<vmem>> -> memref<1x128x128xf32, #tpu.memory_space<vmem>>
    %dma_start3A_88 = tpu.memref_squeeze %dma_start3A_87 : memref<1x128x128xf32, #tpu.memory_space<vmem>> -> memref<128x128xf32, #tpu.memory_space<vmem>>
    %dma_start3A_89 = arith.constant 0 : i32
    %dma_start3A_90 = tpu.memref_slice %arg5[%dma_start3A_82, %dma_start3A_83, %dma_start3A_89] : memref<2x2x128xi32, #tpu.memory_space<vmem>> -> memref<1x1x128xi32, #tpu.memory_space<vmem>>
    %dma_start3A_91 = tpu.memref_squeeze %dma_start3A_90 : memref<1x1x128xi32, #tpu.memory_space<vmem>> -> memref<128xi32, #tpu.memory_space<vmem>>
    %dma_start3A_92 = arith.constant 0 : i32
    %dma_start3A_93 = arith.constant 0 : i32
    %dma_start3A_94 = tpu.memref_slice %arg2[%dma_start3A_92, %dma_start3A_93] : memref<10000x128xf32, #tpu.memory_space<hbm>> -> memref<10000x128xf32, #tpu.memory_space<hbm>>
    tpu.enqueue_indirect_dma source(%dma_start3A_94 : memref<10000x128xf32, #tpu.memory_space<hbm>>) target(%dma_start3A_88 : memref<128x128xf32, #tpu.memory_space<vmem>>) offsets(%dma_start3A_91 : memref<128xi32, #tpu.memory_space<vmem>>) semaphore(%arg8 : memref<!tpu.dma_semaphore, #tpu.memory_space<semaphore_mem>>)
    %scan3A_95 = arith.constant 0 : i32
    %scan3A_96 = arith.constant 0 : i32
    %scan3A_97 = arith.constant 39 : i32
    %scan3A_98 = arith.addi %scan3A_96, %scan3A_97 : i32
    %scan3A_99 = arith.constant 1 : i32
    scf.for %scan3A_205 = %scan3A_96 to %scan3A_98 step %scan3A_99  : i32 {
      %mul3A_206 = arith.constant 2 : i32
      %mul3A_207 = arith.muli %scan3A_205, %mul3A_206 : i32
      %add3A_208 = arith.constant 0 : i32
      %add3A_209 = arith.addi %mul3A_207, %add3A_208 : i32
      %add3A_210 = arith.constant 1 : i32
      %add3A_211 = arith.addi %add3A_209, %add3A_210 : i32
      %dma_wait3A_212 = arith.constant 1 : i32
      %dma_wait3A_213 = arith.constant 0 : i32
      %dma_wait3A_214 = arith.constant 0 : i32
      %dma_wait3A_215 = tpu.memref_slice %arg5[%dma_wait3A_212, %dma_wait3A_213, %dma_wait3A_214] : memref<2x2x128xi32, #tpu.memory_space<vmem>> -> memref<1x2x128xi32, #tpu.memory_space<vmem>>
      %dma_wait3A_216 = tpu.memref_squeeze %dma_wait3A_215 : memref<1x2x128xi32, #tpu.memory_space<vmem>> -> memref<2x128xi32, #tpu.memory_space<vmem>>
      %dma_wait3A_217 = arith.constant 0 : i32
      %dma_wait3A_218 = arith.constant 0 : i32
      %dma_wait3A_219 = tpu.memref_slice %arg3[%add3A, %add3A_211, %dma_wait3A_217, %dma_wait3A_218] : memref<32x80x2x128xi32, #tpu.memory_space<hbm>> -> memref<1x1x2x128xi32, #tpu.memory_space<hbm>>
      %dma_wait3A_220 = tpu.memref_squeeze %dma_wait3A_219 : memref<1x1x2x128xi32, #tpu.memory_space<hbm>> -> memref<2x128xi32, #tpu.memory_space<hbm>>
      %dma_wait3A_221 = arith.constant 0 : i32
      %dma_wait3A_222 = arith.constant 0 : i32
      %dma_wait3A_223 = tpu.memref_slice %arg5[%dma_wait3A_212, %dma_wait3A_221, %dma_wait3A_222] : memref<2x2x128xi32, #tpu.memory_space<vmem>> -> memref<1x2x128xi32, #tpu.memory_space<vmem>>
      %dma_wait3A_224 = tpu.memref_squeeze %dma_wait3A_223 : memref<1x2x128xi32, #tpu.memory_space<vmem>> -> memref<2x128xi32, #tpu.memory_space<vmem>>
      %dma_wait3A_225 = arith.constant 0 : i32
      %dma_wait3A_226 = arith.constant 0 : i32
      %dma_wait3A_227 = tpu.memref_slice %arg3[%add3A, %add3A_211, %dma_wait3A_225, %dma_wait3A_226] : memref<32x80x2x128xi32, #tpu.memory_space<hbm>> -> memref<1x1x2x128xi32, #tpu.memory_space<hbm>>
      %dma_wait3A_228 = tpu.memref_squeeze %dma_wait3A_227 : memref<1x1x2x128xi32, #tpu.memory_space<hbm>> -> memref<2x128xi32, #tpu.memory_space<hbm>>
      tpu.wait_dma2 semaphore(%arg11 : memref<!tpu.dma_semaphore, #tpu.memory_space<semaphore_mem>>) src(%dma_wait3A_228 : memref<2x128xi32, #tpu.memory_space<hbm>>) dst(%dma_wait3A_224 : memref<2x128xi32, #tpu.memory_space<vmem>>)
      %dma_start3A_229 = arith.constant 1 : i32
      %dma_start3A_230 = arith.constant 0 : i32
      %dma_start3A_231 = arith.constant 1 : i32
      %dma_start3A_232 = arith.constant 0 : i32
      %dma_start3A_233 = arith.constant 0 : i32
      %dma_start3A_234 = tpu.memref_slice %arg6[%dma_start3A_231, %dma_start3A_232, %dma_start3A_233] : memref<2x128x128xf32, #tpu.memory_space<vmem>> -> memref<1x128x128xf32, #tpu.memory_space<vmem>>
      %dma_start3A_235 = tpu.memref_squeeze %dma_start3A_234 : memref<1x128x128xf32, #tpu.memory_space<vmem>> -> memref<128x128xf32, #tpu.memory_space<vmem>>
      %dma_start3A_236 = arith.constant 0 : i32
      %dma_start3A_237 = tpu.memref_slice %arg5[%dma_start3A_229, %dma_start3A_230, %dma_start3A_236] : memref<2x2x128xi32, #tpu.memory_space<vmem>> -> memref<1x1x128xi32, #tpu.memory_space<vmem>>
      %dma_start3A_238 = tpu.memref_squeeze %dma_start3A_237 : memref<1x1x128xi32, #tpu.memory_space<vmem>> -> memref<128xi32, #tpu.memory_space<vmem>>
      %dma_start3A_239 = arith.constant 0 : i32
      %dma_start3A_240 = arith.constant 0 : i32
      %dma_start3A_241 = tpu.memref_slice %arg2[%dma_start3A_239, %dma_start3A_240] : memref<10000x128xf32, #tpu.memory_space<hbm>> -> memref<10000x128xf32, #tpu.memory_space<hbm>>
      tpu.enqueue_indirect_dma source(%dma_start3A_241 : memref<10000x128xf32, #tpu.memory_space<hbm>>) target(%dma_start3A_235 : memref<128x128xf32, #tpu.memory_space<vmem>>) offsets(%dma_start3A_238 : memref<128xi32, #tpu.memory_space<vmem>>) semaphore(%arg9 : memref<!tpu.dma_semaphore, #tpu.memory_space<semaphore_mem>>)
      %dma_wait3A_242 = arith.constant 0 : i32
      %dma_wait3A_243 = arith.constant 0 : i32
      %dma_wait3A_244 = arith.constant 0 : i32
      %dma_wait3A_245 = arith.constant 0 : i32
      %dma_wait3A_246 = arith.constant 0 : i32
      %dma_wait3A_247 = tpu.memref_slice %arg6[%dma_wait3A_244, %dma_wait3A_245, %dma_wait3A_246] : memref<2x128x128xf32, #tpu.memory_space<vmem>> -> memref<1x128x128xf32, #tpu.memory_space<vmem>>
      %dma_wait3A_248 = tpu.memref_squeeze %dma_wait3A_247 : memref<1x128x128xf32, #tpu.memory_space<vmem>> -> memref<128x128xf32, #tpu.memory_space<vmem>>
      %dma_wait3A_249 = arith.constant 0 : i32
      %dma_wait3A_250 = tpu.memref_slice %arg5[%dma_wait3A_242, %dma_wait3A_243, %dma_wait3A_249] : memref<2x2x128xi32, #tpu.memory_space<vmem>> -> memref<1x1x128xi32, #tpu.memory_space<vmem>>
      %dma_wait3A_251 = tpu.memref_squeeze %dma_wait3A_250 : memref<1x1x128xi32, #tpu.memory_space<vmem>> -> memref<128xi32, #tpu.memory_space<vmem>>
      %dma_wait3A_252 = arith.constant 0 : i32
      %dma_wait3A_253 = arith.constant 0 : i32
      %dma_wait3A_254 = tpu.memref_slice %arg2[%dma_wait3A_252, %dma_wait3A_253] : memref<10000x128xf32, #tpu.memory_space<hbm>> -> memref<10000x128xf32, #tpu.memory_space<hbm>>
      tpu.wait_indirect_dma semaphore(%arg8 : memref<!tpu.dma_semaphore, #tpu.memory_space<semaphore_mem>>) src(%dma_wait3A_254 : memref<10000x128xf32, #tpu.memory_space<hbm>>) dst(%dma_wait3A_248 : memref<128x128xf32, #tpu.memory_space<vmem>>)
      %run_scoped3A_255 = arith.constant 0 : i32
      %run_scoped3A_256 = arith.constant 0 : i32
      %run_scoped3A_257 = arith.constant 1 : i32
      "tpu.region"() ({
        %run_scoped3A_346 = tpu.sem_alloc : memref<!tpu.dma_semaphore, #tpu.memory_space<semaphore_mem>>
        %dma_start3A_347 = arith.constant 0 : i32
        %dma_start3A_348 = arith.constant 0 : i32
        %dma_start3A_349 = tpu.memref_slice %arg6[%run_scoped3A_255, %dma_start3A_347, %dma_start3A_348] : memref<2x128x128xf32, #tpu.memory_space<vmem>> -> memref<1x128x128xf32, #tpu.memory_space<vmem>>
        %dma_start3A_350 = tpu.memref_squeeze %dma_start3A_349 : memref<1x128x128xf32, #tpu.memory_space<vmem>> -> memref<128x128xf32, #tpu.memory_space<vmem>>
        %dma_start3A_351 = arith.constant 0 : i32
        %dma_start3A_352 = tpu.memref_slice %arg5[%run_scoped3A_256, %run_scoped3A_257, %dma_start3A_351] : memref<2x2x128xi32, #tpu.memory_space<vmem>> -> memref<1x1x128xi32, #tpu.memory_space<vmem>>
        %dma_start3A_353 = tpu.memref_squeeze %dma_start3A_352 : memref<1x1x128xi32, #tpu.memory_space<vmem>> -> memref<128xi32, #tpu.memory_space<vmem>>
        %dma_start3A_354 = arith.constant 0 : i32
        %dma_start3A_355 = arith.constant 0 : i32
        %dma_start3A_356 = tpu.memref_slice %arg7[%dma_start3A_354, %dma_start3A_355] : memref<10240x128xf32, #tpu.memory_space<vmem_shared>> -> memref<10240x128xf32, #tpu.memory_space<vmem_shared>>
        tpu.enqueue_indirect_dma source(%dma_start3A_350 : memref<128x128xf32, #tpu.memory_space<vmem>>) target(%dma_start3A_356 : memref<10240x128xf32, #tpu.memory_space<vmem_shared>>) offsets(%dma_start3A_353 : memref<128xi32, #tpu.memory_space<vmem>>) semaphore(%run_scoped3A_346 : memref<!tpu.dma_semaphore, #tpu.memory_space<semaphore_mem>>) {add = true}
        %dma_wait3A_357 = arith.constant 0 : i32
        %dma_wait3A_358 = arith.constant 0 : i32
        %dma_wait3A_359 = tpu.memref_slice %arg6[%run_scoped3A_255, %dma_wait3A_357, %dma_wait3A_358] : memref<2x128x128xf32, #tpu.memory_space<vmem>> -> memref<1x128x128xf32, #tpu.memory_space<vmem>>
        %dma_wait3A_360 = tpu.memref_squeeze %dma_wait3A_359 : memref<1x128x128xf32, #tpu.memory_space<vmem>> -> memref<128x128xf32, #tpu.memory_space<vmem>>
        %dma_wait3A_361 = arith.constant 0 : i32
        %dma_wait3A_362 = tpu.memref_slice %arg5[%run_scoped3A_256, %run_scoped3A_257, %dma_wait3A_361] : memref<2x2x128xi32, #tpu.memory_space<vmem>> -> memref<1x1x128xi32, #tpu.memory_space<vmem>>
        %dma_wait3A_363 = tpu.memref_squeeze %dma_wait3A_362 : memref<1x1x128xi32, #tpu.memory_space<vmem>> -> memref<128xi32, #tpu.memory_space<vmem>>
        %dma_wait3A_364 = arith.constant 0 : i32
        %dma_wait3A_365 = arith.constant 0 : i32
        %dma_wait3A_366 = tpu.memref_slice %arg7[%dma_wait3A_364, %dma_wait3A_365] : memref<10240x128xf32, #tpu.memory_space<vmem_shared>> -> memref<10240x128xf32, #tpu.memory_space<vmem_shared>>
        tpu.wait_indirect_dma semaphore(%run_scoped3A_346 : memref<!tpu.dma_semaphore, #tpu.memory_space<semaphore_mem>>) src(%dma_wait3A_360 : memref<128x128xf32, #tpu.memory_space<vmem>>) dst(%dma_wait3A_366 : memref<10240x128xf32, #tpu.memory_space<vmem_shared>>)
        tpu.yield
      }) : () -> ()
      %add3A_258 = arith.constant 2 : i32
      %add3A_259 = arith.addi %add3A_209, %add3A_258 : i32
      %dma_start3A_260 = arith.constant 0 : i32
      %dma_start3A_261 = arith.constant 0 : i32
      %dma_start3A_262 = arith.constant 0 : i32
      %dma_start3A_263 = tpu.memref_slice %arg5[%dma_start3A_260, %dma_start3A_261, %dma_start3A_262] : memref<2x2x128xi32, #tpu.memory_space<vmem>> -> memref<1x2x128xi32, #tpu.memory_space<vmem>>
      %dma_start3A_264 = tpu.memref_squeeze %dma_start3A_263 : memref<1x2x128xi32, #tpu.memory_space<vmem>> -> memref<2x128xi32, #tpu.memory_space<vmem>>
      %dma_start3A_265 = arith.constant 0 : i32
      %dma_start3A_266 = arith.constant 0 : i32
      %dma_start3A_267 = tpu.memref_slice %arg3[%add3A, %add3A_259, %dma_start3A_265, %dma_start3A_266] : memref<32x80x2x128xi32, #tpu.memory_space<hbm>> -> memref<1x1x2x128xi32, #tpu.memory_space<hbm>>
      %dma_start3A_268 = tpu.memref_squeeze %dma_start3A_267 : memref<1x1x2x128xi32, #tpu.memory_space<hbm>> -> memref<2x128xi32, #tpu.memory_space<hbm>>
      %dma_start3A_269 = arith.constant 0 : i32
      %dma_start3A_270 = arith.constant 0 : i32
      %dma_start3A_271 = tpu.memref_slice %arg5[%dma_start3A_260, %dma_start3A_269, %dma_start3A_270] : memref<2x2x128xi32, #tpu.memory_space<vmem>> -> memref<1x2x128xi32, #tpu.memory_space<vmem>>
      %dma_start3A_272 = tpu.memref_squeeze %dma_start3A_271 : memref<1x2x128xi32, #tpu.memory_space<vmem>> -> memref<2x128xi32, #tpu.memory_space<vmem>>
      %dma_start3A_273 = arith.constant 0 : i32
      %dma_start3A_274 = arith.constant 0 : i32
      %dma_start3A_275 = tpu.memref_slice %arg3[%add3A, %add3A_259, %dma_start3A_273, %dma_start3A_274] : memref<32x80x2x128xi32, #tpu.memory_space<hbm>> -> memref<1x1x2x128xi32, #tpu.memory_space<hbm>>
      %dma_start3A_276 = tpu.memref_squeeze %dma_start3A_275 : memref<1x1x2x128xi32, #tpu.memory_space<hbm>> -> memref<2x128xi32, #tpu.memory_space<hbm>>
      tpu.enqueue_dma source(%dma_start3A_276 : memref<2x128xi32, #tpu.memory_space<hbm>>) target(%dma_start3A_272 : memref<2x128xi32, #tpu.memory_space<vmem>>) target_semaphore(%arg10 : memref<!tpu.dma_semaphore, #tpu.memory_space<semaphore_mem>>)
      %add3A_277 = arith.constant 1 : i32
      %add3A_278 = arith.addi %mul3A_207, %add3A_277 : i32
      %add3A_279 = arith.constant 1 : i32
      %add3A_280 = arith.addi %add3A_278, %add3A_279 : i32
      %dma_wait3A_281 = arith.constant 0 : i32
      %dma_wait3A_282 = arith.constant 0 : i32
      %dma_wait3A_283 = arith.constant 0 : i32
      %dma_wait3A_284 = tpu.memref_slice %arg5[%dma_wait3A_281, %dma_wait3A_282, %dma_wait3A_283] : memref<2x2x128xi32, #tpu.memory_space<vmem>> -> memref<1x2x128xi32, #tpu.memory_space<vmem>>
      %dma_wait3A_285 = tpu.memref_squeeze %dma_wait3A_284 : memref<1x2x128xi32, #tpu.memory_space<vmem>> -> memref<2x128xi32, #tpu.memory_space<vmem>>
      %dma_wait3A_286 = arith.constant 0 : i32
      %dma_wait3A_287 = arith.constant 0 : i32
      %dma_wait3A_288 = tpu.memref_slice %arg3[%add3A, %add3A_280, %dma_wait3A_286, %dma_wait3A_287] : memref<32x80x2x128xi32, #tpu.memory_space<hbm>> -> memref<1x1x2x128xi32, #tpu.memory_space<hbm>>
      %dma_wait3A_289 = tpu.memref_squeeze %dma_wait3A_288 : memref<1x1x2x128xi32, #tpu.memory_space<hbm>> -> memref<2x128xi32, #tpu.memory_space<hbm>>
      %dma_wait3A_290 = arith.constant 0 : i32
      %dma_wait3A_291 = arith.constant 0 : i32
      %dma_wait3A_292 = tpu.memref_slice %arg5[%dma_wait3A_281, %dma_wait3A_290, %dma_wait3A_291] : memref<2x2x128xi32, #tpu.memory_space<vmem>> -> memref<1x2x128xi32, #tpu.memory_space<vmem>>
      %dma_wait3A_293 = tpu.memref_squeeze %dma_wait3A_292 : memref<1x2x128xi32, #tpu.memory_space<vmem>> -> memref<2x128xi32, #tpu.memory_space<vmem>>
      %dma_wait3A_294 = arith.constant 0 : i32
      %dma_wait3A_295 = arith.constant 0 : i32
      %dma_wait3A_296 = tpu.memref_slice %arg3[%add3A, %add3A_280, %dma_wait3A_294, %dma_wait3A_295] : memref<32x80x2x128xi32, #tpu.memory_space<hbm>> -> memref<1x1x2x128xi32, #tpu.memory_space<hbm>>
      %dma_wait3A_297 = tpu.memref_squeeze %dma_wait3A_296 : memref<1x1x2x128xi32, #tpu.memory_space<hbm>> -> memref<2x128xi32, #tpu.memory_space<hbm>>
      tpu.wait_dma2 semaphore(%arg10 : memref<!tpu.dma_semaphore, #tpu.memory_space<semaphore_mem>>) src(%dma_wait3A_297 : memref<2x128xi32, #tpu.memory_space<hbm>>) dst(%dma_wait3A_293 : memref<2x128xi32, #tpu.memory_space<vmem>>)
      %dma_start3A_298 = arith.constant 0 : i32
      %dma_start3A_299 = arith.constant 0 : i32
      %dma_start3A_300 = arith.constant 0 : i32
      %dma_start3A_301 = arith.constant 0 : i32
      %dma_start3A_302 = arith.constant 0 : i32
      %dma_start3A_303 = tpu.memref_slice %arg6[%dma_start3A_300, %dma_start3A_301, %dma_start3A_302] : memref<2x128x128xf32, #tpu.memory_space<vmem>> -> memref<1x128x128xf32, #tpu.memory_space<vmem>>
      %dma_start3A_304 = tpu.memref_squeeze %dma_start3A_303 : memref<1x128x128xf32, #tpu.memory_space<vmem>> -> memref<128x128xf32, #tpu.memory_space<vmem>>
      %dma_start3A_305 = arith.constant 0 : i32
      %dma_start3A_306 = tpu.memref_slice %arg5[%dma_start3A_298, %dma_start3A_299, %dma_start3A_305] : memref<2x2x128xi32, #tpu.memory_space<vmem>> -> memref<1x1x128xi32, #tpu.memory_space<vmem>>
      %dma_start3A_307 = tpu.memref_squeeze %dma_start3A_306 : memref<1x1x128xi32, #tpu.memory_space<vmem>> -> memref<128xi32, #tpu.memory_space<vmem>>
      %dma_start3A_308 = arith.constant 0 : i32
      %dma_start3A_309 = arith.constant 0 : i32
      %dma_start3A_310 = tpu.memref_slice %arg2[%dma_start3A_308, %dma_start3A_309] : memref<10000x128xf32, #tpu.memory_space<hbm>> -> memref<10000x128xf32, #tpu.memory_space<hbm>>
      tpu.enqueue_indirect_dma source(%dma_start3A_310 : memref<10000x128xf32, #tpu.memory_space<hbm>>) target(%dma_start3A_304 : memref<128x128xf32, #tpu.memory_space<vmem>>) offsets(%dma_start3A_307 : memref<128xi32, #tpu.memory_space<vmem>>) semaphore(%arg8 : memref<!tpu.dma_semaphore, #tpu.memory_space<semaphore_mem>>)
      %dma_wait3A_311 = arith.constant 1 : i32
      %dma_wait3A_312 = arith.constant 0 : i32
      %dma_wait3A_313 = arith.constant 1 : i32
      %dma_wait3A_314 = arith.constant 0 : i32
      %dma_wait3A_315 = arith.constant 0 : i32
      %dma_wait3A_316 = tpu.memref_slice %arg6[%dma_wait3A_313, %dma_wait3A_314, %dma_wait3A_315] : memref<2x128x128xf32, #tpu.memory_space<vmem>> -> memref<1x128x128xf32, #tpu.memory_space<vmem>>
      %dma_wait3A_317 = tpu.memref_squeeze %dma_wait3A_316 : memref<1x128x128xf32, #tpu.memory_space<vmem>> -> memref<128x128xf32, #tpu.memory_space<vmem>>
      %dma_wait3A_318 = arith.constant 0 : i32
      %dma_wait3A_319 = tpu.memref_slice %arg5[%dma_wait3A_311, %dma_wait3A_312, %dma_wait3A_318] : memref<2x2x128xi32, #tpu.memory_space<vmem>> -> memref<1x1x128xi32, #tpu.memory_space<vmem>>
      %dma_wait3A_320 = tpu.memref_squeeze %dma_wait3A_319 : memref<1x1x128xi32, #tpu.memory_space<vmem>> -> memref<128xi32, #tpu.memory_space<vmem>>
      %dma_wait3A_321 = arith.constant 0 : i32
      %dma_wait3A_322 = arith.constant 0 : i32
      %dma_wait3A_323 = tpu.memref_slice %arg2[%dma_wait3A_321, %dma_wait3A_322] : memref<10000x128xf32, #tpu.memory_space<hbm>> -> memref<10000x128xf32, #tpu.memory_space<hbm>>
      tpu.wait_indirect_dma semaphore(%arg9 : memref<!tpu.dma_semaphore, #tpu.memory_space<semaphore_mem>>) src(%dma_wait3A_323 : memref<10000x128xf32, #tpu.memory_space<hbm>>) dst(%dma_wait3A_317 : memref<128x128xf32, #tpu.memory_space<vmem>>)
      %run_scoped3A_324 = arith.constant 1 : i32
      %run_scoped3A_325 = arith.constant 1 : i32
      %run_scoped3A_326 = arith.constant 1 : i32
      "tpu.region"() ({
        %run_scoped3A_346 = tpu.sem_alloc : memref<!tpu.dma_semaphore, #tpu.memory_space<semaphore_mem>>
        %dma_start3A_347 = arith.constant 0 : i32
        %dma_start3A_348 = arith.constant 0 : i32
        %dma_start3A_349 = tpu.memref_slice %arg6[%run_scoped3A_324, %dma_start3A_347, %dma_start3A_348] : memref<2x128x128xf32, #tpu.memory_space<vmem>> -> memref<1x128x128xf32, #tpu.memory_space<vmem>>
        %dma_start3A_350 = tpu.memref_squeeze %dma_start3A_349 : memref<1x128x128xf32, #tpu.memory_space<vmem>> -> memref<128x128xf32, #tpu.memory_space<vmem>>
        %dma_start3A_351 = arith.constant 0 : i32
        %dma_start3A_352 = tpu.memref_slice %arg5[%run_scoped3A_325, %run_scoped3A_326, %dma_start3A_351] : memref<2x2x128xi32, #tpu.memory_space<vmem>> -> memref<1x1x128xi32, #tpu.memory_space<vmem>>
        %dma_start3A_353 = tpu.memref_squeeze %dma_start3A_352 : memref<1x1x128xi32, #tpu.memory_space<vmem>> -> memref<128xi32, #tpu.memory_space<vmem>>
        %dma_start3A_354 = arith.constant 0 : i32
        %dma_start3A_355 = arith.constant 0 : i32
        %dma_start3A_356 = tpu.memref_slice %arg7[%dma_start3A_354, %dma_start3A_355] : memref<10240x128xf32, #tpu.memory_space<vmem_shared>> -> memref<10240x128xf32, #tpu.memory_space<vmem_shared>>
        tpu.enqueue_indirect_dma source(%dma_start3A_350 : memref<128x128xf32, #tpu.memory_space<vmem>>) target(%dma_start3A_356 : memref<10240x128xf32, #tpu.memory_space<vmem_shared>>) offsets(%dma_start3A_353 : memref<128xi32, #tpu.memory_space<vmem>>) semaphore(%run_scoped3A_346 : memref<!tpu.dma_semaphore, #tpu.memory_space<semaphore_mem>>) {add = true}
        %dma_wait3A_357 = arith.constant 0 : i32
        %dma_wait3A_358 = arith.constant 0 : i32
        %dma_wait3A_359 = tpu.memref_slice %arg6[%run_scoped3A_324, %dma_wait3A_357, %dma_wait3A_358] : memref<2x128x128xf32, #tpu.memory_space<vmem>> -> memref<1x128x128xf32, #tpu.memory_space<vmem>>
        %dma_wait3A_360 = tpu.memref_squeeze %dma_wait3A_359 : memref<1x128x128xf32, #tpu.memory_space<vmem>> -> memref<128x128xf32, #tpu.memory_space<vmem>>
        %dma_wait3A_361 = arith.constant 0 : i32
        %dma_wait3A_362 = tpu.memref_slice %arg5[%run_scoped3A_325, %run_scoped3A_326, %dma_wait3A_361] : memref<2x2x128xi32, #tpu.memory_space<vmem>> -> memref<1x1x128xi32, #tpu.memory_space<vmem>>
        %dma_wait3A_363 = tpu.memref_squeeze %dma_wait3A_362 : memref<1x1x128xi32, #tpu.memory_space<vmem>> -> memref<128xi32, #tpu.memory_space<vmem>>
        %dma_wait3A_364 = arith.constant 0 : i32
        %dma_wait3A_365 = arith.constant 0 : i32
        %dma_wait3A_366 = tpu.memref_slice %arg7[%dma_wait3A_364, %dma_wait3A_365] : memref<10240x128xf32, #tpu.memory_space<vmem_shared>> -> memref<10240x128xf32, #tpu.memory_space<vmem_shared>>
        tpu.wait_indirect_dma semaphore(%run_scoped3A_346 : memref<!tpu.dma_semaphore, #tpu.memory_space<semaphore_mem>>) src(%dma_wait3A_360 : memref<128x128xf32, #tpu.memory_space<vmem>>) dst(%dma_wait3A_366 : memref<10240x128xf32, #tpu.memory_space<vmem_shared>>)
        tpu.yield
      }) : () -> ()
      %add3A_327 = arith.constant 2 : i32
      %add3A_328 = arith.addi %add3A_278, %add3A_327 : i32
      %dma_start3A_329 = arith.constant 1 : i32
      %dma_start3A_330 = arith.constant 0 : i32
      %dma_start3A_331 = arith.constant 0 : i32
      %dma_start3A_332 = tpu.memref_slice %arg5[%dma_start3A_329, %dma_start3A_330, %dma_start3A_331] : memref<2x2x128xi32, #tpu.memory_space<vmem>> -> memref<1x2x128xi32, #tpu.memory_space<vmem>>
      %dma_start3A_333 = tpu.memref_squeeze %dma_start3A_332 : memref<1x2x128xi32, #tpu.memory_space<vmem>> -> memref<2x128xi32, #tpu.memory_space<vmem>>
      %dma_start3A_334 = arith.constant 0 : i32
      %dma_start3A_335 = arith.constant 0 : i32
      %dma_start3A_336 = tpu.memref_slice %arg3[%add3A, %add3A_328, %dma_start3A_334, %dma_start3A_335] : memref<32x80x2x128xi32, #tpu.memory_space<hbm>> -> memref<1x1x2x128xi32, #tpu.memory_space<hbm>>
      %dma_start3A_337 = tpu.memref_squeeze %dma_start3A_336 : memref<1x1x2x128xi32, #tpu.memory_space<hbm>> -> memref<2x128xi32, #tpu.memory_space<hbm>>
      %dma_start3A_338 = arith.constant 0 : i32
      %dma_start3A_339 = arith.constant 0 : i32
      %dma_start3A_340 = tpu.memref_slice %arg5[%dma_start3A_329, %dma_start3A_338, %dma_start3A_339] : memref<2x2x128xi32, #tpu.memory_space<vmem>> -> memref<1x2x128xi32, #tpu.memory_space<vmem>>
      %dma_start3A_341 = tpu.memref_squeeze %dma_start3A_340 : memref<1x2x128xi32, #tpu.memory_space<vmem>> -> memref<2x128xi32, #tpu.memory_space<vmem>>
      %dma_start3A_342 = arith.constant 0 : i32
      %dma_start3A_343 = arith.constant 0 : i32
      %dma_start3A_344 = tpu.memref_slice %arg3[%add3A, %add3A_328, %dma_start3A_342, %dma_start3A_343] : memref<32x80x2x128xi32, #tpu.memory_space<hbm>> -> memref<1x1x2x128xi32, #tpu.memory_space<hbm>>
      %dma_start3A_345 = tpu.memref_squeeze %dma_start3A_344 : memref<1x1x2x128xi32, #tpu.memory_space<hbm>> -> memref<2x128xi32, #tpu.memory_space<hbm>>
      tpu.enqueue_dma source(%dma_start3A_345 : memref<2x128xi32, #tpu.memory_space<hbm>>) target(%dma_start3A_341 : memref<2x128xi32, #tpu.memory_space<vmem>>) target_semaphore(%arg11 : memref<!tpu.dma_semaphore, #tpu.memory_space<semaphore_mem>>)
    }
    %scan3A_100 = arith.constant 39 : i32
    %dma_wait3A_101 = arith.constant 79 : i32
    %dma_wait3A_102 = arith.constant 1 : i32
    %dma_wait3A_103 = arith.constant 0 : i32
    %dma_wait3A_104 = arith.constant 0 : i32
    %dma_wait3A_105 = tpu.memref_slice %arg5[%dma_wait3A_102, %dma_wait3A_103, %dma_wait3A_104] : memref<2x2x128xi32, #tpu.memory_space<vmem>> -> memref<1x2x128xi32, #tpu.memory_space<vmem>>
    %dma_wait3A_106 = tpu.memref_squeeze %dma_wait3A_105 : memref<1x2x128xi32, #tpu.memory_space<vmem>> -> memref<2x128xi32, #tpu.memory_space<vmem>>
    %dma_wait3A_107 = arith.constant 0 : i32
    %dma_wait3A_108 = arith.constant 0 : i32
    %dma_wait3A_109 = tpu.memref_slice %arg3[%add3A, %dma_wait3A_101, %dma_wait3A_107, %dma_wait3A_108] : memref<32x80x2x128xi32, #tpu.memory_space<hbm>> -> memref<1x1x2x128xi32, #tpu.memory_space<hbm>>
    %dma_wait3A_110 = tpu.memref_squeeze %dma_wait3A_109 : memref<1x1x2x128xi32, #tpu.memory_space<hbm>> -> memref<2x128xi32, #tpu.memory_space<hbm>>
    %dma_wait3A_111 = arith.constant 0 : i32
    %dma_wait3A_112 = arith.constant 0 : i32
    %dma_wait3A_113 = tpu.memref_slice %arg5[%dma_wait3A_102, %dma_wait3A_111, %dma_wait3A_112] : memref<2x2x128xi32, #tpu.memory_space<vmem>> -> memref<1x2x128xi32, #tpu.memory_space<vmem>>
    %dma_wait3A_114 = tpu.memref_squeeze %dma_wait3A_113 : memref<1x2x128xi32, #tpu.memory_space<vmem>> -> memref<2x128xi32, #tpu.memory_space<vmem>>
    %dma_wait3A_115 = arith.constant 0 : i32
    %dma_wait3A_116 = arith.constant 0 : i32
    %dma_wait3A_117 = tpu.memref_slice %arg3[%add3A, %dma_wait3A_101, %dma_wait3A_115, %dma_wait3A_116] : memref<32x80x2x128xi32, #tpu.memory_space<hbm>> -> memref<1x1x2x128xi32, #tpu.memory_space<hbm>>
    %dma_wait3A_118 = tpu.memref_squeeze %dma_wait3A_117 : memref<1x1x2x128xi32, #tpu.memory_space<hbm>> -> memref<2x128xi32, #tpu.memory_space<hbm>>
    tpu.wait_dma2 semaphore(%arg11 : memref<!tpu.dma_semaphore, #tpu.memory_space<semaphore_mem>>) src(%dma_wait3A_118 : memref<2x128xi32, #tpu.memory_space<hbm>>) dst(%dma_wait3A_114 : memref<2x128xi32, #tpu.memory_space<vmem>>)
    %dma_start3A_119 = arith.constant 1 : i32
    %dma_start3A_120 = arith.constant 0 : i32
    %dma_start3A_121 = arith.constant 1 : i32
    %dma_start3A_122 = arith.constant 0 : i32
    %dma_start3A_123 = arith.constant 0 : i32
    %dma_start3A_124 = tpu.memref_slice %arg6[%dma_start3A_121, %dma_start3A_122, %dma_start3A_123] : memref<2x128x128xf32, #tpu.memory_space<vmem>> -> memref<1x128x128xf32, #tpu.memory_space<vmem>>
    %dma_start3A_125 = tpu.memref_squeeze %dma_start3A_124 : memref<1x128x128xf32, #tpu.memory_space<vmem>> -> memref<128x128xf32, #tpu.memory_space<vmem>>
    %dma_start3A_126 = arith.constant 0 : i32
    %dma_start3A_127 = tpu.memref_slice %arg5[%dma_start3A_119, %dma_start3A_120, %dma_start3A_126] : memref<2x2x128xi32, #tpu.memory_space<vmem>> -> memref<1x1x128xi32, #tpu.memory_space<vmem>>
    %dma_start3A_128 = tpu.memref_squeeze %dma_start3A_127 : memref<1x1x128xi32, #tpu.memory_space<vmem>> -> memref<128xi32, #tpu.memory_space<vmem>>
    %dma_start3A_129 = arith.constant 0 : i32
    %dma_start3A_130 = arith.constant 0 : i32
    %dma_start3A_131 = tpu.memref_slice %arg2[%dma_start3A_129, %dma_start3A_130] : memref<10000x128xf32, #tpu.memory_space<hbm>> -> memref<10000x128xf32, #tpu.memory_space<hbm>>
    tpu.enqueue_indirect_dma source(%dma_start3A_131 : memref<10000x128xf32, #tpu.memory_space<hbm>>) target(%dma_start3A_125 : memref<128x128xf32, #tpu.memory_space<vmem>>) offsets(%dma_start3A_128 : memref<128xi32, #tpu.memory_space<vmem>>) semaphore(%arg9 : memref<!tpu.dma_semaphore, #tpu.memory_space<semaphore_mem>>)
    %dma_wait3A_132 = arith.constant 0 : i32
    %dma_wait3A_133 = arith.constant 0 : i32
    %dma_wait3A_134 = arith.constant 0 : i32
    %dma_wait3A_135 = arith.constant 0 : i32
    %dma_wait3A_136 = arith.constant 0 : i32
    %dma_wait3A_137 = tpu.memref_slice %arg6[%dma_wait3A_134, %dma_wait3A_135, %dma_wait3A_136] : memref<2x128x128xf32, #tpu.memory_space<vmem>> -> memref<1x128x128xf32, #tpu.memory_space<vmem>>
    %dma_wait3A_138 = tpu.memref_squeeze %dma_wait3A_137 : memref<1x128x128xf32, #tpu.memory_space<vmem>> -> memref<128x128xf32, #tpu.memory_space<vmem>>
    %dma_wait3A_139 = arith.constant 0 : i32
    %dma_wait3A_140 = tpu.memref_slice %arg5[%dma_wait3A_132, %dma_wait3A_133, %dma_wait3A_139] : memref<2x2x128xi32, #tpu.memory_space<vmem>> -> memref<1x1x128xi32, #tpu.memory_space<vmem>>
    %dma_wait3A_141 = tpu.memref_squeeze %dma_wait3A_140 : memref<1x1x128xi32, #tpu.memory_space<vmem>> -> memref<128xi32, #tpu.memory_space<vmem>>
    %dma_wait3A_142 = arith.constant 0 : i32
    %dma_wait3A_143 = arith.constant 0 : i32
    %dma_wait3A_144 = tpu.memref_slice %arg2[%dma_wait3A_142, %dma_wait3A_143] : memref<10000x128xf32, #tpu.memory_space<hbm>> -> memref<10000x128xf32, #tpu.memory_space<hbm>>
    tpu.wait_indirect_dma semaphore(%arg8 : memref<!tpu.dma_semaphore, #tpu.memory_space<semaphore_mem>>) src(%dma_wait3A_144 : memref<10000x128xf32, #tpu.memory_space<hbm>>) dst(%dma_wait3A_138 : memref<128x128xf32, #tpu.memory_space<vmem>>)
    %run_scoped3A_145 = arith.constant 0 : i32
    %run_scoped3A_146 = arith.constant 0 : i32
    %run_scoped3A_147 = arith.constant 1 : i32
    "tpu.region"() ({
      %run_scoped3A_205 = tpu.sem_alloc : memref<!tpu.dma_semaphore, #tpu.memory_space<semaphore_mem>>
      %dma_start3A_206 = arith.constant 0 : i32
      %dma_start3A_207 = arith.constant 0 : i32
      %dma_start3A_208 = tpu.memref_slice %arg6[%run_scoped3A_145, %dma_start3A_206, %dma_start3A_207] : memref<2x128x128xf32, #tpu.memory_space<vmem>> -> memref<1x128x128xf32, #tpu.memory_space<vmem>>
      %dma_start3A_209 = tpu.memref_squeeze %dma_start3A_208 : memref<1x128x128xf32, #tpu.memory_space<vmem>> -> memref<128x128xf32, #tpu.memory_space<vmem>>
      %dma_start3A_210 = arith.constant 0 : i32
      %dma_start3A_211 = tpu.memref_slice %arg5[%run_scoped3A_146, %run_scoped3A_147, %dma_start3A_210] : memref<2x2x128xi32, #tpu.memory_space<vmem>> -> memref<1x1x128xi32, #tpu.memory_space<vmem>>
      %dma_start3A_212 = tpu.memref_squeeze %dma_start3A_211 : memref<1x1x128xi32, #tpu.memory_space<vmem>> -> memref<128xi32, #tpu.memory_space<vmem>>
      %dma_start3A_213 = arith.constant 0 : i32
      %dma_start3A_214 = arith.constant 0 : i32
      %dma_start3A_215 = tpu.memref_slice %arg7[%dma_start3A_213, %dma_start3A_214] : memref<10240x128xf32, #tpu.memory_space<vmem_shared>> -> memref<10240x128xf32, #tpu.memory_space<vmem_shared>>
      tpu.enqueue_indirect_dma source(%dma_start3A_209 : memref<128x128xf32, #tpu.memory_space<vmem>>) target(%dma_start3A_215 : memref<10240x128xf32, #tpu.memory_space<vmem_shared>>) offsets(%dma_start3A_212 : memref<128xi32, #tpu.memory_space<vmem>>) semaphore(%run_scoped3A_205 : memref<!tpu.dma_semaphore, #tpu.memory_space<semaphore_mem>>) {add = true}
      %dma_wait3A_216 = arith.constant 0 : i32
      %dma_wait3A_217 = arith.constant 0 : i32
      %dma_wait3A_218 = tpu.memref_slice %arg6[%run_scoped3A_145, %dma_wait3A_216, %dma_wait3A_217] : memref<2x128x128xf32, #tpu.memory_space<vmem>> -> memref<1x128x128xf32, #tpu.memory_space<vmem>>
      %dma_wait3A_219 = tpu.memref_squeeze %dma_wait3A_218 : memref<1x128x128xf32, #tpu.memory_space<vmem>> -> memref<128x128xf32, #tpu.memory_space<vmem>>
      %dma_wait3A_220 = arith.constant 0 : i32
      %dma_wait3A_221 = tpu.memref_slice %arg5[%run_scoped3A_146, %run_scoped3A_147, %dma_wait3A_220] : memref<2x2x128xi32, #tpu.memory_space<vmem>> -> memref<1x1x128xi32, #tpu.memory_space<vmem>>
      %dma_wait3A_222 = tpu.memref_squeeze %dma_wait3A_221 : memref<1x1x128xi32, #tpu.memory_space<vmem>> -> memref<128xi32, #tpu.memory_space<vmem>>
      %dma_wait3A_223 = arith.constant 0 : i32
      %dma_wait3A_224 = arith.constant 0 : i32
      %dma_wait3A_225 = tpu.memref_slice %arg7[%dma_wait3A_223, %dma_wait3A_224] : memref<10240x128xf32, #tpu.memory_space<vmem_shared>> -> memref<10240x128xf32, #tpu.memory_space<vmem_shared>>
      tpu.wait_indirect_dma semaphore(%run_scoped3A_205 : memref<!tpu.dma_semaphore, #tpu.memory_space<semaphore_mem>>) src(%dma_wait3A_219 : memref<128x128xf32, #tpu.memory_space<vmem>>) dst(%dma_wait3A_225 : memref<10240x128xf32, #tpu.memory_space<vmem_shared>>)
      tpu.yield
    }) : () -> ()
    %dma_wait3A_148 = arith.constant 1 : i32
    %dma_wait3A_149 = arith.constant 0 : i32
    %dma_wait3A_150 = arith.constant 1 : i32
    %dma_wait3A_151 = arith.constant 0 : i32
    %dma_wait3A_152 = arith.constant 0 : i32
    %dma_wait3A_153 = tpu.memref_slice %arg6[%dma_wait3A_150, %dma_wait3A_151, %dma_wait3A_152] : memref<2x128x128xf32, #tpu.memory_space<vmem>> -> memref<1x128x128xf32, #tpu.memory_space<vmem>>
    %dma_wait3A_154 = tpu.memref_squeeze %dma_wait3A_153 : memref<1x128x128xf32, #tpu.memory_space<vmem>> -> memref<128x128xf32, #tpu.memory_space<vmem>>
    %dma_wait3A_155 = arith.constant 0 : i32
    %dma_wait3A_156 = tpu.memref_slice %arg5[%dma_wait3A_148, %dma_wait3A_149, %dma_wait3A_155] : memref<2x2x128xi32, #tpu.memory_space<vmem>> -> memref<1x1x128xi32, #tpu.memory_space<vmem>>
    %dma_wait3A_157 = tpu.memref_squeeze %dma_wait3A_156 : memref<1x1x128xi32, #tpu.memory_space<vmem>> -> memref<128xi32, #tpu.memory_space<vmem>>
    %dma_wait3A_158 = arith.constant 0 : i32
    %dma_wait3A_159 = arith.constant 0 : i32
    %dma_wait3A_160 = tpu.memref_slice %arg2[%dma_wait3A_158, %dma_wait3A_159] : memref<10000x128xf32, #tpu.memory_space<hbm>> -> memref<10000x128xf32, #tpu.memory_space<hbm>>
    tpu.wait_indirect_dma semaphore(%arg9 : memref<!tpu.dma_semaphore, #tpu.memory_space<semaphore_mem>>) src(%dma_wait3A_160 : memref<10000x128xf32, #tpu.memory_space<hbm>>) dst(%dma_wait3A_154 : memref<128x128xf32, #tpu.memory_space<vmem>>)
    %run_scoped3A_161 = arith.constant 1 : i32
    %run_scoped3A_162 = arith.constant 1 : i32
    %run_scoped3A_163 = arith.constant 1 : i32
    "tpu.region"() ({
      %run_scoped3A_205 = tpu.sem_alloc : memref<!tpu.dma_semaphore, #tpu.memory_space<semaphore_mem>>
      %dma_start3A_206 = arith.constant 0 : i32
      %dma_start3A_207 = arith.constant 0 : i32
      %dma_start3A_208 = tpu.memref_slice %arg6[%run_scoped3A_161, %dma_start3A_206, %dma_start3A_207] : memref<2x128x128xf32, #tpu.memory_space<vmem>> -> memref<1x128x128xf32, #tpu.memory_space<vmem>>
      %dma_start3A_209 = tpu.memref_squeeze %dma_start3A_208 : memref<1x128x128xf32, #tpu.memory_space<vmem>> -> memref<128x128xf32, #tpu.memory_space<vmem>>
      %dma_start3A_210 = arith.constant 0 : i32
      %dma_start3A_211 = tpu.memref_slice %arg5[%run_scoped3A_162, %run_scoped3A_163, %dma_start3A_210] : memref<2x2x128xi32, #tpu.memory_space<vmem>> -> memref<1x1x128xi32, #tpu.memory_space<vmem>>
      %dma_start3A_212 = tpu.memref_squeeze %dma_start3A_211 : memref<1x1x128xi32, #tpu.memory_space<vmem>> -> memref<128xi32, #tpu.memory_space<vmem>>
      %dma_start3A_213 = arith.constant 0 : i32
      %dma_start3A_214 = arith.constant 0 : i32
      %dma_start3A_215 = tpu.memref_slice %arg7[%dma_start3A_213, %dma_start3A_214] : memref<10240x128xf32, #tpu.memory_space<vmem_shared>> -> memref<10240x128xf32, #tpu.memory_space<vmem_shared>>
      tpu.enqueue_indirect_dma source(%dma_start3A_209 : memref<128x128xf32, #tpu.memory_space<vmem>>) target(%dma_start3A_215 : memref<10240x128xf32, #tpu.memory_space<vmem_shared>>) offsets(%dma_start3A_212 : memref<128xi32, #tpu.memory_space<vmem>>) semaphore(%run_scoped3A_205 : memref<!tpu.dma_semaphore, #tpu.memory_space<semaphore_mem>>) {add = true}
      %dma_wait3A_216 = arith.constant 0 : i32
      %dma_wait3A_217 = arith.constant 0 : i32
      %dma_wait3A_218 = tpu.memref_slice %arg6[%run_scoped3A_161, %dma_wait3A_216, %dma_wait3A_217] : memref<2x128x128xf32, #tpu.memory_space<vmem>> -> memref<1x128x128xf32, #tpu.memory_space<vmem>>
      %dma_wait3A_219 = tpu.memref_squeeze %dma_wait3A_218 : memref<1x128x128xf32, #tpu.memory_space<vmem>> -> memref<128x128xf32, #tpu.memory_space<vmem>>
      %dma_wait3A_220 = arith.constant 0 : i32
      %dma_wait3A_221 = tpu.memref_slice %arg5[%run_scoped3A_162, %run_scoped3A_163, %dma_wait3A_220] : memref<2x2x128xi32, #tpu.memory_space<vmem>> -> memref<1x1x128xi32, #tpu.memory_space<vmem>>
      %dma_wait3A_222 = tpu.memref_squeeze %dma_wait3A_221 : memref<1x1x128xi32, #tpu.memory_space<vmem>> -> memref<128xi32, #tpu.memory_space<vmem>>
      %dma_wait3A_223 = arith.constant 0 : i32
      %dma_wait3A_224 = arith.constant 0 : i32
      %dma_wait3A_225 = tpu.memref_slice %arg7[%dma_wait3A_223, %dma_wait3A_224] : memref<10240x128xf32, #tpu.memory_space<vmem_shared>> -> memref<10240x128xf32, #tpu.memory_space<vmem_shared>>
      tpu.wait_indirect_dma semaphore(%run_scoped3A_205 : memref<!tpu.dma_semaphore, #tpu.memory_space<semaphore_mem>>) src(%dma_wait3A_219 : memref<128x128xf32, #tpu.memory_space<vmem>>) dst(%dma_wait3A_225 : memref<10240x128xf32, #tpu.memory_space<vmem_shared>>)
      tpu.yield
    }) : () -> ()
    %barrier3A_164 = arith.constant 0 : index
    tpu.barrier barrier_id(%barrier3A_164)
    %mul3A_165 = arith.constant 640 : i32
    %mul3A_166 = arith.muli %arg1, %mul3A_165 : i32
    %add3A_167 = arith.constant 0 : i32
    %add3A_168 = arith.addi %mul3A_166, %add3A_167 : i32
    %mul3A_169 = arith.constant 640 : i32
    %mul3A_170 = arith.muli %arg1, %mul3A_169 : i32
    %add3A_171 = arith.constant 0 : i32
    %add3A_172 = arith.addi %mul3A_170, %add3A_171 : i32
    "tpu.region"() ({
      %run_scoped3A_205 = tpu.sem_alloc : memref<!tpu.dma_semaphore, #tpu.memory_space<semaphore_mem>>
      %dma_start3A_206 = arith.constant 0 : i32
      %dma_start3A_207 = tpu.memref_slice %arg4[%arg0, %add3A_172, %dma_start3A_206] : memref<2x10240x128xf32, #tpu.memory_space<hbm>> -> memref<1x128x128xf32, #tpu.memory_space<hbm>>
      %dma_start3A_208 = tpu.memref_squeeze %dma_start3A_207 : memref<1x128x128xf32, #tpu.memory_space<hbm>> -> memref<128x128xf32, #tpu.memory_space<hbm>>
      %dma_start3A_209 = arith.constant 0 : i32
      %dma_start3A_210 = tpu.memref_slice %arg7[%add3A_168, %dma_start3A_209] : memref<10240x128xf32, #tpu.memory_space<vmem_shared>> -> memref<128x128xf32, #tpu.memory_space<vmem_shared>>
      tpu.enqueue_dma source(%dma_start3A_210 : memref<128x128xf32, #tpu.memory_space<vmem_shared>>) target(%dma_start3A_208 : memref<128x128xf32, #tpu.memory_space<hbm>>) target_semaphore(%run_scoped3A_205 : memref<!tpu.dma_semaphore, #tpu.memory_space<semaphore_mem>>)
      %dma_wait3A_211 = arith.constant 0 : i32
      %dma_wait3A_212 = tpu.memref_slice %arg4[%arg0, %add3A_172, %dma_wait3A_211] : memref<2x10240x128xf32, #tpu.memory_space<hbm>> -> memref<1x128x128xf32, #tpu.memory_space<hbm>>
      %dma_wait3A_213 = tpu.memref_squeeze %dma_wait3A_212 : memref<1x128x128xf32, #tpu.memory_space<hbm>> -> memref<128x128xf32, #tpu.memory_space<hbm>>
      %dma_wait3A_214 = arith.constant 0 : i32
      %dma_wait3A_215 = tpu.memref_slice %arg7[%add3A_168, %dma_wait3A_214] : memref<10240x128xf32, #tpu.memory_space<vmem_shared>> -> memref<128x128xf32, #tpu.memory_space<vmem_shared>>
      tpu.wait_dma2 semaphore(%run_scoped3A_205 : memref<!tpu.dma_semaphore, #tpu.memory_space<semaphore_mem>>) src(%dma_wait3A_215 : memref<128x128xf32, #tpu.memory_space<vmem_shared>>) dst(%dma_wait3A_213 : memref<128x128xf32, #tpu.memory_space<hbm>>)
      tpu.yield
    }) : () -> ()
    %mul3A_173 = arith.constant 640 : i32
    %mul3A_174 = arith.muli %arg1, %mul3A_173 : i32
    %add3A_175 = arith.constant 128 : i32
    %add3A_176 = arith.addi %mul3A_174, %add3A_175 : i32
    %mul3A_177 = arith.constant 640 : i32
    %mul3A_178 = arith.muli %arg1, %mul3A_177 : i32
    %add3A_179 = arith.constant 128 : i32
    %add3A_180 = arith.addi %mul3A_178, %add3A_179 : i32
    "tpu.region"() ({
      %run_scoped3A_205 = tpu.sem_alloc : memref<!tpu.dma_semaphore, #tpu.memory_space<semaphore_mem>>
      %dma_start3A_206 = arith.constant 0 : i32
      %dma_start3A_207 = tpu.memref_slice %arg4[%arg0, %add3A_180, %dma_start3A_206] : memref<2x10240x128xf32, #tpu.memory_space<hbm>> -> memref<1x128x128xf32, #tpu.memory_space<hbm>>
      %dma_start3A_208 = tpu.memref_squeeze %dma_start3A_207 : memref<1x128x128xf32, #tpu.memory_space<hbm>> -> memref<128x128xf32, #tpu.memory_space<hbm>>
      %dma_start3A_209 = arith.constant 0 : i32
      %dma_start3A_210 = tpu.memref_slice %arg7[%add3A_176, %dma_start3A_209] : memref<10240x128xf32, #tpu.memory_space<vmem_shared>> -> memref<128x128xf32, #tpu.memory_space<vmem_shared>>
      tpu.enqueue_dma source(%dma_start3A_210 : memref<128x128xf32, #tpu.memory_space<vmem_shared>>) target(%dma_start3A_208 : memref<128x128xf32, #tpu.memory_space<hbm>>) target_semaphore(%run_scoped3A_205 : memref<!tpu.dma_semaphore, #tpu.memory_space<semaphore_mem>>)
      %dma_wait3A_211 = arith.constant 0 : i32
      %dma_wait3A_212 = tpu.memref_slice %arg4[%arg0, %add3A_180, %dma_wait3A_211] : memref<2x10240x128xf32, #tpu.memory_space<hbm>> -> memref<1x128x128xf32, #tpu.memory_space<hbm>>
      %dma_wait3A_213 = tpu.memref_squeeze %dma_wait3A_212 : memref<1x128x128xf32, #tpu.memory_space<hbm>> -> memref<128x128xf32, #tpu.memory_space<hbm>>
      %dma_wait3A_214 = arith.constant 0 : i32
      %dma_wait3A_215 = tpu.memref_slice %arg7[%add3A_176, %dma_wait3A_214] : memref<10240x128xf32, #tpu.memory_space<vmem_shared>> -> memref<128x128xf32, #tpu.memory_space<vmem_shared>>
      tpu.wait_dma2 semaphore(%run_scoped3A_205 : memref<!tpu.dma_semaphore, #tpu.memory_space<semaphore_mem>>) src(%dma_wait3A_215 : memref<128x128xf32, #tpu.memory_space<vmem_shared>>) dst(%dma_wait3A_213 : memref<128x128xf32, #tpu.memory_space<hbm>>)
      tpu.yield
    }) : () -> ()
    %mul3A_181 = arith.constant 640 : i32
    %mul3A_182 = arith.muli %arg1, %mul3A_181 : i32
    %add3A_183 = arith.constant 256 : i32
    %add3A_184 = arith.addi %mul3A_182, %add3A_183 : i32
    %mul3A_185 = arith.constant 640 : i32
    %mul3A_186 = arith.muli %arg1, %mul3A_185 : i32
    %add3A_187 = arith.constant 256 : i32
    %add3A_188 = arith.addi %mul3A_186, %add3A_187 : i32
    "tpu.region"() ({
      %run_scoped3A_205 = tpu.sem_alloc : memref<!tpu.dma_semaphore, #tpu.memory_space<semaphore_mem>>
      %dma_start3A_206 = arith.constant 0 : i32
      %dma_start3A_207 = tpu.memref_slice %arg4[%arg0, %add3A_188, %dma_start3A_206] : memref<2x10240x128xf32, #tpu.memory_space<hbm>> -> memref<1x128x128xf32, #tpu.memory_space<hbm>>
      %dma_start3A_208 = tpu.memref_squeeze %dma_start3A_207 : memref<1x128x128xf32, #tpu.memory_space<hbm>> -> memref<128x128xf32, #tpu.memory_space<hbm>>
      %dma_start3A_209 = arith.constant 0 : i32
      %dma_start3A_210 = tpu.memref_slice %arg7[%add3A_184, %dma_start3A_209] : memref<10240x128xf32, #tpu.memory_space<vmem_shared>> -> memref<128x128xf32, #tpu.memory_space<vmem_shared>>
      tpu.enqueue_dma source(%dma_start3A_210 : memref<128x128xf32, #tpu.memory_space<vmem_shared>>) target(%dma_start3A_208 : memref<128x128xf32, #tpu.memory_space<hbm>>) target_semaphore(%run_scoped3A_205 : memref<!tpu.dma_semaphore, #tpu.memory_space<semaphore_mem>>)
      %dma_wait3A_211 = arith.constant 0 : i32
      %dma_wait3A_212 = tpu.memref_slice %arg4[%arg0, %add3A_188, %dma_wait3A_211] : memref<2x10240x128xf32, #tpu.memory_space<hbm>> -> memref<1x128x128xf32, #tpu.memory_space<hbm>>
      %dma_wait3A_213 = tpu.memref_squeeze %dma_wait3A_212 : memref<1x128x128xf32, #tpu.memory_space<hbm>> -> memref<128x128xf32, #tpu.memory_space<hbm>>
      %dma_wait3A_214 = arith.constant 0 : i32
      %dma_wait3A_215 = tpu.memref_slice %arg7[%add3A_184, %dma_wait3A_214] : memref<10240x128xf32, #tpu.memory_space<vmem_shared>> -> memref<128x128xf32, #tpu.memory_space<vmem_shared>>
      tpu.wait_dma2 semaphore(%run_scoped3A_205 : memref<!tpu.dma_semaphore, #tpu.memory_space<semaphore_mem>>) src(%dma_wait3A_215 : memref<128x128xf32, #tpu.memory_space<vmem_shared>>) dst(%dma_wait3A_213 : memref<128x128xf32, #tpu.memory_space<hbm>>)
      tpu.yield
    }) : () -> ()
    %mul3A_189 = arith.constant 640 : i32
    %mul3A_190 = arith.muli %arg1, %mul3A_189 : i32
    %add3A_191 = arith.constant 384 : i32
    %add3A_192 = arith.addi %mul3A_190, %add3A_191 : i32
    %mul3A_193 = arith.constant 640 : i32
    %mul3A_194 = arith.muli %arg1, %mul3A_193 : i32
    %add3A_195 = arith.constant 384 : i32
    %add3A_196 = arith.addi %mul3A_194, %add3A_195 : i32
    "tpu.region"() ({
      %run_scoped3A_205 = tpu.sem_alloc : memref<!tpu.dma_semaphore, #tpu.memory_space<semaphore_mem>>
      %dma_start3A_206 = arith.constant 0 : i32
      %dma_start3A_207 = tpu.memref_slice %arg4[%arg0, %add3A_196, %dma_start3A_206] : memref<2x10240x128xf32, #tpu.memory_space<hbm>> -> memref<1x128x128xf32, #tpu.memory_space<hbm>>
      %dma_start3A_208 = tpu.memref_squeeze %dma_start3A_207 : memref<1x128x128xf32, #tpu.memory_space<hbm>> -> memref<128x128xf32, #tpu.memory_space<hbm>>
      %dma_start3A_209 = arith.constant 0 : i32
      %dma_start3A_210 = tpu.memref_slice %arg7[%add3A_192, %dma_start3A_209] : memref<10240x128xf32, #tpu.memory_space<vmem_shared>> -> memref<128x128xf32, #tpu.memory_space<vmem_shared>>
      tpu.enqueue_dma source(%dma_start3A_210 : memref<128x128xf32, #tpu.memory_space<vmem_shared>>) target(%dma_start3A_208 : memref<128x128xf32, #tpu.memory_space<hbm>>) target_semaphore(%run_scoped3A_205 : memref<!tpu.dma_semaphore, #tpu.memory_space<semaphore_mem>>)
      %dma_wait3A_211 = arith.constant 0 : i32
      %dma_wait3A_212 = tpu.memref_slice %arg4[%arg0, %add3A_196, %dma_wait3A_211] : memref<2x10240x128xf32, #tpu.memory_space<hbm>> -> memref<1x128x128xf32, #tpu.memory_space<hbm>>
      %dma_wait3A_213 = tpu.memref_squeeze %dma_wait3A_212 : memref<1x128x128xf32, #tpu.memory_space<hbm>> -> memref<128x128xf32, #tpu.memory_space<hbm>>
      %dma_wait3A_214 = arith.constant 0 : i32
      %dma_wait3A_215 = tpu.memref_slice %arg7[%add3A_192, %dma_wait3A_214] : memref<10240x128xf32, #tpu.memory_space<vmem_shared>> -> memref<128x128xf32, #tpu.memory_space<vmem_shared>>
      tpu.wait_dma2 semaphore(%run_scoped3A_205 : memref<!tpu.dma_semaphore, #tpu.memory_space<semaphore_mem>>) src(%dma_wait3A_215 : memref<128x128xf32, #tpu.memory_space<vmem_shared>>) dst(%dma_wait3A_213 : memref<128x128xf32, #tpu.memory_space<hbm>>)
      tpu.yield
    }) : () -> ()
    %mul3A_197 = arith.constant 640 : i32
    %mul3A_198 = arith.muli %arg1, %mul3A_197 : i32
    %add3A_199 = arith.constant 512 : i32
    %add3A_200 = arith.addi %mul3A_198, %add3A_199 : i32
    %mul3A_201 = arith.constant 640 : i32
    %mul3A_202 = arith.muli %arg1, %mul3A_201 : i32
    %add3A_203 = arith.constant 512 : i32
    %add3A_204 = arith.addi %mul3A_202, %add3A_203 : i32
    "tpu.region"() ({
      %run_scoped3A_205 = tpu.sem_alloc : memref<!tpu.dma_semaphore, #tpu.memory_space<semaphore_mem>>
      %dma_start3A_206 = arith.constant 0 : i32
      %dma_start3A_207 = tpu.memref_slice %arg4[%arg0, %add3A_204, %dma_start3A_206] : memref<2x10240x128xf32, #tpu.memory_space<hbm>> -> memref<1x128x128xf32, #tpu.memory_space<hbm>>
      %dma_start3A_208 = tpu.memref_squeeze %dma_start3A_207 : memref<1x128x128xf32, #tpu.memory_space<hbm>> -> memref<128x128xf32, #tpu.memory_space<hbm>>
      %dma_start3A_209 = arith.constant 0 : i32
      %dma_start3A_210 = tpu.memref_slice %arg7[%add3A_200, %dma_start3A_209] : memref<10240x128xf32, #tpu.memory_space<vmem_shared>> -> memref<128x128xf32, #tpu.memory_space<vmem_shared>>
      tpu.enqueue_dma source(%dma_start3A_210 : memref<128x128xf32, #tpu.memory_space<vmem_shared>>) target(%dma_start3A_208 : memref<128x128xf32, #tpu.memory_space<hbm>>) target_semaphore(%run_scoped3A_205 : memref<!tpu.dma_semaphore, #tpu.memory_space<semaphore_mem>>)
      %dma_wait3A_211 = arith.constant 0 : i32
      %dma_wait3A_212 = tpu.memref_slice %arg4[%arg0, %add3A_204, %dma_wait3A_211] : memref<2x10240x128xf32, #tpu.memory_space<hbm>> -> memref<1x128x128xf32, #tpu.memory_space<hbm>>
      %dma_wait3A_213 = tpu.memref_squeeze %dma_wait3A_212 : memref<1x128x128xf32, #tpu.memory_space<hbm>> -> memref<128x128xf32, #tpu.memory_space<hbm>>
      %dma_wait3A_214 = arith.constant 0 : i32
      %dma_wait3A_215 = tpu.memref_slice %arg7[%add3A_200, %dma_wait3A_214] : memref<10240x128xf32, #tpu.memory_space<vmem_shared>> -> memref<128x128xf32, #tpu.memory_space<vmem_shared>>
      tpu.wait_dma2 semaphore(%run_scoped3A_205 : memref<!tpu.dma_semaphore, #tpu.memory_space<semaphore_mem>>) src(%dma_wait3A_215 : memref<128x128xf32, #tpu.memory_space<vmem_shared>>) dst(%dma_wait3A_213 : memref<128x128xf32, #tpu.memory_space<hbm>>)
      tpu.yield
    }) : () -> ()
    return
  }
}

#map = affine_map<(d0, d1) -> (0, 0, 0)>
#map1 = affine_map<(d0, d1) -> (0, 0)>
module attributes {stable_mosaic.version = 14 : i64} {
  func.func @_deg_body(%arg0: i32, %arg1: i32, %arg2: memref<32x80x128xi32, #tpu.memory_space<hbm>>, %arg3: memref<2x10240xf32, #tpu.memory_space<hbm>>, %arg4: memref<80x128xi32, #tpu.memory_space<vmem>>, %arg5: memref<128xf32, #tpu.memory_space<vmem>>, %arg6: memref<640xf32, #tpu.memory_space<vmem>>, %arg7: memref<10240xf32, #tpu.memory_space<vmem_shared>>) attributes {dimension_semantics = [#tpu.dimension_semantics<core_parallel>, #tpu.dimension_semantics<subcore_parallel>], iteration_bounds = array<i64: 2, 16>, scalar_prefetch = 0 : i64, scratch_operands = 4 : i64, tpu.core_type = #tpu.core_type<sc_vector_subcore>, window_params = [{transform_indices = #map}, {transform_indices = #map1}]} {
    %mul3A = arith.constant 16 : i32
    %mul3A_0 = arith.muli %arg0, %mul3A : i32
    %add3A = arith.addi %mul3A_0, %arg1 : i32
    %broadcast_in_dim3A = arith.constant 1.000000e+00 : f32
    %broadcast_in_dim3A_1 = vector.broadcast %broadcast_in_dim3A : f32 to vector<16xf32>
    %swap3A = arith.constant 0 : index
    %swap3A_2 = tpu.vector_load %arg5[%swap3A] {strides = array<i32>} : memref<128xf32, #tpu.memory_space<vmem>>, vector<16xf32>,
    %swap3A_3 = vector.shape_cast %swap3A_2 : vector<16xf32> to vector<16xf32>
    %swap3A_4 = vector.shape_cast %broadcast_in_dim3A_1 : vector<16xf32> to vector<16xf32>
    tpu.vector_store %arg5[%swap3A], %swap3A_4 {strides = array<i32>} : memref<128xf32, #tpu.memory_space<vmem>>, vector<16xf32>,
    %broadcast_in_dim3A_5 = arith.constant 1.000000e+00 : f32
    %broadcast_in_dim3A_6 = vector.broadcast %broadcast_in_dim3A_5 : f32 to vector<16xf32>
    %swap3A_7 = arith.constant 16 : index
    %swap3A_8 = tpu.vector_load %arg5[%swap3A_7] {strides = array<i32>} : memref<128xf32, #tpu.memory_space<vmem>>, vector<16xf32>,
    %swap3A_9 = vector.shape_cast %swap3A_8 : vector<16xf32> to vector<16xf32>
    %swap3A_10 = vector.shape_cast %broadcast_in_dim3A_6 : vector<16xf32> to vector<16xf32>
    tpu.vector_store %arg5[%swap3A_7], %swap3A_10 {strides = array<i32>} : memref<128xf32, #tpu.memory_space<vmem>>, vector<16xf32>,
    %broadcast_in_dim3A_11 = arith.constant 1.000000e+00 : f32
    %broadcast_in_dim3A_12 = vector.broadcast %broadcast_in_dim3A_11 : f32 to vector<16xf32>
    %swap3A_13 = arith.constant 32 : index
    %swap3A_14 = tpu.vector_load %arg5[%swap3A_13] {strides = array<i32>} : memref<128xf32, #tpu.memory_space<vmem>>, vector<16xf32>,
    %swap3A_15 = vector.shape_cast %swap3A_14 : vector<16xf32> to vector<16xf32>
    %swap3A_16 = vector.shape_cast %broadcast_in_dim3A_12 : vector<16xf32> to vector<16xf32>
    tpu.vector_store %arg5[%swap3A_13], %swap3A_16 {strides = array<i32>} : memref<128xf32, #tpu.memory_space<vmem>>, vector<16xf32>,
    %broadcast_in_dim3A_17 = arith.constant 1.000000e+00 : f32
    %broadcast_in_dim3A_18 = vector.broadcast %broadcast_in_dim3A_17 : f32 to vector<16xf32>
    %swap3A_19 = arith.constant 48 : index
    %swap3A_20 = tpu.vector_load %arg5[%swap3A_19] {strides = array<i32>} : memref<128xf32, #tpu.memory_space<vmem>>, vector<16xf32>,
    %swap3A_21 = vector.shape_cast %swap3A_20 : vector<16xf32> to vector<16xf32>
    %swap3A_22 = vector.shape_cast %broadcast_in_dim3A_18 : vector<16xf32> to vector<16xf32>
    tpu.vector_store %arg5[%swap3A_19], %swap3A_22 {strides = array<i32>} : memref<128xf32, #tpu.memory_space<vmem>>, vector<16xf32>,
    %broadcast_in_dim3A_23 = arith.constant 1.000000e+00 : f32
    %broadcast_in_dim3A_24 = vector.broadcast %broadcast_in_dim3A_23 : f32 to vector<16xf32>
    %swap3A_25 = arith.constant 64 : index
    %swap3A_26 = tpu.vector_load %arg5[%swap3A_25] {strides = array<i32>} : memref<128xf32, #tpu.memory_space<vmem>>, vector<16xf32>,
    %swap3A_27 = vector.shape_cast %swap3A_26 : vector<16xf32> to vector<16xf32>
    %swap3A_28 = vector.shape_cast %broadcast_in_dim3A_24 : vector<16xf32> to vector<16xf32>
    tpu.vector_store %arg5[%swap3A_25], %swap3A_28 {strides = array<i32>} : memref<128xf32, #tpu.memory_space<vmem>>, vector<16xf32>,
    %broadcast_in_dim3A_29 = arith.constant 1.000000e+00 : f32
    %broadcast_in_dim3A_30 = vector.broadcast %broadcast_in_dim3A_29 : f32 to vector<16xf32>
    %swap3A_31 = arith.constant 80 : index
    %swap3A_32 = tpu.vector_load %arg5[%swap3A_31] {strides = array<i32>} : memref<128xf32, #tpu.memory_space<vmem>>, vector<16xf32>,
    %swap3A_33 = vector.shape_cast %swap3A_32 : vector<16xf32> to vector<16xf32>
    %swap3A_34 = vector.shape_cast %broadcast_in_dim3A_30 : vector<16xf32> to vector<16xf32>
    tpu.vector_store %arg5[%swap3A_31], %swap3A_34 {strides = array<i32>} : memref<128xf32, #tpu.memory_space<vmem>>, vector<16xf32>,
    %broadcast_in_dim3A_35 = arith.constant 1.000000e+00 : f32
    %broadcast_in_dim3A_36 = vector.broadcast %broadcast_in_dim3A_35 : f32 to vector<16xf32>
    %swap3A_37 = arith.constant 96 : index
    %swap3A_38 = tpu.vector_load %arg5[%swap3A_37] {strides = array<i32>} : memref<128xf32, #tpu.memory_space<vmem>>, vector<16xf32>,
    %swap3A_39 = vector.shape_cast %swap3A_38 : vector<16xf32> to vector<16xf32>
    %swap3A_40 = vector.shape_cast %broadcast_in_dim3A_36 : vector<16xf32> to vector<16xf32>
    tpu.vector_store %arg5[%swap3A_37], %swap3A_40 {strides = array<i32>} : memref<128xf32, #tpu.memory_space<vmem>>, vector<16xf32>,
    %broadcast_in_dim3A_41 = arith.constant 1.000000e+00 : f32
    %broadcast_in_dim3A_42 = vector.broadcast %broadcast_in_dim3A_41 : f32 to vector<16xf32>
    %swap3A_43 = arith.constant 112 : index
    %swap3A_44 = tpu.vector_load %arg5[%swap3A_43] {strides = array<i32>} : memref<128xf32, #tpu.memory_space<vmem>>, vector<16xf32>,
    %swap3A_45 = vector.shape_cast %swap3A_44 : vector<16xf32> to vector<16xf32>
    %swap3A_46 = vector.shape_cast %broadcast_in_dim3A_42 : vector<16xf32> to vector<16xf32>
    tpu.vector_store %arg5[%swap3A_43], %swap3A_46 {strides = array<i32>} : memref<128xf32, #tpu.memory_space<vmem>>, vector<16xf32>,
    %scan3A = arith.constant 0 : i32
    %scan3A_47 = arith.constant 0 : i32
    %scan3A_48 = arith.constant 40 : i32
    %scan3A_49 = arith.addi %scan3A_47, %scan3A_48 : i32
    %scan3A_50 = arith.constant 1 : i32
    scf.for %scan3A_65 = %scan3A_47 to %scan3A_49 step %scan3A_50  : i32 {
      %broadcast_in_dim3A_66 = arith.constant 0.000000e+00 : f32
      %broadcast_in_dim3A_67 = vector.broadcast %broadcast_in_dim3A_66 : f32 to vector<16xf32>
      %mul3A_68 = arith.constant 16 : i32
      %mul3A_69 = arith.muli %scan3A_65, %mul3A_68 : i32
      %swap3A_70 = arith.index_cast %mul3A_69 : i32 to index
      %swap3A_71 = tpu.vector_load %arg6[%swap3A_70] {strides = array<i32>} : memref<640xf32, #tpu.memory_space<vmem>>, vector<16xf32>,
      %swap3A_72 = vector.shape_cast %swap3A_71 : vector<16xf32> to vector<16xf32>
      %swap3A_73 = vector.shape_cast %broadcast_in_dim3A_67 : vector<16xf32> to vector<16xf32>
      tpu.vector_store %arg6[%swap3A_70], %swap3A_73 {strides = array<i32>} : memref<640xf32, #tpu.memory_space<vmem>>, vector<16xf32>,
    }
    %scan3A_51 = arith.constant 40 : i32
    %mul3A_52 = arith.constant 640 : i32
    %mul3A_53 = arith.muli %arg1, %mul3A_52 : i32
    "tpu.region"() ({
      %run_scoped3A = tpu.sem_alloc : memref<!tpu.dma_semaphore, #tpu.memory_space<semaphore_mem>>
      %dma_start3A = tpu.memref_slice %arg7[%mul3A_53] : memref<10240xf32, #tpu.memory_space<vmem_shared>> -> memref<640xf32, #tpu.memory_space<vmem_shared>>
      %dma_start3A_65 = tpu.memref_slice %arg7[%mul3A_53] : memref<10240xf32, #tpu.memory_space<vmem_shared>> -> memref<640xf32, #tpu.memory_space<vmem_shared>>
      tpu.enqueue_dma source(%arg6 : memref<640xf32, #tpu.memory_space<vmem>>) target(%dma_start3A_65 : memref<640xf32, #tpu.memory_space<vmem_shared>>) target_semaphore(%run_scoped3A : memref<!tpu.dma_semaphore, #tpu.memory_space<semaphore_mem>>)
      %dma_wait3A = tpu.memref_slice %arg7[%mul3A_53] : memref<10240xf32, #tpu.memory_space<vmem_shared>> -> memref<640xf32, #tpu.memory_space<vmem_shared>>
      %dma_wait3A_66 = tpu.memref_slice %arg7[%mul3A_53] : memref<10240xf32, #tpu.memory_space<vmem_shared>> -> memref<640xf32, #tpu.memory_space<vmem_shared>>
      tpu.wait_dma2 semaphore(%run_scoped3A : memref<!tpu.dma_semaphore, #tpu.memory_space<semaphore_mem>>) src(%arg6 : memref<640xf32, #tpu.memory_space<vmem>>) dst(%dma_wait3A_66 : memref<640xf32, #tpu.memory_space<vmem_shared>>)
      tpu.yield
    }) : () -> ()
    %barrier3A = arith.constant 0 : index
    tpu.barrier barrier_id(%barrier3A)
    "tpu.region"() ({
      %run_scoped3A = tpu.sem_alloc : memref<!tpu.dma_semaphore, #tpu.memory_space<semaphore_mem>>
      %dma_start3A = arith.constant 0 : i32
      %dma_start3A_65 = arith.constant 0 : i32
      %dma_start3A_66 = tpu.memref_slice %arg2[%add3A, %dma_start3A, %dma_start3A_65] : memref<32x80x128xi32, #tpu.memory_space<hbm>> -> memref<1x80x128xi32, #tpu.memory_space<hbm>>
      %dma_start3A_67 = tpu.memref_squeeze %dma_start3A_66 : memref<1x80x128xi32, #tpu.memory_space<hbm>> -> memref<80x128xi32, #tpu.memory_space<hbm>>
      %dma_start3A_68 = arith.constant 0 : i32
      %dma_start3A_69 = arith.constant 0 : i32
      %dma_start3A_70 = tpu.memref_slice %arg2[%add3A, %dma_start3A_68, %dma_start3A_69] : memref<32x80x128xi32, #tpu.memory_space<hbm>> -> memref<1x80x128xi32, #tpu.memory_space<hbm>>
      %dma_start3A_71 = tpu.memref_squeeze %dma_start3A_70 : memref<1x80x128xi32, #tpu.memory_space<hbm>> -> memref<80x128xi32, #tpu.memory_space<hbm>>
      tpu.enqueue_dma source(%dma_start3A_71 : memref<80x128xi32, #tpu.memory_space<hbm>>) target(%arg4 : memref<80x128xi32, #tpu.memory_space<vmem>>) target_semaphore(%run_scoped3A : memref<!tpu.dma_semaphore, #tpu.memory_space<semaphore_mem>>)
      %dma_wait3A = arith.constant 0 : i32
      %dma_wait3A_72 = arith.constant 0 : i32
      %dma_wait3A_73 = tpu.memref_slice %arg2[%add3A, %dma_wait3A, %dma_wait3A_72] : memref<32x80x128xi32, #tpu.memory_space<hbm>> -> memref<1x80x128xi32, #tpu.memory_space<hbm>>
      %dma_wait3A_74 = tpu.memref_squeeze %dma_wait3A_73 : memref<1x80x128xi32, #tpu.memory_space<hbm>> -> memref<80x128xi32, #tpu.memory_space<hbm>>
      %dma_wait3A_75 = arith.constant 0 : i32
      %dma_wait3A_76 = arith.constant 0 : i32
      %dma_wait3A_77 = tpu.memref_slice %arg2[%add3A, %dma_wait3A_75, %dma_wait3A_76] : memref<32x80x128xi32, #tpu.memory_space<hbm>> -> memref<1x80x128xi32, #tpu.memory_space<hbm>>
      %dma_wait3A_78 = tpu.memref_squeeze %dma_wait3A_77 : memref<1x80x128xi32, #tpu.memory_space<hbm>> -> memref<80x128xi32, #tpu.memory_space<hbm>>
      tpu.wait_dma2 semaphore(%run_scoped3A : memref<!tpu.dma_semaphore, #tpu.memory_space<semaphore_mem>>) src(%dma_wait3A_78 : memref<80x128xi32, #tpu.memory_space<hbm>>) dst(%arg4 : memref<80x128xi32, #tpu.memory_space<vmem>>)
      tpu.yield
    }) : () -> ()
    %scan3A_54 = arith.constant 0 : i32
    %scan3A_55 = arith.constant 0 : i32
    %scan3A_56 = arith.constant 80 : i32
    %scan3A_57 = arith.addi %scan3A_55, %scan3A_56 : i32
    %scan3A_58 = arith.constant 1 : i32
    scf.for %scan3A_65 = %scan3A_55 to %scan3A_57 step %scan3A_58  : i32 {
      "tpu.region"() ({
        %run_scoped3A = tpu.sem_alloc : memref<!tpu.dma_semaphore, #tpu.memory_space<semaphore_mem>>
        %dma_start3A = arith.constant 0 : i32
        %dma_start3A_66 = tpu.memref_slice %arg4[%scan3A_65, %dma_start3A] : memref<80x128xi32, #tpu.memory_space<vmem>> -> memref<1x128xi32, #tpu.memory_space<vmem>>
        %dma_start3A_67 = tpu.memref_squeeze %dma_start3A_66 : memref<1x128xi32, #tpu.memory_space<vmem>> -> memref<128xi32, #tpu.memory_space<vmem>>
        %dma_start3A_68 = arith.constant 0 : i32
        %dma_start3A_69 = tpu.memref_slice %arg7[%dma_start3A_68] : memref<10240xf32, #tpu.memory_space<vmem_shared>> -> memref<10240xf32, #tpu.memory_space<vmem_shared>>
        tpu.enqueue_indirect_dma source(%arg5 : memref<128xf32, #tpu.memory_space<vmem>>) target(%dma_start3A_69 : memref<10240xf32, #tpu.memory_space<vmem_shared>>) offsets(%dma_start3A_67 : memref<128xi32, #tpu.memory_space<vmem>>) semaphore(%run_scoped3A : memref<!tpu.dma_semaphore, #tpu.memory_space<semaphore_mem>>) {add = true}
        %dma_wait3A = arith.constant 0 : i32
        %dma_wait3A_70 = tpu.memref_slice %arg4[%scan3A_65, %dma_wait3A] : memref<80x128xi32, #tpu.memory_space<vmem>> -> memref<1x128xi32, #tpu.memory_space<vmem>>
        %dma_wait3A_71 = tpu.memref_squeeze %dma_wait3A_70 : memref<1x128xi32, #tpu.memory_space<vmem>> -> memref<128xi32, #tpu.memory_space<vmem>>
        %dma_wait3A_72 = arith.constant 0 : i32
        %dma_wait3A_73 = tpu.memref_slice %arg7[%dma_wait3A_72] : memref<10240xf32, #tpu.memory_space<vmem_shared>> -> memref<10240xf32, #tpu.memory_space<vmem_shared>>
        tpu.wait_indirect_dma semaphore(%run_scoped3A : memref<!tpu.dma_semaphore, #tpu.memory_space<semaphore_mem>>) src(%arg5 : memref<128xf32, #tpu.memory_space<vmem>>) dst(%dma_wait3A_73 : memref<10240xf32, #tpu.memory_space<vmem_shared>>)
        tpu.yield
      }) : () -> ()
    }
    %scan3A_59 = arith.constant 80 : i32
    %barrier3A_60 = arith.constant 0 : index
    tpu.barrier barrier_id(%barrier3A_60)
    %mul3A_61 = arith.constant 640 : i32
    %mul3A_62 = arith.muli %arg1, %mul3A_61 : i32
    %mul3A_63 = arith.constant 640 : i32
    %mul3A_64 = arith.muli %arg1, %mul3A_63 : i32
    "tpu.region"() ({
      %run_scoped3A = tpu.sem_alloc : memref<!tpu.dma_semaphore, #tpu.memory_space<semaphore_mem>>
      %dma_start3A = tpu.memref_slice %arg3[%arg0, %mul3A_64] : memref<2x10240xf32, #tpu.memory_space<hbm>> -> memref<1x640xf32, #tpu.memory_space<hbm>>
      %dma_start3A_65 = tpu.memref_squeeze %dma_start3A : memref<1x640xf32, #tpu.memory_space<hbm>> -> memref<640xf32, #tpu.memory_space<hbm>>
      %dma_start3A_66 = tpu.memref_slice %arg7[%mul3A_62] : memref<10240xf32, #tpu.memory_space<vmem_shared>> -> memref<640xf32, #tpu.memory_space<vmem_shared>>
      tpu.enqueue_dma source(%dma_start3A_66 : memref<640xf32, #tpu.memory_space<vmem_shared>>) target(%dma_start3A_65 : memref<640xf32, #tpu.memory_space<hbm>>) target_semaphore(%run_scoped3A : memref<!tpu.dma_semaphore, #tpu.memory_space<semaphore_mem>>)
      %dma_wait3A = tpu.memref_slice %arg3[%arg0, %mul3A_64] : memref<2x10240xf32, #tpu.memory_space<hbm>> -> memref<1x640xf32, #tpu.memory_space<hbm>>
      %dma_wait3A_67 = tpu.memref_squeeze %dma_wait3A : memref<1x640xf32, #tpu.memory_space<hbm>> -> memref<640xf32, #tpu.memory_space<hbm>>
      %dma_wait3A_68 = tpu.memref_slice %arg7[%mul3A_62] : memref<10240xf32, #tpu.memory_space<vmem_shared>> -> memref<640xf32, #tpu.memory_space<vmem_shared>>
      tpu.wait_dma2 semaphore(%run_scoped3A : memref<!tpu.dma_semaphore, #tpu.memory_space<semaphore_mem>>) src(%dma_wait3A_68 : memref<640xf32, #tpu.memory_space<vmem_shared>>) dst(%dma_wait3A_67 : memref<640xf32, #tpu.memory_space<hbm>>)
      tpu.yield
    }) : () -> ()
    return
  }
}

#map = affine_map<(d0, d1) -> (0, 0)>
#map1 = affine_map<(d0, d1) -> (0, 0, 0, 0)>
#map2 = affine_map<(d0, d1) -> (0, 0, 0)>
module attributes {stable_mosaic.version = 14 : i64} {
  func.func @_scatter_body(%arg0: i32, %arg1: i32, %arg2: memref<10000x128xf32, #tpu.memory_space<hbm>>, %arg3: memref<32x80x2x128xi32, #tpu.memory_space<hbm>>, %arg4: memref<2x10240x128xf32, #tpu.memory_space<hbm>>, %arg5: memref<2x2x128xi32, #tpu.memory_space<vmem>>, %arg6: memref<2x128x128xf32, #tpu.memory_space<vmem>>, %arg7: memref<10240x128xf32, #tpu.memory_space<vmem_shared>>, %arg8: memref<!tpu.dma_semaphore, #tpu.memory_space<semaphore_mem>>, %arg9: memref<!tpu.dma_semaphore, #tpu.memory_space<semaphore_mem>>, %arg10: memref<!tpu.dma_semaphore, #tpu.memory_space<semaphore_mem>>, %arg11: memref<!tpu.dma_semaphore, #tpu.memory_space<semaphore_mem>>) attributes {dimension_semantics = [#tpu.dimension_semantics<core_parallel>, #tpu.dimension_semantics<subcore_parallel>], iteration_bounds = array<i64: 2, 16>, scalar_prefetch = 0 : i64, scratch_operands = 7 : i64, tpu.core_type = #tpu.core_type<sc_vector_subcore>, window_params = [{transform_indices = #map}, {transform_indices = #map1}, {transform_indices = #map2}]} {
    %mul3A = arith.constant 16 : i32
    %mul3A_0 = arith.muli %arg0, %mul3A : i32
    %add3A = arith.addi %mul3A_0, %arg1 : i32
    %scan3A = arith.constant 0 : i32
    %scan3A_1 = arith.constant 0 : i32
    %scan3A_2 = arith.constant 128 : i32
    %scan3A_3 = arith.addi %scan3A_1, %scan3A_2 : i32
    %scan3A_4 = arith.constant 1 : i32
    scf.for %scan3A_205 = %scan3A_1 to %scan3A_3 step %scan3A_4  : i32 {
      %broadcast_in_dim3A = arith.constant 0.000000e+00 : f32
      %broadcast_in_dim3A_206 = vector.broadcast %broadcast_in_dim3A : f32 to vector<16xf32>
      %swap3A = arith.constant 0 : i32
      %swap3A_207 = arith.index_cast %swap3A : i32 to index
      %swap3A_208 = arith.index_cast %scan3A_205 : i32 to index
      %swap3A_209 = arith.constant 0 : index
      %swap3A_210 = tpu.vector_load %arg6[%swap3A_207, %swap3A_208, %swap3A_209] {strides = array<i32>} : memref<2x128x128xf32, #tpu.memory_space<vmem>>, vector<1x1x16xf32>,
      %swap3A_211 = vector.shape_cast %swap3A_210 : vector<1x1x16xf32> to vector<16xf32>
      %swap3A_212 = vector.shape_cast %broadcast_in_dim3A_206 : vector<16xf32> to vector<1x1x16xf32>
      tpu.vector_store %arg6[%swap3A_207, %swap3A_208, %swap3A_209], %swap3A_212 {strides = array<i32>} : memref<2x128x128xf32, #tpu.memory_space<vmem>>, vector<1x1x16xf32>,
      %broadcast_in_dim3A_213 = arith.constant 0.000000e+00 : f32
      %broadcast_in_dim3A_214 = vector.broadcast %broadcast_in_dim3A_213 : f32 to vector<16xf32>
      %swap3A_215 = arith.constant 0 : i32
      %swap3A_216 = arith.index_cast %swap3A_215 : i32 to index
      %swap3A_217 = arith.index_cast %scan3A_205 : i32 to index
      %swap3A_218 = arith.constant 16 : index
      %swap3A_219 = tpu.vector_load %arg6[%swap3A_216, %swap3A_217, %swap3A_218] {strides = array<i32>} : memref<2x128x128xf32, #tpu.memory_space<vmem>>, vector<1x1x16xf32>,
      %swap3A_220 = vector.shape_cast %swap3A_219 : vector<1x1x16xf32> to vector<16xf32>
      %swap3A_221 = vector.shape_cast %broadcast_in_dim3A_214 : vector<16xf32> to vector<1x1x16xf32>
      tpu.vector_store %arg6[%swap3A_216, %swap3A_217, %swap3A_218], %swap3A_221 {strides = array<i32>} : memref<2x128x128xf32, #tpu.memory_space<vmem>>, vector<1x1x16xf32>,
      %broadcast_in_dim3A_222 = arith.constant 0.000000e+00 : f32
      %broadcast_in_dim3A_223 = vector.broadcast %broadcast_in_dim3A_222 : f32 to vector<16xf32>
      %swap3A_224 = arith.constant 0 : i32
      %swap3A_225 = arith.index_cast %swap3A_224 : i32 to index
      %swap3A_226 = arith.index_cast %scan3A_205 : i32 to index
      %swap3A_227 = arith.constant 32 : index
      %swap3A_228 = tpu.vector_load %arg6[%swap3A_225, %swap3A_226, %swap3A_227] {strides = array<i32>} : memref<2x128x128xf32, #tpu.memory_space<vmem>>, vector<1x1x16xf32>,
      %swap3A_229 = vector.shape_cast %swap3A_228 : vector<1x1x16xf32> to vector<16xf32>
      %swap3A_230 = vector.shape_cast %broadcast_in_dim3A_223 : vector<16xf32> to vector<1x1x16xf32>
      tpu.vector_store %arg6[%swap3A_225, %swap3A_226, %swap3A_227], %swap3A_230 {strides = array<i32>} : memref<2x128x128xf32, #tpu.memory_space<vmem>>, vector<1x1x16xf32>,
      %broadcast_in_dim3A_231 = arith.constant 0.000000e+00 : f32
      %broadcast_in_dim3A_232 = vector.broadcast %broadcast_in_dim3A_231 : f32 to vector<16xf32>
      %swap3A_233 = arith.constant 0 : i32
      %swap3A_234 = arith.index_cast %swap3A_233 : i32 to index
      %swap3A_235 = arith.index_cast %scan3A_205 : i32 to index
      %swap3A_236 = arith.constant 48 : index
      %swap3A_237 = tpu.vector_load %arg6[%swap3A_234, %swap3A_235, %swap3A_236] {strides = array<i32>} : memref<2x128x128xf32, #tpu.memory_space<vmem>>, vector<1x1x16xf32>,
      %swap3A_238 = vector.shape_cast %swap3A_237 : vector<1x1x16xf32> to vector<16xf32>
      %swap3A_239 = vector.shape_cast %broadcast_in_dim3A_232 : vector<16xf32> to vector<1x1x16xf32>
      tpu.vector_store %arg6[%swap3A_234, %swap3A_235, %swap3A_236], %swap3A_239 {strides = array<i32>} : memref<2x128x128xf32, #tpu.memory_space<vmem>>, vector<1x1x16xf32>,
      %broadcast_in_dim3A_240 = arith.constant 0.000000e+00 : f32
      %broadcast_in_dim3A_241 = vector.broadcast %broadcast_in_dim3A_240 : f32 to vector<16xf32>
      %swap3A_242 = arith.constant 0 : i32
      %swap3A_243 = arith.index_cast %swap3A_242 : i32 to index
      %swap3A_244 = arith.index_cast %scan3A_205 : i32 to index
      %swap3A_245 = arith.constant 64 : index
      %swap3A_246 = tpu.vector_load %arg6[%swap3A_243, %swap3A_244, %swap3A_245] {strides = array<i32>} : memref<2x128x128xf32, #tpu.memory_space<vmem>>, vector<1x1x16xf32>,
      %swap3A_247 = vector.shape_cast %swap3A_246 : vector<1x1x16xf32> to vector<16xf32>
      %swap3A_248 = vector.shape_cast %broadcast_in_dim3A_241 : vector<16xf32> to vector<1x1x16xf32>
      tpu.vector_store %arg6[%swap3A_243, %swap3A_244, %swap3A_245], %swap3A_248 {strides = array<i32>} : memref<2x128x128xf32, #tpu.memory_space<vmem>>, vector<1x1x16xf32>,
      %broadcast_in_dim3A_249 = arith.constant 0.000000e+00 : f32
      %broadcast_in_dim3A_250 = vector.broadcast %broadcast_in_dim3A_249 : f32 to vector<16xf32>
      %swap3A_251 = arith.constant 0 : i32
      %swap3A_252 = arith.index_cast %swap3A_251 : i32 to index
      %swap3A_253 = arith.index_cast %scan3A_205 : i32 to index
      %swap3A_254 = arith.constant 80 : index
      %swap3A_255 = tpu.vector_load %arg6[%swap3A_252, %swap3A_253, %swap3A_254] {strides = array<i32>} : memref<2x128x128xf32, #tpu.memory_space<vmem>>, vector<1x1x16xf32>,
      %swap3A_256 = vector.shape_cast %swap3A_255 : vector<1x1x16xf32> to vector<16xf32>
      %swap3A_257 = vector.shape_cast %broadcast_in_dim3A_250 : vector<16xf32> to vector<1x1x16xf32>
      tpu.vector_store %arg6[%swap3A_252, %swap3A_253, %swap3A_254], %swap3A_257 {strides = array<i32>} : memref<2x128x128xf32, #tpu.memory_space<vmem>>, vector<1x1x16xf32>,
      %broadcast_in_dim3A_258 = arith.constant 0.000000e+00 : f32
      %broadcast_in_dim3A_259 = vector.broadcast %broadcast_in_dim3A_258 : f32 to vector<16xf32>
      %swap3A_260 = arith.constant 0 : i32
      %swap3A_261 = arith.index_cast %swap3A_260 : i32 to index
      %swap3A_262 = arith.index_cast %scan3A_205 : i32 to index
      %swap3A_263 = arith.constant 96 : index
      %swap3A_264 = tpu.vector_load %arg6[%swap3A_261, %swap3A_262, %swap3A_263] {strides = array<i32>} : memref<2x128x128xf32, #tpu.memory_space<vmem>>, vector<1x1x16xf32>,
      %swap3A_265 = vector.shape_cast %swap3A_264 : vector<1x1x16xf32> to vector<16xf32>
      %swap3A_266 = vector.shape_cast %broadcast_in_dim3A_259 : vector<16xf32> to vector<1x1x16xf32>
      tpu.vector_store %arg6[%swap3A_261, %swap3A_262, %swap3A_263], %swap3A_266 {strides = array<i32>} : memref<2x128x128xf32, #tpu.memory_space<vmem>>, vector<1x1x16xf32>,
      %broadcast_in_dim3A_267 = arith.constant 0.000000e+00 : f32
      %broadcast_in_dim3A_268 = vector.broadcast %broadcast_in_dim3A_267 : f32 to vector<16xf32>
      %swap3A_269 = arith.constant 0 : i32
      %swap3A_270 = arith.index_cast %swap3A_269 : i32 to index
      %swap3A_271 = arith.index_cast %scan3A_205 : i32 to index
      %swap3A_272 = arith.constant 112 : index
      %swap3A_273 = tpu.vector_load %arg6[%swap3A_270, %swap3A_271, %swap3A_272] {strides = array<i32>} : memref<2x128x128xf32, #tpu.memory_space<vmem>>, vector<1x1x16xf32>,
      %swap3A_274 = vector.shape_cast %swap3A_273 : vector<1x1x16xf32> to vector<16xf32>
      %swap3A_275 = vector.shape_cast %broadcast_in_dim3A_268 : vector<16xf32> to vector<1x1x16xf32>
      tpu.vector_store %arg6[%swap3A_270, %swap3A_271, %swap3A_272], %swap3A_275 {strides = array<i32>} : memref<2x128x128xf32, #tpu.memory_space<vmem>>, vector<1x1x16xf32>,
    }
    %scan3A_5 = arith.constant 128 : i32
    %mul3A_6 = arith.constant 640 : i32
    %mul3A_7 = arith.muli %arg1, %mul3A_6 : i32
    %add3A_8 = arith.constant 0 : i32
    %add3A_9 = arith.addi %mul3A_7, %add3A_8 : i32
    %run_scoped3A = arith.constant 0 : i32
    "tpu.region"() ({
      %run_scoped3A_205 = tpu.sem_alloc : memref<!tpu.dma_semaphore, #tpu.memory_space<semaphore_mem>>
      %dma_start3A_206 = arith.constant 0 : i32
      %dma_start3A_207 = arith.constant 0 : i32
      %dma_start3A_208 = tpu.memref_slice %arg6[%run_scoped3A, %dma_start3A_206, %dma_start3A_207] : memref<2x128x128xf32, #tpu.memory_space<vmem>> -> memref<1x128x128xf32, #tpu.memory_space<vmem>>
      %dma_start3A_209 = tpu.memref_squeeze %dma_start3A_208 : memref<1x128x128xf32, #tpu.memory_space<vmem>> -> memref<128x128xf32, #tpu.memory_space<vmem>>
      %dma_start3A_210 = arith.constant 0 : i32
      %dma_start3A_211 = tpu.memref_slice %arg7[%add3A_9, %dma_start3A_210] : memref<10240x128xf32, #tpu.memory_space<vmem_shared>> -> memref<128x128xf32, #tpu.memory_space<vmem_shared>>
      %dma_start3A_212 = arith.constant 0 : i32
      %dma_start3A_213 = tpu.memref_slice %arg7[%add3A_9, %dma_start3A_212] : memref<10240x128xf32, #tpu.memory_space<vmem_shared>> -> memref<128x128xf32, #tpu.memory_space<vmem_shared>>
      %dma_start3A_214 = arith.constant 0 : i32
      %dma_start3A_215 = arith.constant 0 : i32
      %dma_start3A_216 = tpu.memref_slice %arg6[%run_scoped3A, %dma_start3A_214, %dma_start3A_215] : memref<2x128x128xf32, #tpu.memory_space<vmem>> -> memref<1x128x128xf32, #tpu.memory_space<vmem>>
      %dma_start3A_217 = tpu.memref_squeeze %dma_start3A_216 : memref<1x128x128xf32, #tpu.memory_space<vmem>> -> memref<128x128xf32, #tpu.memory_space<vmem>>
      tpu.enqueue_dma source(%dma_start3A_217 : memref<128x128xf32, #tpu.memory_space<vmem>>) target(%dma_start3A_213 : memref<128x128xf32, #tpu.memory_space<vmem_shared>>) target_semaphore(%run_scoped3A_205 : memref<!tpu.dma_semaphore, #tpu.memory_space<semaphore_mem>>)
      %dma_wait3A_218 = arith.constant 0 : i32
      %dma_wait3A_219 = arith.constant 0 : i32
      %dma_wait3A_220 = tpu.memref_slice %arg6[%run_scoped3A, %dma_wait3A_218, %dma_wait3A_219] : memref<2x128x128xf32, #tpu.memory_space<vmem>> -> memref<1x128x128xf32, #tpu.memory_space<vmem>>
      %dma_wait3A_221 = tpu.memref_squeeze %dma_wait3A_220 : memref<1x128x128xf32, #tpu.memory_space<vmem>> -> memref<128x128xf32, #tpu.memory_space<vmem>>
      %dma_wait3A_222 = arith.constant 0 : i32
      %dma_wait3A_223 = tpu.memref_slice %arg7[%add3A_9, %dma_wait3A_222] : memref<10240x128xf32, #tpu.memory_space<vmem_shared>> -> memref<128x128xf32, #tpu.memory_space<vmem_shared>>
      %dma_wait3A_224 = arith.constant 0 : i32
      %dma_wait3A_225 = tpu.memref_slice %arg7[%add3A_9, %dma_wait3A_224] : memref<10240x128xf32, #tpu.memory_space<vmem_shared>> -> memref<128x128xf32, #tpu.memory_space<vmem_shared>>
      %dma_wait3A_226 = arith.constant 0 : i32
      %dma_wait3A_227 = arith.constant 0 : i32
      %dma_wait3A_228 = tpu.memref_slice %arg6[%run_scoped3A, %dma_wait3A_226, %dma_wait3A_227] : memref<2x128x128xf32, #tpu.memory_space<vmem>> -> memref<1x128x128xf32, #tpu.memory_space<vmem>>
      %dma_wait3A_229 = tpu.memref_squeeze %dma_wait3A_228 : memref<1x128x128xf32, #tpu.memory_space<vmem>> -> memref<128x128xf32, #tpu.memory_space<vmem>>
      tpu.wait_dma2 semaphore(%run_scoped3A_205 : memref<!tpu.dma_semaphore, #tpu.memory_space<semaphore_mem>>) src(%dma_wait3A_229 : memref<128x128xf32, #tpu.memory_space<vmem>>) dst(%dma_wait3A_225 : memref<128x128xf32, #tpu.memory_space<vmem_shared>>)
      tpu.yield
    }) : () -> ()
    %mul3A_10 = arith.constant 640 : i32
    %mul3A_11 = arith.muli %arg1, %mul3A_10 : i32
    %add3A_12 = arith.constant 128 : i32
    %add3A_13 = arith.addi %mul3A_11, %add3A_12 : i32
    %run_scoped3A_14 = arith.constant 0 : i32
    "tpu.region"() ({
      %run_scoped3A_205 = tpu.sem_alloc : memref<!tpu.dma_semaphore, #tpu.memory_space<semaphore_mem>>
      %dma_start3A_206 = arith.constant 0 : i32
      %dma_start3A_207 = arith.constant 0 : i32
      %dma_start3A_208 = tpu.memref_slice %arg6[%run_scoped3A_14, %dma_start3A_206, %dma_start3A_207] : memref<2x128x128xf32, #tpu.memory_space<vmem>> -> memref<1x128x128xf32, #tpu.memory_space<vmem>>
      %dma_start3A_209 = tpu.memref_squeeze %dma_start3A_208 : memref<1x128x128xf32, #tpu.memory_space<vmem>> -> memref<128x128xf32, #tpu.memory_space<vmem>>
      %dma_start3A_210 = arith.constant 0 : i32
      %dma_start3A_211 = tpu.memref_slice %arg7[%add3A_13, %dma_start3A_210] : memref<10240x128xf32, #tpu.memory_space<vmem_shared>> -> memref<128x128xf32, #tpu.memory_space<vmem_shared>>
      %dma_start3A_212 = arith.constant 0 : i32
      %dma_start3A_213 = tpu.memref_slice %arg7[%add3A_13, %dma_start3A_212] : memref<10240x128xf32, #tpu.memory_space<vmem_shared>> -> memref<128x128xf32, #tpu.memory_space<vmem_shared>>
      %dma_start3A_214 = arith.constant 0 : i32
      %dma_start3A_215 = arith.constant 0 : i32
      %dma_start3A_216 = tpu.memref_slice %arg6[%run_scoped3A_14, %dma_start3A_214, %dma_start3A_215] : memref<2x128x128xf32, #tpu.memory_space<vmem>> -> memref<1x128x128xf32, #tpu.memory_space<vmem>>
      %dma_start3A_217 = tpu.memref_squeeze %dma_start3A_216 : memref<1x128x128xf32, #tpu.memory_space<vmem>> -> memref<128x128xf32, #tpu.memory_space<vmem>>
      tpu.enqueue_dma source(%dma_start3A_217 : memref<128x128xf32, #tpu.memory_space<vmem>>) target(%dma_start3A_213 : memref<128x128xf32, #tpu.memory_space<vmem_shared>>) target_semaphore(%run_scoped3A_205 : memref<!tpu.dma_semaphore, #tpu.memory_space<semaphore_mem>>)
      %dma_wait3A_218 = arith.constant 0 : i32
      %dma_wait3A_219 = arith.constant 0 : i32
      %dma_wait3A_220 = tpu.memref_slice %arg6[%run_scoped3A_14, %dma_wait3A_218, %dma_wait3A_219] : memref<2x128x128xf32, #tpu.memory_space<vmem>> -> memref<1x128x128xf32, #tpu.memory_space<vmem>>
      %dma_wait3A_221 = tpu.memref_squeeze %dma_wait3A_220 : memref<1x128x128xf32, #tpu.memory_space<vmem>> -> memref<128x128xf32, #tpu.memory_space<vmem>>
      %dma_wait3A_222 = arith.constant 0 : i32
      %dma_wait3A_223 = tpu.memref_slice %arg7[%add3A_13, %dma_wait3A_222] : memref<10240x128xf32, #tpu.memory_space<vmem_shared>> -> memref<128x128xf32, #tpu.memory_space<vmem_shared>>
      %dma_wait3A_224 = arith.constant 0 : i32
      %dma_wait3A_225 = tpu.memref_slice %arg7[%add3A_13, %dma_wait3A_224] : memref<10240x128xf32, #tpu.memory_space<vmem_shared>> -> memref<128x128xf32, #tpu.memory_space<vmem_shared>>
      %dma_wait3A_226 = arith.constant 0 : i32
      %dma_wait3A_227 = arith.constant 0 : i32
      %dma_wait3A_228 = tpu.memref_slice %arg6[%run_scoped3A_14, %dma_wait3A_226, %dma_wait3A_227] : memref<2x128x128xf32, #tpu.memory_space<vmem>> -> memref<1x128x128xf32, #tpu.memory_space<vmem>>
      %dma_wait3A_229 = tpu.memref_squeeze %dma_wait3A_228 : memref<1x128x128xf32, #tpu.memory_space<vmem>> -> memref<128x128xf32, #tpu.memory_space<vmem>>
      tpu.wait_dma2 semaphore(%run_scoped3A_205 : memref<!tpu.dma_semaphore, #tpu.memory_space<semaphore_mem>>) src(%dma_wait3A_229 : memref<128x128xf32, #tpu.memory_space<vmem>>) dst(%dma_wait3A_225 : memref<128x128xf32, #tpu.memory_space<vmem_shared>>)
      tpu.yield
    }) : () -> ()
    %mul3A_15 = arith.constant 640 : i32
    %mul3A_16 = arith.muli %arg1, %mul3A_15 : i32
    %add3A_17 = arith.constant 256 : i32
    %add3A_18 = arith.addi %mul3A_16, %add3A_17 : i32
    %run_scoped3A_19 = arith.constant 0 : i32
    "tpu.region"() ({
      %run_scoped3A_205 = tpu.sem_alloc : memref<!tpu.dma_semaphore, #tpu.memory_space<semaphore_mem>>
      %dma_start3A_206 = arith.constant 0 : i32
      %dma_start3A_207 = arith.constant 0 : i32
      %dma_start3A_208 = tpu.memref_slice %arg6[%run_scoped3A_19, %dma_start3A_206, %dma_start3A_207] : memref<2x128x128xf32, #tpu.memory_space<vmem>> -> memref<1x128x128xf32, #tpu.memory_space<vmem>>
      %dma_start3A_209 = tpu.memref_squeeze %dma_start3A_208 : memref<1x128x128xf32, #tpu.memory_space<vmem>> -> memref<128x128xf32, #tpu.memory_space<vmem>>
      %dma_start3A_210 = arith.constant 0 : i32
      %dma_start3A_211 = tpu.memref_slice %arg7[%add3A_18, %dma_start3A_210] : memref<10240x128xf32, #tpu.memory_space<vmem_shared>> -> memref<128x128xf32, #tpu.memory_space<vmem_shared>>
      %dma_start3A_212 = arith.constant 0 : i32
      %dma_start3A_213 = tpu.memref_slice %arg7[%add3A_18, %dma_start3A_212] : memref<10240x128xf32, #tpu.memory_space<vmem_shared>> -> memref<128x128xf32, #tpu.memory_space<vmem_shared>>
      %dma_start3A_214 = arith.constant 0 : i32
      %dma_start3A_215 = arith.constant 0 : i32
      %dma_start3A_216 = tpu.memref_slice %arg6[%run_scoped3A_19, %dma_start3A_214, %dma_start3A_215] : memref<2x128x128xf32, #tpu.memory_space<vmem>> -> memref<1x128x128xf32, #tpu.memory_space<vmem>>
      %dma_start3A_217 = tpu.memref_squeeze %dma_start3A_216 : memref<1x128x128xf32, #tpu.memory_space<vmem>> -> memref<128x128xf32, #tpu.memory_space<vmem>>
      tpu.enqueue_dma source(%dma_start3A_217 : memref<128x128xf32, #tpu.memory_space<vmem>>) target(%dma_start3A_213 : memref<128x128xf32, #tpu.memory_space<vmem_shared>>) target_semaphore(%run_scoped3A_205 : memref<!tpu.dma_semaphore, #tpu.memory_space<semaphore_mem>>)
      %dma_wait3A_218 = arith.constant 0 : i32
      %dma_wait3A_219 = arith.constant 0 : i32
      %dma_wait3A_220 = tpu.memref_slice %arg6[%run_scoped3A_19, %dma_wait3A_218, %dma_wait3A_219] : memref<2x128x128xf32, #tpu.memory_space<vmem>> -> memref<1x128x128xf32, #tpu.memory_space<vmem>>
      %dma_wait3A_221 = tpu.memref_squeeze %dma_wait3A_220 : memref<1x128x128xf32, #tpu.memory_space<vmem>> -> memref<128x128xf32, #tpu.memory_space<vmem>>
      %dma_wait3A_222 = arith.constant 0 : i32
      %dma_wait3A_223 = tpu.memref_slice %arg7[%add3A_18, %dma_wait3A_222] : memref<10240x128xf32, #tpu.memory_space<vmem_shared>> -> memref<128x128xf32, #tpu.memory_space<vmem_shared>>
      %dma_wait3A_224 = arith.constant 0 : i32
      %dma_wait3A_225 = tpu.memref_slice %arg7[%add3A_18, %dma_wait3A_224] : memref<10240x128xf32, #tpu.memory_space<vmem_shared>> -> memref<128x128xf32, #tpu.memory_space<vmem_shared>>
      %dma_wait3A_226 = arith.constant 0 : i32
      %dma_wait3A_227 = arith.constant 0 : i32
      %dma_wait3A_228 = tpu.memref_slice %arg6[%run_scoped3A_19, %dma_wait3A_226, %dma_wait3A_227] : memref<2x128x128xf32, #tpu.memory_space<vmem>> -> memref<1x128x128xf32, #tpu.memory_space<vmem>>
      %dma_wait3A_229 = tpu.memref_squeeze %dma_wait3A_228 : memref<1x128x128xf32, #tpu.memory_space<vmem>> -> memref<128x128xf32, #tpu.memory_space<vmem>>
      tpu.wait_dma2 semaphore(%run_scoped3A_205 : memref<!tpu.dma_semaphore, #tpu.memory_space<semaphore_mem>>) src(%dma_wait3A_229 : memref<128x128xf32, #tpu.memory_space<vmem>>) dst(%dma_wait3A_225 : memref<128x128xf32, #tpu.memory_space<vmem_shared>>)
      tpu.yield
    }) : () -> ()
    %mul3A_20 = arith.constant 640 : i32
    %mul3A_21 = arith.muli %arg1, %mul3A_20 : i32
    %add3A_22 = arith.constant 384 : i32
    %add3A_23 = arith.addi %mul3A_21, %add3A_22 : i32
    %run_scoped3A_24 = arith.constant 0 : i32
    "tpu.region"() ({
      %run_scoped3A_205 = tpu.sem_alloc : memref<!tpu.dma_semaphore, #tpu.memory_space<semaphore_mem>>
      %dma_start3A_206 = arith.constant 0 : i32
      %dma_start3A_207 = arith.constant 0 : i32
      %dma_start3A_208 = tpu.memref_slice %arg6[%run_scoped3A_24, %dma_start3A_206, %dma_start3A_207] : memref<2x128x128xf32, #tpu.memory_space<vmem>> -> memref<1x128x128xf32, #tpu.memory_space<vmem>>
      %dma_start3A_209 = tpu.memref_squeeze %dma_start3A_208 : memref<1x128x128xf32, #tpu.memory_space<vmem>> -> memref<128x128xf32, #tpu.memory_space<vmem>>
      %dma_start3A_210 = arith.constant 0 : i32
      %dma_start3A_211 = tpu.memref_slice %arg7[%add3A_23, %dma_start3A_210] : memref<10240x128xf32, #tpu.memory_space<vmem_shared>> -> memref<128x128xf32, #tpu.memory_space<vmem_shared>>
      %dma_start3A_212 = arith.constant 0 : i32
      %dma_start3A_213 = tpu.memref_slice %arg7[%add3A_23, %dma_start3A_212] : memref<10240x128xf32, #tpu.memory_space<vmem_shared>> -> memref<128x128xf32, #tpu.memory_space<vmem_shared>>
      %dma_start3A_214 = arith.constant 0 : i32
      %dma_start3A_215 = arith.constant 0 : i32
      %dma_start3A_216 = tpu.memref_slice %arg6[%run_scoped3A_24, %dma_start3A_214, %dma_start3A_215] : memref<2x128x128xf32, #tpu.memory_space<vmem>> -> memref<1x128x128xf32, #tpu.memory_space<vmem>>
      %dma_start3A_217 = tpu.memref_squeeze %dma_start3A_216 : memref<1x128x128xf32, #tpu.memory_space<vmem>> -> memref<128x128xf32, #tpu.memory_space<vmem>>
      tpu.enqueue_dma source(%dma_start3A_217 : memref<128x128xf32, #tpu.memory_space<vmem>>) target(%dma_start3A_213 : memref<128x128xf32, #tpu.memory_space<vmem_shared>>) target_semaphore(%run_scoped3A_205 : memref<!tpu.dma_semaphore, #tpu.memory_space<semaphore_mem>>)
      %dma_wait3A_218 = arith.constant 0 : i32
      %dma_wait3A_219 = arith.constant 0 : i32
      %dma_wait3A_220 = tpu.memref_slice %arg6[%run_scoped3A_24, %dma_wait3A_218, %dma_wait3A_219] : memref<2x128x128xf32, #tpu.memory_space<vmem>> -> memref<1x128x128xf32, #tpu.memory_space<vmem>>
      %dma_wait3A_221 = tpu.memref_squeeze %dma_wait3A_220 : memref<1x128x128xf32, #tpu.memory_space<vmem>> -> memref<128x128xf32, #tpu.memory_space<vmem>>
      %dma_wait3A_222 = arith.constant 0 : i32
      %dma_wait3A_223 = tpu.memref_slice %arg7[%add3A_23, %dma_wait3A_222] : memref<10240x128xf32, #tpu.memory_space<vmem_shared>> -> memref<128x128xf32, #tpu.memory_space<vmem_shared>>
      %dma_wait3A_224 = arith.constant 0 : i32
      %dma_wait3A_225 = tpu.memref_slice %arg7[%add3A_23, %dma_wait3A_224] : memref<10240x128xf32, #tpu.memory_space<vmem_shared>> -> memref<128x128xf32, #tpu.memory_space<vmem_shared>>
      %dma_wait3A_226 = arith.constant 0 : i32
      %dma_wait3A_227 = arith.constant 0 : i32
      %dma_wait3A_228 = tpu.memref_slice %arg6[%run_scoped3A_24, %dma_wait3A_226, %dma_wait3A_227] : memref<2x128x128xf32, #tpu.memory_space<vmem>> -> memref<1x128x128xf32, #tpu.memory_space<vmem>>
      %dma_wait3A_229 = tpu.memref_squeeze %dma_wait3A_228 : memref<1x128x128xf32, #tpu.memory_space<vmem>> -> memref<128x128xf32, #tpu.memory_space<vmem>>
      tpu.wait_dma2 semaphore(%run_scoped3A_205 : memref<!tpu.dma_semaphore, #tpu.memory_space<semaphore_mem>>) src(%dma_wait3A_229 : memref<128x128xf32, #tpu.memory_space<vmem>>) dst(%dma_wait3A_225 : memref<128x128xf32, #tpu.memory_space<vmem_shared>>)
      tpu.yield
    }) : () -> ()
    %mul3A_25 = arith.constant 640 : i32
    %mul3A_26 = arith.muli %arg1, %mul3A_25 : i32
    %add3A_27 = arith.constant 512 : i32
    %add3A_28 = arith.addi %mul3A_26, %add3A_27 : i32
    %run_scoped3A_29 = arith.constant 0 : i32
    "tpu.region"() ({
      %run_scoped3A_205 = tpu.sem_alloc : memref<!tpu.dma_semaphore, #tpu.memory_space<semaphore_mem>>
      %dma_start3A_206 = arith.constant 0 : i32
      %dma_start3A_207 = arith.constant 0 : i32
      %dma_start3A_208 = tpu.memref_slice %arg6[%run_scoped3A_29, %dma_start3A_206, %dma_start3A_207] : memref<2x128x128xf32, #tpu.memory_space<vmem>> -> memref<1x128x128xf32, #tpu.memory_space<vmem>>
      %dma_start3A_209 = tpu.memref_squeeze %dma_start3A_208 : memref<1x128x128xf32, #tpu.memory_space<vmem>> -> memref<128x128xf32, #tpu.memory_space<vmem>>
      %dma_start3A_210 = arith.constant 0 : i32
      %dma_start3A_211 = tpu.memref_slice %arg7[%add3A_28, %dma_start3A_210] : memref<10240x128xf32, #tpu.memory_space<vmem_shared>> -> memref<128x128xf32, #tpu.memory_space<vmem_shared>>
      %dma_start3A_212 = arith.constant 0 : i32
      %dma_start3A_213 = tpu.memref_slice %arg7[%add3A_28, %dma_start3A_212] : memref<10240x128xf32, #tpu.memory_space<vmem_shared>> -> memref<128x128xf32, #tpu.memory_space<vmem_shared>>
      %dma_start3A_214 = arith.constant 0 : i32
      %dma_start3A_215 = arith.constant 0 : i32
      %dma_start3A_216 = tpu.memref_slice %arg6[%run_scoped3A_29, %dma_start3A_214, %dma_start3A_215] : memref<2x128x128xf32, #tpu.memory_space<vmem>> -> memref<1x128x128xf32, #tpu.memory_space<vmem>>
      %dma_start3A_217 = tpu.memref_squeeze %dma_start3A_216 : memref<1x128x128xf32, #tpu.memory_space<vmem>> -> memref<128x128xf32, #tpu.memory_space<vmem>>
      tpu.enqueue_dma source(%dma_start3A_217 : memref<128x128xf32, #tpu.memory_space<vmem>>) target(%dma_start3A_213 : memref<128x128xf32, #tpu.memory_space<vmem_shared>>) target_semaphore(%run_scoped3A_205 : memref<!tpu.dma_semaphore, #tpu.memory_space<semaphore_mem>>)
      %dma_wait3A_218 = arith.constant 0 : i32
      %dma_wait3A_219 = arith.constant 0 : i32
      %dma_wait3A_220 = tpu.memref_slice %arg6[%run_scoped3A_29, %dma_wait3A_218, %dma_wait3A_219] : memref<2x128x128xf32, #tpu.memory_space<vmem>> -> memref<1x128x128xf32, #tpu.memory_space<vmem>>
      %dma_wait3A_221 = tpu.memref_squeeze %dma_wait3A_220 : memref<1x128x128xf32, #tpu.memory_space<vmem>> -> memref<128x128xf32, #tpu.memory_space<vmem>>
      %dma_wait3A_222 = arith.constant 0 : i32
      %dma_wait3A_223 = tpu.memref_slice %arg7[%add3A_28, %dma_wait3A_222] : memref<10240x128xf32, #tpu.memory_space<vmem_shared>> -> memref<128x128xf32, #tpu.memory_space<vmem_shared>>
      %dma_wait3A_224 = arith.constant 0 : i32
      %dma_wait3A_225 = tpu.memref_slice %arg7[%add3A_28, %dma_wait3A_224] : memref<10240x128xf32, #tpu.memory_space<vmem_shared>> -> memref<128x128xf32, #tpu.memory_space<vmem_shared>>
      %dma_wait3A_226 = arith.constant 0 : i32
      %dma_wait3A_227 = arith.constant 0 : i32
      %dma_wait3A_228 = tpu.memref_slice %arg6[%run_scoped3A_29, %dma_wait3A_226, %dma_wait3A_227] : memref<2x128x128xf32, #tpu.memory_space<vmem>> -> memref<1x128x128xf32, #tpu.memory_space<vmem>>
      %dma_wait3A_229 = tpu.memref_squeeze %dma_wait3A_228 : memref<1x128x128xf32, #tpu.memory_space<vmem>> -> memref<128x128xf32, #tpu.memory_space<vmem>>
      tpu.wait_dma2 semaphore(%run_scoped3A_205 : memref<!tpu.dma_semaphore, #tpu.memory_space<semaphore_mem>>) src(%dma_wait3A_229 : memref<128x128xf32, #tpu.memory_space<vmem>>) dst(%dma_wait3A_225 : memref<128x128xf32, #tpu.memory_space<vmem_shared>>)
      tpu.yield
    }) : () -> ()
    %barrier3A = arith.constant 0 : index
    tpu.barrier barrier_id(%barrier3A)
    %dma_start3A = arith.constant 0 : i32
    %dma_start3A_30 = arith.constant 0 : i32
    %dma_start3A_31 = arith.constant 0 : i32
    %dma_start3A_32 = arith.constant 0 : i32
    %dma_start3A_33 = tpu.memref_slice %arg5[%dma_start3A_30, %dma_start3A_31, %dma_start3A_32] : memref<2x2x128xi32, #tpu.memory_space<vmem>> -> memref<1x2x128xi32, #tpu.memory_space<vmem>>
    %dma_start3A_34 = tpu.memref_squeeze %dma_start3A_33 : memref<1x2x128xi32, #tpu.memory_space<vmem>> -> memref<2x128xi32, #tpu.memory_space<vmem>>
    %dma_start3A_35 = arith.constant 0 : i32
    %dma_start3A_36 = arith.constant 0 : i32
    %dma_start3A_37 = tpu.memref_slice %arg3[%add3A, %dma_start3A, %dma_start3A_35, %dma_start3A_36] : memref<32x80x2x128xi32, #tpu.memory_space<hbm>> -> memref<1x1x2x128xi32, #tpu.memory_space<hbm>>
    %dma_start3A_38 = tpu.memref_squeeze %dma_start3A_37 : memref<1x1x2x128xi32, #tpu.memory_space<hbm>> -> memref<2x128xi32, #tpu.memory_space<hbm>>
    %dma_start3A_39 = arith.constant 0 : i32
    %dma_start3A_40 = arith.constant 0 : i32
    %dma_start3A_41 = tpu.memref_slice %arg5[%dma_start3A_30, %dma_start3A_39, %dma_start3A_40] : memref<2x2x128xi32, #tpu.memory_space<vmem>> -> memref<1x2x128xi32, #tpu.memory_space<vmem>>
    %dma_start3A_42 = tpu.memref_squeeze %dma_start3A_41 : memref<1x2x128xi32, #tpu.memory_space<vmem>> -> memref<2x128xi32, #tpu.memory_space<vmem>>
    %dma_start3A_43 = arith.constant 0 : i32
    %dma_start3A_44 = arith.constant 0 : i32
    %dma_start3A_45 = tpu.memref_slice %arg3[%add3A, %dma_start3A, %dma_start3A_43, %dma_start3A_44] : memref<32x80x2x128xi32, #tpu.memory_space<hbm>> -> memref<1x1x2x128xi32, #tpu.memory_space<hbm>>
    %dma_start3A_46 = tpu.memref_squeeze %dma_start3A_45 : memref<1x1x2x128xi32, #tpu.memory_space<hbm>> -> memref<2x128xi32, #tpu.memory_space<hbm>>
    tpu.enqueue_dma source(%dma_start3A_46 : memref<2x128xi32, #tpu.memory_space<hbm>>) target(%dma_start3A_42 : memref<2x128xi32, #tpu.memory_space<vmem>>) target_semaphore(%arg10 : memref<!tpu.dma_semaphore, #tpu.memory_space<semaphore_mem>>)
    %dma_start3A_47 = arith.constant 1 : i32
    %dma_start3A_48 = arith.constant 1 : i32
    %dma_start3A_49 = arith.constant 0 : i32
    %dma_start3A_50 = arith.constant 0 : i32
    %dma_start3A_51 = tpu.memref_slice %arg5[%dma_start3A_48, %dma_start3A_49, %dma_start3A_50] : memref<2x2x128xi32, #tpu.memory_space<vmem>> -> memref<1x2x128xi32, #tpu.memory_space<vmem>>
    %dma_start3A_52 = tpu.memref_squeeze %dma_start3A_51 : memref<1x2x128xi32, #tpu.memory_space<vmem>> -> memref<2x128xi32, #tpu.memory_space<vmem>>
    %dma_start3A_53 = arith.constant 0 : i32
    %dma_start3A_54 = arith.constant 0 : i32
    %dma_start3A_55 = tpu.memref_slice %arg3[%add3A, %dma_start3A_47, %dma_start3A_53, %dma_start3A_54] : memref<32x80x2x128xi32, #tpu.memory_space<hbm>> -> memref<1x1x2x128xi32, #tpu.memory_space<hbm>>
    %dma_start3A_56 = tpu.memref_squeeze %dma_start3A_55 : memref<1x1x2x128xi32, #tpu.memory_space<hbm>> -> memref<2x128xi32, #tpu.memory_space<hbm>>
    %dma_start3A_57 = arith.constant 0 : i32
    %dma_start3A_58 = arith.constant 0 : i32
    %dma_start3A_59 = tpu.memref_slice %arg5[%dma_start3A_48, %dma_start3A_57, %dma_start3A_58] : memref<2x2x128xi32, #tpu.memory_space<vmem>> -> memref<1x2x128xi32, #tpu.memory_space<vmem>>
    %dma_start3A_60 = tpu.memref_squeeze %dma_start3A_59 : memref<1x2x128xi32, #tpu.memory_space<vmem>> -> memref<2x128xi32, #tpu.memory_space<vmem>>
    %dma_start3A_61 = arith.constant 0 : i32
    %dma_start3A_62 = arith.constant 0 : i32
    %dma_start3A_63 = tpu.memref_slice %arg3[%add3A, %dma_start3A_47, %dma_start3A_61, %dma_start3A_62] : memref<32x80x2x128xi32, #tpu.memory_space<hbm>> -> memref<1x1x2x128xi32, #tpu.memory_space<hbm>>
    %dma_start3A_64 = tpu.memref_squeeze %dma_start3A_63 : memref<1x1x2x128xi32, #tpu.memory_space<hbm>> -> memref<2x128xi32, #tpu.memory_space<hbm>>
    tpu.enqueue_dma source(%dma_start3A_64 : memref<2x128xi32, #tpu.memory_space<hbm>>) target(%dma_start3A_60 : memref<2x128xi32, #tpu.memory_space<vmem>>) target_semaphore(%arg11 : memref<!tpu.dma_semaphore, #tpu.memory_space<semaphore_mem>>)
    %dma_wait3A = arith.constant 0 : i32
    %dma_wait3A_65 = arith.constant 0 : i32
    %dma_wait3A_66 = arith.constant 0 : i32
    %dma_wait3A_67 = arith.constant 0 : i32
    %dma_wait3A_68 = tpu.memref_slice %arg5[%dma_wait3A_65, %dma_wait3A_66, %dma_wait3A_67] : memref<2x2x128xi32, #tpu.memory_space<vmem>> -> memref<1x2x128xi32, #tpu.memory_space<vmem>>
    %dma_wait3A_69 = tpu.memref_squeeze %dma_wait3A_68 : memref<1x2x128xi32, #tpu.memory_space<vmem>> -> memref<2x128xi32, #tpu.memory_space<vmem>>
    %dma_wait3A_70 = arith.constant 0 : i32
    %dma_wait3A_71 = arith.constant 0 : i32
    %dma_wait3A_72 = tpu.memref_slice %arg3[%add3A, %dma_wait3A, %dma_wait3A_70, %dma_wait3A_71] : memref<32x80x2x128xi32, #tpu.memory_space<hbm>> -> memref<1x1x2x128xi32, #tpu.memory_space<hbm>>
    %dma_wait3A_73 = tpu.memref_squeeze %dma_wait3A_72 : memref<1x1x2x128xi32, #tpu.memory_space<hbm>> -> memref<2x128xi32, #tpu.memory_space<hbm>>
    %dma_wait3A_74 = arith.constant 0 : i32
    %dma_wait3A_75 = arith.constant 0 : i32
    %dma_wait3A_76 = tpu.memref_slice %arg5[%dma_wait3A_65, %dma_wait3A_74, %dma_wait3A_75] : memref<2x2x128xi32, #tpu.memory_space<vmem>> -> memref<1x2x128xi32, #tpu.memory_space<vmem>>
    %dma_wait3A_77 = tpu.memref_squeeze %dma_wait3A_76 : memref<1x2x128xi32, #tpu.memory_space<vmem>> -> memref<2x128xi32, #tpu.memory_space<vmem>>
    %dma_wait3A_78 = arith.constant 0 : i32
    %dma_wait3A_79 = arith.constant 0 : i32
    %dma_wait3A_80 = tpu.memref_slice %arg3[%add3A, %dma_wait3A, %dma_wait3A_78, %dma_wait3A_79] : memref<32x80x2x128xi32, #tpu.memory_space<hbm>> -> memref<1x1x2x128xi32, #tpu.memory_space<hbm>>
    %dma_wait3A_81 = tpu.memref_squeeze %dma_wait3A_80 : memref<1x1x2x128xi32, #tpu.memory_space<hbm>> -> memref<2x128xi32, #tpu.memory_space<hbm>>
    tpu.wait_dma2 semaphore(%arg10 : memref<!tpu.dma_semaphore, #tpu.memory_space<semaphore_mem>>) src(%dma_wait3A_81 : memref<2x128xi32, #tpu.memory_space<hbm>>) dst(%dma_wait3A_77 : memref<2x128xi32, #tpu.memory_space<vmem>>)
    %dma_start3A_82 = arith.constant 0 : i32
    %dma_start3A_83 = arith.constant 0 : i32
    %dma_start3A_84 = arith.constant 0 : i32
    %dma_start3A_85 = arith.constant 0 : i32
    %dma_start3A_86 = arith.constant 0 : i32
    %dma_start3A_87 = tpu.memref_slice %arg6[%dma_start3A_84, %dma_start3A_85, %dma_start3A_86] : memref<2x128x128xf32, #tpu.memory_space<vmem>> -> memref<1x128x128xf32, #tpu.memory_space<vmem>>
    %dma_start3A_88 = tpu.memref_squeeze %dma_start3A_87 : memref<1x128x128xf32, #tpu.memory_space<vmem>> -> memref<128x128xf32, #tpu.memory_space<vmem>>
    %dma_start3A_89 = arith.constant 0 : i32
    %dma_start3A_90 = tpu.memref_slice %arg5[%dma_start3A_82, %dma_start3A_83, %dma_start3A_89] : memref<2x2x128xi32, #tpu.memory_space<vmem>> -> memref<1x1x128xi32, #tpu.memory_space<vmem>>
    %dma_start3A_91 = tpu.memref_squeeze %dma_start3A_90 : memref<1x1x128xi32, #tpu.memory_space<vmem>> -> memref<128xi32, #tpu.memory_space<vmem>>
    %dma_start3A_92 = arith.constant 0 : i32
    %dma_start3A_93 = arith.constant 0 : i32
    %dma_start3A_94 = tpu.memref_slice %arg2[%dma_start3A_92, %dma_start3A_93] : memref<10000x128xf32, #tpu.memory_space<hbm>> -> memref<10000x128xf32, #tpu.memory_space<hbm>>
    tpu.enqueue_indirect_dma source(%dma_start3A_94 : memref<10000x128xf32, #tpu.memory_space<hbm>>) target(%dma_start3A_88 : memref<128x128xf32, #tpu.memory_space<vmem>>) offsets(%dma_start3A_91 : memref<128xi32, #tpu.memory_space<vmem>>) semaphore(%arg8 : memref<!tpu.dma_semaphore, #tpu.memory_space<semaphore_mem>>)
    %scan3A_95 = arith.constant 0 : i32
    %scan3A_96 = arith.constant 0 : i32
    %scan3A_97 = arith.constant 39 : i32
    %scan3A_98 = arith.addi %scan3A_96, %scan3A_97 : i32
    %scan3A_99 = arith.constant 1 : i32
    scf.for %scan3A_205 = %scan3A_96 to %scan3A_98 step %scan3A_99  : i32 {
      %mul3A_206 = arith.constant 2 : i32
      %mul3A_207 = arith.muli %scan3A_205, %mul3A_206 : i32
      %add3A_208 = arith.constant 0 : i32
      %add3A_209 = arith.addi %mul3A_207, %add3A_208 : i32
      %add3A_210 = arith.constant 1 : i32
      %add3A_211 = arith.addi %add3A_209, %add3A_210 : i32
      %dma_wait3A_212 = arith.constant 1 : i32
      %dma_wait3A_213 = arith.constant 0 : i32
      %dma_wait3A_214 = arith.constant 0 : i32
      %dma_wait3A_215 = tpu.memref_slice %arg5[%dma_wait3A_212, %dma_wait3A_213, %dma_wait3A_214] : memref<2x2x128xi32, #tpu.memory_space<vmem>> -> memref<1x2x128xi32, #tpu.memory_space<vmem>>
      %dma_wait3A_216 = tpu.memref_squeeze %dma_wait3A_215 : memref<1x2x128xi32, #tpu.memory_space<vmem>> -> memref<2x128xi32, #tpu.memory_space<vmem>>
      %dma_wait3A_217 = arith.constant 0 : i32
      %dma_wait3A_218 = arith.constant 0 : i32
      %dma_wait3A_219 = tpu.memref_slice %arg3[%add3A, %add3A_211, %dma_wait3A_217, %dma_wait3A_218] : memref<32x80x2x128xi32, #tpu.memory_space<hbm>> -> memref<1x1x2x128xi32, #tpu.memory_space<hbm>>
      %dma_wait3A_220 = tpu.memref_squeeze %dma_wait3A_219 : memref<1x1x2x128xi32, #tpu.memory_space<hbm>> -> memref<2x128xi32, #tpu.memory_space<hbm>>
      %dma_wait3A_221 = arith.constant 0 : i32
      %dma_wait3A_222 = arith.constant 0 : i32
      %dma_wait3A_223 = tpu.memref_slice %arg5[%dma_wait3A_212, %dma_wait3A_221, %dma_wait3A_222] : memref<2x2x128xi32, #tpu.memory_space<vmem>> -> memref<1x2x128xi32, #tpu.memory_space<vmem>>
      %dma_wait3A_224 = tpu.memref_squeeze %dma_wait3A_223 : memref<1x2x128xi32, #tpu.memory_space<vmem>> -> memref<2x128xi32, #tpu.memory_space<vmem>>
      %dma_wait3A_225 = arith.constant 0 : i32
      %dma_wait3A_226 = arith.constant 0 : i32
      %dma_wait3A_227 = tpu.memref_slice %arg3[%add3A, %add3A_211, %dma_wait3A_225, %dma_wait3A_226] : memref<32x80x2x128xi32, #tpu.memory_space<hbm>> -> memref<1x1x2x128xi32, #tpu.memory_space<hbm>>
      %dma_wait3A_228 = tpu.memref_squeeze %dma_wait3A_227 : memref<1x1x2x128xi32, #tpu.memory_space<hbm>> -> memref<2x128xi32, #tpu.memory_space<hbm>>
      tpu.wait_dma2 semaphore(%arg11 : memref<!tpu.dma_semaphore, #tpu.memory_space<semaphore_mem>>) src(%dma_wait3A_228 : memref<2x128xi32, #tpu.memory_space<hbm>>) dst(%dma_wait3A_224 : memref<2x128xi32, #tpu.memory_space<vmem>>)
      %dma_start3A_229 = arith.constant 1 : i32
      %dma_start3A_230 = arith.constant 0 : i32
      %dma_start3A_231 = arith.constant 1 : i32
      %dma_start3A_232 = arith.constant 0 : i32
      %dma_start3A_233 = arith.constant 0 : i32
      %dma_start3A_234 = tpu.memref_slice %arg6[%dma_start3A_231, %dma_start3A_232, %dma_start3A_233] : memref<2x128x128xf32, #tpu.memory_space<vmem>> -> memref<1x128x128xf32, #tpu.memory_space<vmem>>
      %dma_start3A_235 = tpu.memref_squeeze %dma_start3A_234 : memref<1x128x128xf32, #tpu.memory_space<vmem>> -> memref<128x128xf32, #tpu.memory_space<vmem>>
      %dma_start3A_236 = arith.constant 0 : i32
      %dma_start3A_237 = tpu.memref_slice %arg5[%dma_start3A_229, %dma_start3A_230, %dma_start3A_236] : memref<2x2x128xi32, #tpu.memory_space<vmem>> -> memref<1x1x128xi32, #tpu.memory_space<vmem>>
      %dma_start3A_238 = tpu.memref_squeeze %dma_start3A_237 : memref<1x1x128xi32, #tpu.memory_space<vmem>> -> memref<128xi32, #tpu.memory_space<vmem>>
      %dma_start3A_239 = arith.constant 0 : i32
      %dma_start3A_240 = arith.constant 0 : i32
      %dma_start3A_241 = tpu.memref_slice %arg2[%dma_start3A_239, %dma_start3A_240] : memref<10000x128xf32, #tpu.memory_space<hbm>> -> memref<10000x128xf32, #tpu.memory_space<hbm>>
      tpu.enqueue_indirect_dma source(%dma_start3A_241 : memref<10000x128xf32, #tpu.memory_space<hbm>>) target(%dma_start3A_235 : memref<128x128xf32, #tpu.memory_space<vmem>>) offsets(%dma_start3A_238 : memref<128xi32, #tpu.memory_space<vmem>>) semaphore(%arg9 : memref<!tpu.dma_semaphore, #tpu.memory_space<semaphore_mem>>)
      %dma_wait3A_242 = arith.constant 0 : i32
      %dma_wait3A_243 = arith.constant 0 : i32
      %dma_wait3A_244 = arith.constant 0 : i32
      %dma_wait3A_245 = arith.constant 0 : i32
      %dma_wait3A_246 = arith.constant 0 : i32
      %dma_wait3A_247 = tpu.memref_slice %arg6[%dma_wait3A_244, %dma_wait3A_245, %dma_wait3A_246] : memref<2x128x128xf32, #tpu.memory_space<vmem>> -> memref<1x128x128xf32, #tpu.memory_space<vmem>>
      %dma_wait3A_248 = tpu.memref_squeeze %dma_wait3A_247 : memref<1x128x128xf32, #tpu.memory_space<vmem>> -> memref<128x128xf32, #tpu.memory_space<vmem>>
      %dma_wait3A_249 = arith.constant 0 : i32
      %dma_wait3A_250 = tpu.memref_slice %arg5[%dma_wait3A_242, %dma_wait3A_243, %dma_wait3A_249] : memref<2x2x128xi32, #tpu.memory_space<vmem>> -> memref<1x1x128xi32, #tpu.memory_space<vmem>>
      %dma_wait3A_251 = tpu.memref_squeeze %dma_wait3A_250 : memref<1x1x128xi32, #tpu.memory_space<vmem>> -> memref<128xi32, #tpu.memory_space<vmem>>
      %dma_wait3A_252 = arith.constant 0 : i32
      %dma_wait3A_253 = arith.constant 0 : i32
      %dma_wait3A_254 = tpu.memref_slice %arg2[%dma_wait3A_252, %dma_wait3A_253] : memref<10000x128xf32, #tpu.memory_space<hbm>> -> memref<10000x128xf32, #tpu.memory_space<hbm>>
      tpu.wait_indirect_dma semaphore(%arg8 : memref<!tpu.dma_semaphore, #tpu.memory_space<semaphore_mem>>) src(%dma_wait3A_254 : memref<10000x128xf32, #tpu.memory_space<hbm>>) dst(%dma_wait3A_248 : memref<128x128xf32, #tpu.memory_space<vmem>>)
      %run_scoped3A_255 = arith.constant 0 : i32
      %run_scoped3A_256 = arith.constant 0 : i32
      %run_scoped3A_257 = arith.constant 1 : i32
      "tpu.region"() ({
        %run_scoped3A_346 = tpu.sem_alloc : memref<!tpu.dma_semaphore, #tpu.memory_space<semaphore_mem>>
        %dma_start3A_347 = arith.constant 0 : i32
        %dma_start3A_348 = arith.constant 0 : i32
        %dma_start3A_349 = tpu.memref_slice %arg6[%run_scoped3A_255, %dma_start3A_347, %dma_start3A_348] : memref<2x128x128xf32, #tpu.memory_space<vmem>> -> memref<1x128x128xf32, #tpu.memory_space<vmem>>
        %dma_start3A_350 = tpu.memref_squeeze %dma_start3A_349 : memref<1x128x128xf32, #tpu.memory_space<vmem>> -> memref<128x128xf32, #tpu.memory_space<vmem>>
        %dma_start3A_351 = arith.constant 0 : i32
        %dma_start3A_352 = tpu.memref_slice %arg5[%run_scoped3A_256, %run_scoped3A_257, %dma_start3A_351] : memref<2x2x128xi32, #tpu.memory_space<vmem>> -> memref<1x1x128xi32, #tpu.memory_space<vmem>>
        %dma_start3A_353 = tpu.memref_squeeze %dma_start3A_352 : memref<1x1x128xi32, #tpu.memory_space<vmem>> -> memref<128xi32, #tpu.memory_space<vmem>>
        %dma_start3A_354 = arith.constant 0 : i32
        %dma_start3A_355 = arith.constant 0 : i32
        %dma_start3A_356 = tpu.memref_slice %arg7[%dma_start3A_354, %dma_start3A_355] : memref<10240x128xf32, #tpu.memory_space<vmem_shared>> -> memref<10240x128xf32, #tpu.memory_space<vmem_shared>>
        tpu.enqueue_indirect_dma source(%dma_start3A_350 : memref<128x128xf32, #tpu.memory_space<vmem>>) target(%dma_start3A_356 : memref<10240x128xf32, #tpu.memory_space<vmem_shared>>) offsets(%dma_start3A_353 : memref<128xi32, #tpu.memory_space<vmem>>) semaphore(%run_scoped3A_346 : memref<!tpu.dma_semaphore, #tpu.memory_space<semaphore_mem>>) {add = true}
        %dma_wait3A_357 = arith.constant 0 : i32
        %dma_wait3A_358 = arith.constant 0 : i32
        %dma_wait3A_359 = tpu.memref_slice %arg6[%run_scoped3A_255, %dma_wait3A_357, %dma_wait3A_358] : memref<2x128x128xf32, #tpu.memory_space<vmem>> -> memref<1x128x128xf32, #tpu.memory_space<vmem>>
        %dma_wait3A_360 = tpu.memref_squeeze %dma_wait3A_359 : memref<1x128x128xf32, #tpu.memory_space<vmem>> -> memref<128x128xf32, #tpu.memory_space<vmem>>
        %dma_wait3A_361 = arith.constant 0 : i32
        %dma_wait3A_362 = tpu.memref_slice %arg5[%run_scoped3A_256, %run_scoped3A_257, %dma_wait3A_361] : memref<2x2x128xi32, #tpu.memory_space<vmem>> -> memref<1x1x128xi32, #tpu.memory_space<vmem>>
        %dma_wait3A_363 = tpu.memref_squeeze %dma_wait3A_362 : memref<1x1x128xi32, #tpu.memory_space<vmem>> -> memref<128xi32, #tpu.memory_space<vmem>>
        %dma_wait3A_364 = arith.constant 0 : i32
        %dma_wait3A_365 = arith.constant 0 : i32
        %dma_wait3A_366 = tpu.memref_slice %arg7[%dma_wait3A_364, %dma_wait3A_365] : memref<10240x128xf32, #tpu.memory_space<vmem_shared>> -> memref<10240x128xf32, #tpu.memory_space<vmem_shared>>
        tpu.wait_indirect_dma semaphore(%run_scoped3A_346 : memref<!tpu.dma_semaphore, #tpu.memory_space<semaphore_mem>>) src(%dma_wait3A_360 : memref<128x128xf32, #tpu.memory_space<vmem>>) dst(%dma_wait3A_366 : memref<10240x128xf32, #tpu.memory_space<vmem_shared>>)
        tpu.yield
      }) : () -> ()
      %add3A_258 = arith.constant 2 : i32
      %add3A_259 = arith.addi %add3A_209, %add3A_258 : i32
      %dma_start3A_260 = arith.constant 0 : i32
      %dma_start3A_261 = arith.constant 0 : i32
      %dma_start3A_262 = arith.constant 0 : i32
      %dma_start3A_263 = tpu.memref_slice %arg5[%dma_start3A_260, %dma_start3A_261, %dma_start3A_262] : memref<2x2x128xi32, #tpu.memory_space<vmem>> -> memref<1x2x128xi32, #tpu.memory_space<vmem>>
      %dma_start3A_264 = tpu.memref_squeeze %dma_start3A_263 : memref<1x2x128xi32, #tpu.memory_space<vmem>> -> memref<2x128xi32, #tpu.memory_space<vmem>>
      %dma_start3A_265 = arith.constant 0 : i32
      %dma_start3A_266 = arith.constant 0 : i32
      %dma_start3A_267 = tpu.memref_slice %arg3[%add3A, %add3A_259, %dma_start3A_265, %dma_start3A_266] : memref<32x80x2x128xi32, #tpu.memory_space<hbm>> -> memref<1x1x2x128xi32, #tpu.memory_space<hbm>>
      %dma_start3A_268 = tpu.memref_squeeze %dma_start3A_267 : memref<1x1x2x128xi32, #tpu.memory_space<hbm>> -> memref<2x128xi32, #tpu.memory_space<hbm>>
      %dma_start3A_269 = arith.constant 0 : i32
      %dma_start3A_270 = arith.constant 0 : i32
      %dma_start3A_271 = tpu.memref_slice %arg5[%dma_start3A_260, %dma_start3A_269, %dma_start3A_270] : memref<2x2x128xi32, #tpu.memory_space<vmem>> -> memref<1x2x128xi32, #tpu.memory_space<vmem>>
      %dma_start3A_272 = tpu.memref_squeeze %dma_start3A_271 : memref<1x2x128xi32, #tpu.memory_space<vmem>> -> memref<2x128xi32, #tpu.memory_space<vmem>>
      %dma_start3A_273 = arith.constant 0 : i32
      %dma_start3A_274 = arith.constant 0 : i32
      %dma_start3A_275 = tpu.memref_slice %arg3[%add3A, %add3A_259, %dma_start3A_273, %dma_start3A_274] : memref<32x80x2x128xi32, #tpu.memory_space<hbm>> -> memref<1x1x2x128xi32, #tpu.memory_space<hbm>>
      %dma_start3A_276 = tpu.memref_squeeze %dma_start3A_275 : memref<1x1x2x128xi32, #tpu.memory_space<hbm>> -> memref<2x128xi32, #tpu.memory_space<hbm>>
      tpu.enqueue_dma source(%dma_start3A_276 : memref<2x128xi32, #tpu.memory_space<hbm>>) target(%dma_start3A_272 : memref<2x128xi32, #tpu.memory_space<vmem>>) target_semaphore(%arg10 : memref<!tpu.dma_semaphore, #tpu.memory_space<semaphore_mem>>)
      %add3A_277 = arith.constant 1 : i32
      %add3A_278 = arith.addi %mul3A_207, %add3A_277 : i32
      %add3A_279 = arith.constant 1 : i32
      %add3A_280 = arith.addi %add3A_278, %add3A_279 : i32
      %dma_wait3A_281 = arith.constant 0 : i32
      %dma_wait3A_282 = arith.constant 0 : i32
      %dma_wait3A_283 = arith.constant 0 : i32
      %dma_wait3A_284 = tpu.memref_slice %arg5[%dma_wait3A_281, %dma_wait3A_282, %dma_wait3A_283] : memref<2x2x128xi32, #tpu.memory_space<vmem>> -> memref<1x2x128xi32, #tpu.memory_space<vmem>>
      %dma_wait3A_285 = tpu.memref_squeeze %dma_wait3A_284 : memref<1x2x128xi32, #tpu.memory_space<vmem>> -> memref<2x128xi32, #tpu.memory_space<vmem>>
      %dma_wait3A_286 = arith.constant 0 : i32
      %dma_wait3A_287 = arith.constant 0 : i32
      %dma_wait3A_288 = tpu.memref_slice %arg3[%add3A, %add3A_280, %dma_wait3A_286, %dma_wait3A_287] : memref<32x80x2x128xi32, #tpu.memory_space<hbm>> -> memref<1x1x2x128xi32, #tpu.memory_space<hbm>>
      %dma_wait3A_289 = tpu.memref_squeeze %dma_wait3A_288 : memref<1x1x2x128xi32, #tpu.memory_space<hbm>> -> memref<2x128xi32, #tpu.memory_space<hbm>>
      %dma_wait3A_290 = arith.constant 0 : i32
      %dma_wait3A_291 = arith.constant 0 : i32
      %dma_wait3A_292 = tpu.memref_slice %arg5[%dma_wait3A_281, %dma_wait3A_290, %dma_wait3A_291] : memref<2x2x128xi32, #tpu.memory_space<vmem>> -> memref<1x2x128xi32, #tpu.memory_space<vmem>>
      %dma_wait3A_293 = tpu.memref_squeeze %dma_wait3A_292 : memref<1x2x128xi32, #tpu.memory_space<vmem>> -> memref<2x128xi32, #tpu.memory_space<vmem>>
      %dma_wait3A_294 = arith.constant 0 : i32
      %dma_wait3A_295 = arith.constant 0 : i32
      %dma_wait3A_296 = tpu.memref_slice %arg3[%add3A, %add3A_280, %dma_wait3A_294, %dma_wait3A_295] : memref<32x80x2x128xi32, #tpu.memory_space<hbm>> -> memref<1x1x2x128xi32, #tpu.memory_space<hbm>>
      %dma_wait3A_297 = tpu.memref_squeeze %dma_wait3A_296 : memref<1x1x2x128xi32, #tpu.memory_space<hbm>> -> memref<2x128xi32, #tpu.memory_space<hbm>>
      tpu.wait_dma2 semaphore(%arg10 : memref<!tpu.dma_semaphore, #tpu.memory_space<semaphore_mem>>) src(%dma_wait3A_297 : memref<2x128xi32, #tpu.memory_space<hbm>>) dst(%dma_wait3A_293 : memref<2x128xi32, #tpu.memory_space<vmem>>)
      %dma_start3A_298 = arith.constant 0 : i32
      %dma_start3A_299 = arith.constant 0 : i32
      %dma_start3A_300 = arith.constant 0 : i32
      %dma_start3A_301 = arith.constant 0 : i32
      %dma_start3A_302 = arith.constant 0 : i32
      %dma_start3A_303 = tpu.memref_slice %arg6[%dma_start3A_300, %dma_start3A_301, %dma_start3A_302] : memref<2x128x128xf32, #tpu.memory_space<vmem>> -> memref<1x128x128xf32, #tpu.memory_space<vmem>>
      %dma_start3A_304 = tpu.memref_squeeze %dma_start3A_303 : memref<1x128x128xf32, #tpu.memory_space<vmem>> -> memref<128x128xf32, #tpu.memory_space<vmem>>
      %dma_start3A_305 = arith.constant 0 : i32
      %dma_start3A_306 = tpu.memref_slice %arg5[%dma_start3A_298, %dma_start3A_299, %dma_start3A_305] : memref<2x2x128xi32, #tpu.memory_space<vmem>> -> memref<1x1x128xi32, #tpu.memory_space<vmem>>
      %dma_start3A_307 = tpu.memref_squeeze %dma_start3A_306 : memref<1x1x128xi32, #tpu.memory_space<vmem>> -> memref<128xi32, #tpu.memory_space<vmem>>
      %dma_start3A_308 = arith.constant 0 : i32
      %dma_start3A_309 = arith.constant 0 : i32
      %dma_start3A_310 = tpu.memref_slice %arg2[%dma_start3A_308, %dma_start3A_309] : memref<10000x128xf32, #tpu.memory_space<hbm>> -> memref<10000x128xf32, #tpu.memory_space<hbm>>
      tpu.enqueue_indirect_dma source(%dma_start3A_310 : memref<10000x128xf32, #tpu.memory_space<hbm>>) target(%dma_start3A_304 : memref<128x128xf32, #tpu.memory_space<vmem>>) offsets(%dma_start3A_307 : memref<128xi32, #tpu.memory_space<vmem>>) semaphore(%arg8 : memref<!tpu.dma_semaphore, #tpu.memory_space<semaphore_mem>>)
      %dma_wait3A_311 = arith.constant 1 : i32
      %dma_wait3A_312 = arith.constant 0 : i32
      %dma_wait3A_313 = arith.constant 1 : i32
      %dma_wait3A_314 = arith.constant 0 : i32
      %dma_wait3A_315 = arith.constant 0 : i32
      %dma_wait3A_316 = tpu.memref_slice %arg6[%dma_wait3A_313, %dma_wait3A_314, %dma_wait3A_315] : memref<2x128x128xf32, #tpu.memory_space<vmem>> -> memref<1x128x128xf32, #tpu.memory_space<vmem>>
      %dma_wait3A_317 = tpu.memref_squeeze %dma_wait3A_316 : memref<1x128x128xf32, #tpu.memory_space<vmem>> -> memref<128x128xf32, #tpu.memory_space<vmem>>
      %dma_wait3A_318 = arith.constant 0 : i32
      %dma_wait3A_319 = tpu.memref_slice %arg5[%dma_wait3A_311, %dma_wait3A_312, %dma_wait3A_318] : memref<2x2x128xi32, #tpu.memory_space<vmem>> -> memref<1x1x128xi32, #tpu.memory_space<vmem>>
      %dma_wait3A_320 = tpu.memref_squeeze %dma_wait3A_319 : memref<1x1x128xi32, #tpu.memory_space<vmem>> -> memref<128xi32, #tpu.memory_space<vmem>>
      %dma_wait3A_321 = arith.constant 0 : i32
      %dma_wait3A_322 = arith.constant 0 : i32
      %dma_wait3A_323 = tpu.memref_slice %arg2[%dma_wait3A_321, %dma_wait3A_322] : memref<10000x128xf32, #tpu.memory_space<hbm>> -> memref<10000x128xf32, #tpu.memory_space<hbm>>
      tpu.wait_indirect_dma semaphore(%arg9 : memref<!tpu.dma_semaphore, #tpu.memory_space<semaphore_mem>>) src(%dma_wait3A_323 : memref<10000x128xf32, #tpu.memory_space<hbm>>) dst(%dma_wait3A_317 : memref<128x128xf32, #tpu.memory_space<vmem>>)
      %run_scoped3A_324 = arith.constant 1 : i32
      %run_scoped3A_325 = arith.constant 1 : i32
      %run_scoped3A_326 = arith.constant 1 : i32
      "tpu.region"() ({
        %run_scoped3A_346 = tpu.sem_alloc : memref<!tpu.dma_semaphore, #tpu.memory_space<semaphore_mem>>
        %dma_start3A_347 = arith.constant 0 : i32
        %dma_start3A_348 = arith.constant 0 : i32
        %dma_start3A_349 = tpu.memref_slice %arg6[%run_scoped3A_324, %dma_start3A_347, %dma_start3A_348] : memref<2x128x128xf32, #tpu.memory_space<vmem>> -> memref<1x128x128xf32, #tpu.memory_space<vmem>>
        %dma_start3A_350 = tpu.memref_squeeze %dma_start3A_349 : memref<1x128x128xf32, #tpu.memory_space<vmem>> -> memref<128x128xf32, #tpu.memory_space<vmem>>
        %dma_start3A_351 = arith.constant 0 : i32
        %dma_start3A_352 = tpu.memref_slice %arg5[%run_scoped3A_325, %run_scoped3A_326, %dma_start3A_351] : memref<2x2x128xi32, #tpu.memory_space<vmem>> -> memref<1x1x128xi32, #tpu.memory_space<vmem>>
        %dma_start3A_353 = tpu.memref_squeeze %dma_start3A_352 : memref<1x1x128xi32, #tpu.memory_space<vmem>> -> memref<128xi32, #tpu.memory_space<vmem>>
        %dma_start3A_354 = arith.constant 0 : i32
        %dma_start3A_355 = arith.constant 0 : i32
        %dma_start3A_356 = tpu.memref_slice %arg7[%dma_start3A_354, %dma_start3A_355] : memref<10240x128xf32, #tpu.memory_space<vmem_shared>> -> memref<10240x128xf32, #tpu.memory_space<vmem_shared>>
        tpu.enqueue_indirect_dma source(%dma_start3A_350 : memref<128x128xf32, #tpu.memory_space<vmem>>) target(%dma_start3A_356 : memref<10240x128xf32, #tpu.memory_space<vmem_shared>>) offsets(%dma_start3A_353 : memref<128xi32, #tpu.memory_space<vmem>>) semaphore(%run_scoped3A_346 : memref<!tpu.dma_semaphore, #tpu.memory_space<semaphore_mem>>) {add = true}
        %dma_wait3A_357 = arith.constant 0 : i32
        %dma_wait3A_358 = arith.constant 0 : i32
        %dma_wait3A_359 = tpu.memref_slice %arg6[%run_scoped3A_324, %dma_wait3A_357, %dma_wait3A_358] : memref<2x128x128xf32, #tpu.memory_space<vmem>> -> memref<1x128x128xf32, #tpu.memory_space<vmem>>
        %dma_wait3A_360 = tpu.memref_squeeze %dma_wait3A_359 : memref<1x128x128xf32, #tpu.memory_space<vmem>> -> memref<128x128xf32, #tpu.memory_space<vmem>>
        %dma_wait3A_361 = arith.constant 0 : i32
        %dma_wait3A_362 = tpu.memref_slice %arg5[%run_scoped3A_325, %run_scoped3A_326, %dma_wait3A_361] : memref<2x2x128xi32, #tpu.memory_space<vmem>> -> memref<1x1x128xi32, #tpu.memory_space<vmem>>
        %dma_wait3A_363 = tpu.memref_squeeze %dma_wait3A_362 : memref<1x1x128xi32, #tpu.memory_space<vmem>> -> memref<128xi32, #tpu.memory_space<vmem>>
        %dma_wait3A_364 = arith.constant 0 : i32
        %dma_wait3A_365 = arith.constant 0 : i32
        %dma_wait3A_366 = tpu.memref_slice %arg7[%dma_wait3A_364, %dma_wait3A_365] : memref<10240x128xf32, #tpu.memory_space<vmem_shared>> -> memref<10240x128xf32, #tpu.memory_space<vmem_shared>>
        tpu.wait_indirect_dma semaphore(%run_scoped3A_346 : memref<!tpu.dma_semaphore, #tpu.memory_space<semaphore_mem>>) src(%dma_wait3A_360 : memref<128x128xf32, #tpu.memory_space<vmem>>) dst(%dma_wait3A_366 : memref<10240x128xf32, #tpu.memory_space<vmem_shared>>)
        tpu.yield
      }) : () -> ()
      %add3A_327 = arith.constant 2 : i32
      %add3A_328 = arith.addi %add3A_278, %add3A_327 : i32
      %dma_start3A_329 = arith.constant 1 : i32
      %dma_start3A_330 = arith.constant 0 : i32
      %dma_start3A_331 = arith.constant 0 : i32
      %dma_start3A_332 = tpu.memref_slice %arg5[%dma_start3A_329, %dma_start3A_330, %dma_start3A_331] : memref<2x2x128xi32, #tpu.memory_space<vmem>> -> memref<1x2x128xi32, #tpu.memory_space<vmem>>
      %dma_start3A_333 = tpu.memref_squeeze %dma_start3A_332 : memref<1x2x128xi32, #tpu.memory_space<vmem>> -> memref<2x128xi32, #tpu.memory_space<vmem>>
      %dma_start3A_334 = arith.constant 0 : i32
      %dma_start3A_335 = arith.constant 0 : i32
      %dma_start3A_336 = tpu.memref_slice %arg3[%add3A, %add3A_328, %dma_start3A_334, %dma_start3A_335] : memref<32x80x2x128xi32, #tpu.memory_space<hbm>> -> memref<1x1x2x128xi32, #tpu.memory_space<hbm>>
      %dma_start3A_337 = tpu.memref_squeeze %dma_start3A_336 : memref<1x1x2x128xi32, #tpu.memory_space<hbm>> -> memref<2x128xi32, #tpu.memory_space<hbm>>
      %dma_start3A_338 = arith.constant 0 : i32
      %dma_start3A_339 = arith.constant 0 : i32
      %dma_start3A_340 = tpu.memref_slice %arg5[%dma_start3A_329, %dma_start3A_338, %dma_start3A_339] : memref<2x2x128xi32, #tpu.memory_space<vmem>> -> memref<1x2x128xi32, #tpu.memory_space<vmem>>
      %dma_start3A_341 = tpu.memref_squeeze %dma_start3A_340 : memref<1x2x128xi32, #tpu.memory_space<vmem>> -> memref<2x128xi32, #tpu.memory_space<vmem>>
      %dma_start3A_342 = arith.constant 0 : i32
      %dma_start3A_343 = arith.constant 0 : i32
      %dma_start3A_344 = tpu.memref_slice %arg3[%add3A, %add3A_328, %dma_start3A_342, %dma_start3A_343] : memref<32x80x2x128xi32, #tpu.memory_space<hbm>> -> memref<1x1x2x128xi32, #tpu.memory_space<hbm>>
      %dma_start3A_345 = tpu.memref_squeeze %dma_start3A_344 : memref<1x1x2x128xi32, #tpu.memory_space<hbm>> -> memref<2x128xi32, #tpu.memory_space<hbm>>
      tpu.enqueue_dma source(%dma_start3A_345 : memref<2x128xi32, #tpu.memory_space<hbm>>) target(%dma_start3A_341 : memref<2x128xi32, #tpu.memory_space<vmem>>) target_semaphore(%arg11 : memref<!tpu.dma_semaphore, #tpu.memory_space<semaphore_mem>>)
    }
    %scan3A_100 = arith.constant 39 : i32
    %dma_wait3A_101 = arith.constant 79 : i32
    %dma_wait3A_102 = arith.constant 1 : i32
    %dma_wait3A_103 = arith.constant 0 : i32
    %dma_wait3A_104 = arith.constant 0 : i32
    %dma_wait3A_105 = tpu.memref_slice %arg5[%dma_wait3A_102, %dma_wait3A_103, %dma_wait3A_104] : memref<2x2x128xi32, #tpu.memory_space<vmem>> -> memref<1x2x128xi32, #tpu.memory_space<vmem>>
    %dma_wait3A_106 = tpu.memref_squeeze %dma_wait3A_105 : memref<1x2x128xi32, #tpu.memory_space<vmem>> -> memref<2x128xi32, #tpu.memory_space<vmem>>
    %dma_wait3A_107 = arith.constant 0 : i32
    %dma_wait3A_108 = arith.constant 0 : i32
    %dma_wait3A_109 = tpu.memref_slice %arg3[%add3A, %dma_wait3A_101, %dma_wait3A_107, %dma_wait3A_108] : memref<32x80x2x128xi32, #tpu.memory_space<hbm>> -> memref<1x1x2x128xi32, #tpu.memory_space<hbm>>
    %dma_wait3A_110 = tpu.memref_squeeze %dma_wait3A_109 : memref<1x1x2x128xi32, #tpu.memory_space<hbm>> -> memref<2x128xi32, #tpu.memory_space<hbm>>
    %dma_wait3A_111 = arith.constant 0 : i32
    %dma_wait3A_112 = arith.constant 0 : i32
    %dma_wait3A_113 = tpu.memref_slice %arg5[%dma_wait3A_102, %dma_wait3A_111, %dma_wait3A_112] : memref<2x2x128xi32, #tpu.memory_space<vmem>> -> memref<1x2x128xi32, #tpu.memory_space<vmem>>
    %dma_wait3A_114 = tpu.memref_squeeze %dma_wait3A_113 : memref<1x2x128xi32, #tpu.memory_space<vmem>> -> memref<2x128xi32, #tpu.memory_space<vmem>>
    %dma_wait3A_115 = arith.constant 0 : i32
    %dma_wait3A_116 = arith.constant 0 : i32
    %dma_wait3A_117 = tpu.memref_slice %arg3[%add3A, %dma_wait3A_101, %dma_wait3A_115, %dma_wait3A_116] : memref<32x80x2x128xi32, #tpu.memory_space<hbm>> -> memref<1x1x2x128xi32, #tpu.memory_space<hbm>>
    %dma_wait3A_118 = tpu.memref_squeeze %dma_wait3A_117 : memref<1x1x2x128xi32, #tpu.memory_space<hbm>> -> memref<2x128xi32, #tpu.memory_space<hbm>>
    tpu.wait_dma2 semaphore(%arg11 : memref<!tpu.dma_semaphore, #tpu.memory_space<semaphore_mem>>) src(%dma_wait3A_118 : memref<2x128xi32, #tpu.memory_space<hbm>>) dst(%dma_wait3A_114 : memref<2x128xi32, #tpu.memory_space<vmem>>)
    %dma_start3A_119 = arith.constant 1 : i32
    %dma_start3A_120 = arith.constant 0 : i32
    %dma_start3A_121 = arith.constant 1 : i32
    %dma_start3A_122 = arith.constant 0 : i32
    %dma_start3A_123 = arith.constant 0 : i32
    %dma_start3A_124 = tpu.memref_slice %arg6[%dma_start3A_121, %dma_start3A_122, %dma_start3A_123] : memref<2x128x128xf32, #tpu.memory_space<vmem>> -> memref<1x128x128xf32, #tpu.memory_space<vmem>>
    %dma_start3A_125 = tpu.memref_squeeze %dma_start3A_124 : memref<1x128x128xf32, #tpu.memory_space<vmem>> -> memref<128x128xf32, #tpu.memory_space<vmem>>
    %dma_start3A_126 = arith.constant 0 : i32
    %dma_start3A_127 = tpu.memref_slice %arg5[%dma_start3A_119, %dma_start3A_120, %dma_start3A_126] : memref<2x2x128xi32, #tpu.memory_space<vmem>> -> memref<1x1x128xi32, #tpu.memory_space<vmem>>
    %dma_start3A_128 = tpu.memref_squeeze %dma_start3A_127 : memref<1x1x128xi32, #tpu.memory_space<vmem>> -> memref<128xi32, #tpu.memory_space<vmem>>
    %dma_start3A_129 = arith.constant 0 : i32
    %dma_start3A_130 = arith.constant 0 : i32
    %dma_start3A_131 = tpu.memref_slice %arg2[%dma_start3A_129, %dma_start3A_130] : memref<10000x128xf32, #tpu.memory_space<hbm>> -> memref<10000x128xf32, #tpu.memory_space<hbm>>
    tpu.enqueue_indirect_dma source(%dma_start3A_131 : memref<10000x128xf32, #tpu.memory_space<hbm>>) target(%dma_start3A_125 : memref<128x128xf32, #tpu.memory_space<vmem>>) offsets(%dma_start3A_128 : memref<128xi32, #tpu.memory_space<vmem>>) semaphore(%arg9 : memref<!tpu.dma_semaphore, #tpu.memory_space<semaphore_mem>>)
    %dma_wait3A_132 = arith.constant 0 : i32
    %dma_wait3A_133 = arith.constant 0 : i32
    %dma_wait3A_134 = arith.constant 0 : i32
    %dma_wait3A_135 = arith.constant 0 : i32
    %dma_wait3A_136 = arith.constant 0 : i32
    %dma_wait3A_137 = tpu.memref_slice %arg6[%dma_wait3A_134, %dma_wait3A_135, %dma_wait3A_136] : memref<2x128x128xf32, #tpu.memory_space<vmem>> -> memref<1x128x128xf32, #tpu.memory_space<vmem>>
    %dma_wait3A_138 = tpu.memref_squeeze %dma_wait3A_137 : memref<1x128x128xf32, #tpu.memory_space<vmem>> -> memref<128x128xf32, #tpu.memory_space<vmem>>
    %dma_wait3A_139 = arith.constant 0 : i32
    %dma_wait3A_140 = tpu.memref_slice %arg5[%dma_wait3A_132, %dma_wait3A_133, %dma_wait3A_139] : memref<2x2x128xi32, #tpu.memory_space<vmem>> -> memref<1x1x128xi32, #tpu.memory_space<vmem>>
    %dma_wait3A_141 = tpu.memref_squeeze %dma_wait3A_140 : memref<1x1x128xi32, #tpu.memory_space<vmem>> -> memref<128xi32, #tpu.memory_space<vmem>>
    %dma_wait3A_142 = arith.constant 0 : i32
    %dma_wait3A_143 = arith.constant 0 : i32
    %dma_wait3A_144 = tpu.memref_slice %arg2[%dma_wait3A_142, %dma_wait3A_143] : memref<10000x128xf32, #tpu.memory_space<hbm>> -> memref<10000x128xf32, #tpu.memory_space<hbm>>
    tpu.wait_indirect_dma semaphore(%arg8 : memref<!tpu.dma_semaphore, #tpu.memory_space<semaphore_mem>>) src(%dma_wait3A_144 : memref<10000x128xf32, #tpu.memory_space<hbm>>) dst(%dma_wait3A_138 : memref<128x128xf32, #tpu.memory_space<vmem>>)
    %run_scoped3A_145 = arith.constant 0 : i32
    %run_scoped3A_146 = arith.constant 0 : i32
    %run_scoped3A_147 = arith.constant 1 : i32
    "tpu.region"() ({
      %run_scoped3A_205 = tpu.sem_alloc : memref<!tpu.dma_semaphore, #tpu.memory_space<semaphore_mem>>
      %dma_start3A_206 = arith.constant 0 : i32
      %dma_start3A_207 = arith.constant 0 : i32
      %dma_start3A_208 = tpu.memref_slice %arg6[%run_scoped3A_145, %dma_start3A_206, %dma_start3A_207] : memref<2x128x128xf32, #tpu.memory_space<vmem>> -> memref<1x128x128xf32, #tpu.memory_space<vmem>>
      %dma_start3A_209 = tpu.memref_squeeze %dma_start3A_208 : memref<1x128x128xf32, #tpu.memory_space<vmem>> -> memref<128x128xf32, #tpu.memory_space<vmem>>
      %dma_start3A_210 = arith.constant 0 : i32
      %dma_start3A_211 = tpu.memref_slice %arg5[%run_scoped3A_146, %run_scoped3A_147, %dma_start3A_210] : memref<2x2x128xi32, #tpu.memory_space<vmem>> -> memref<1x1x128xi32, #tpu.memory_space<vmem>>
      %dma_start3A_212 = tpu.memref_squeeze %dma_start3A_211 : memref<1x1x128xi32, #tpu.memory_space<vmem>> -> memref<128xi32, #tpu.memory_space<vmem>>
      %dma_start3A_213 = arith.constant 0 : i32
      %dma_start3A_214 = arith.constant 0 : i32
      %dma_start3A_215 = tpu.memref_slice %arg7[%dma_start3A_213, %dma_start3A_214] : memref<10240x128xf32, #tpu.memory_space<vmem_shared>> -> memref<10240x128xf32, #tpu.memory_space<vmem_shared>>
      tpu.enqueue_indirect_dma source(%dma_start3A_209 : memref<128x128xf32, #tpu.memory_space<vmem>>) target(%dma_start3A_215 : memref<10240x128xf32, #tpu.memory_space<vmem_shared>>) offsets(%dma_start3A_212 : memref<128xi32, #tpu.memory_space<vmem>>) semaphore(%run_scoped3A_205 : memref<!tpu.dma_semaphore, #tpu.memory_space<semaphore_mem>>) {add = true}
      %dma_wait3A_216 = arith.constant 0 : i32
      %dma_wait3A_217 = arith.constant 0 : i32
      %dma_wait3A_218 = tpu.memref_slice %arg6[%run_scoped3A_145, %dma_wait3A_216, %dma_wait3A_217] : memref<2x128x128xf32, #tpu.memory_space<vmem>> -> memref<1x128x128xf32, #tpu.memory_space<vmem>>
      %dma_wait3A_219 = tpu.memref_squeeze %dma_wait3A_218 : memref<1x128x128xf32, #tpu.memory_space<vmem>> -> memref<128x128xf32, #tpu.memory_space<vmem>>
      %dma_wait3A_220 = arith.constant 0 : i32
      %dma_wait3A_221 = tpu.memref_slice %arg5[%run_scoped3A_146, %run_scoped3A_147, %dma_wait3A_220] : memref<2x2x128xi32, #tpu.memory_space<vmem>> -> memref<1x1x128xi32, #tpu.memory_space<vmem>>
      %dma_wait3A_222 = tpu.memref_squeeze %dma_wait3A_221 : memref<1x1x128xi32, #tpu.memory_space<vmem>> -> memref<128xi32, #tpu.memory_space<vmem>>
      %dma_wait3A_223 = arith.constant 0 : i32
      %dma_wait3A_224 = arith.constant 0 : i32
      %dma_wait3A_225 = tpu.memref_slice %arg7[%dma_wait3A_223, %dma_wait3A_224] : memref<10240x128xf32, #tpu.memory_space<vmem_shared>> -> memref<10240x128xf32, #tpu.memory_space<vmem_shared>>
      tpu.wait_indirect_dma semaphore(%run_scoped3A_205 : memref<!tpu.dma_semaphore, #tpu.memory_space<semaphore_mem>>) src(%dma_wait3A_219 : memref<128x128xf32, #tpu.memory_space<vmem>>) dst(%dma_wait3A_225 : memref<10240x128xf32, #tpu.memory_space<vmem_shared>>)
      tpu.yield
    }) : () -> ()
    %dma_wait3A_148 = arith.constant 1 : i32
    %dma_wait3A_149 = arith.constant 0 : i32
    %dma_wait3A_150 = arith.constant 1 : i32
    %dma_wait3A_151 = arith.constant 0 : i32
    %dma_wait3A_152 = arith.constant 0 : i32
    %dma_wait3A_153 = tpu.memref_slice %arg6[%dma_wait3A_150, %dma_wait3A_151, %dma_wait3A_152] : memref<2x128x128xf32, #tpu.memory_space<vmem>> -> memref<1x128x128xf32, #tpu.memory_space<vmem>>
    %dma_wait3A_154 = tpu.memref_squeeze %dma_wait3A_153 : memref<1x128x128xf32, #tpu.memory_space<vmem>> -> memref<128x128xf32, #tpu.memory_space<vmem>>
    %dma_wait3A_155 = arith.constant 0 : i32
    %dma_wait3A_156 = tpu.memref_slice %arg5[%dma_wait3A_148, %dma_wait3A_149, %dma_wait3A_155] : memref<2x2x128xi32, #tpu.memory_space<vmem>> -> memref<1x1x128xi32, #tpu.memory_space<vmem>>
    %dma_wait3A_157 = tpu.memref_squeeze %dma_wait3A_156 : memref<1x1x128xi32, #tpu.memory_space<vmem>> -> memref<128xi32, #tpu.memory_space<vmem>>
    %dma_wait3A_158 = arith.constant 0 : i32
    %dma_wait3A_159 = arith.constant 0 : i32
    %dma_wait3A_160 = tpu.memref_slice %arg2[%dma_wait3A_158, %dma_wait3A_159] : memref<10000x128xf32, #tpu.memory_space<hbm>> -> memref<10000x128xf32, #tpu.memory_space<hbm>>
    tpu.wait_indirect_dma semaphore(%arg9 : memref<!tpu.dma_semaphore, #tpu.memory_space<semaphore_mem>>) src(%dma_wait3A_160 : memref<10000x128xf32, #tpu.memory_space<hbm>>) dst(%dma_wait3A_154 : memref<128x128xf32, #tpu.memory_space<vmem>>)
    %run_scoped3A_161 = arith.constant 1 : i32
    %run_scoped3A_162 = arith.constant 1 : i32
    %run_scoped3A_163 = arith.constant 1 : i32
    "tpu.region"() ({
      %run_scoped3A_205 = tpu.sem_alloc : memref<!tpu.dma_semaphore, #tpu.memory_space<semaphore_mem>>
      %dma_start3A_206 = arith.constant 0 : i32
      %dma_start3A_207 = arith.constant 0 : i32
      %dma_start3A_208 = tpu.memref_slice %arg6[%run_scoped3A_161, %dma_start3A_206, %dma_start3A_207] : memref<2x128x128xf32, #tpu.memory_space<vmem>> -> memref<1x128x128xf32, #tpu.memory_space<vmem>>
      %dma_start3A_209 = tpu.memref_squeeze %dma_start3A_208 : memref<1x128x128xf32, #tpu.memory_space<vmem>> -> memref<128x128xf32, #tpu.memory_space<vmem>>
      %dma_start3A_210 = arith.constant 0 : i32
      %dma_start3A_211 = tpu.memref_slice %arg5[%run_scoped3A_162, %run_scoped3A_163, %dma_start3A_210] : memref<2x2x128xi32, #tpu.memory_space<vmem>> -> memref<1x1x128xi32, #tpu.memory_space<vmem>>
      %dma_start3A_212 = tpu.memref_squeeze %dma_start3A_211 : memref<1x1x128xi32, #tpu.memory_space<vmem>> -> memref<128xi32, #tpu.memory_space<vmem>>
      %dma_start3A_213 = arith.constant 0 : i32
      %dma_start3A_214 = arith.constant 0 : i32
      %dma_start3A_215 = tpu.memref_slice %arg7[%dma_start3A_213, %dma_start3A_214] : memref<10240x128xf32, #tpu.memory_space<vmem_shared>> -> memref<10240x128xf32, #tpu.memory_space<vmem_shared>>
      tpu.enqueue_indirect_dma source(%dma_start3A_209 : memref<128x128xf32, #tpu.memory_space<vmem>>) target(%dma_start3A_215 : memref<10240x128xf32, #tpu.memory_space<vmem_shared>>) offsets(%dma_start3A_212 : memref<128xi32, #tpu.memory_space<vmem>>) semaphore(%run_scoped3A_205 : memref<!tpu.dma_semaphore, #tpu.memory_space<semaphore_mem>>) {add = true}
      %dma_wait3A_216 = arith.constant 0 : i32
      %dma_wait3A_217 = arith.constant 0 : i32
      %dma_wait3A_218 = tpu.memref_slice %arg6[%run_scoped3A_161, %dma_wait3A_216, %dma_wait3A_217] : memref<2x128x128xf32, #tpu.memory_space<vmem>> -> memref<1x128x128xf32, #tpu.memory_space<vmem>>
      %dma_wait3A_219 = tpu.memref_squeeze %dma_wait3A_218 : memref<1x128x128xf32, #tpu.memory_space<vmem>> -> memref<128x128xf32, #tpu.memory_space<vmem>>
      %dma_wait3A_220 = arith.constant 0 : i32
      %dma_wait3A_221 = tpu.memref_slice %arg5[%run_scoped3A_162, %run_scoped3A_163, %dma_wait3A_220] : memref<2x2x128xi32, #tpu.memory_space<vmem>> -> memref<1x1x128xi32, #tpu.memory_space<vmem>>
      %dma_wait3A_222 = tpu.memref_squeeze %dma_wait3A_221 : memref<1x1x128xi32, #tpu.memory_space<vmem>> -> memref<128xi32, #tpu.memory_space<vmem>>
      %dma_wait3A_223 = arith.constant 0 : i32
      %dma_wait3A_224 = arith.constant 0 : i32
      %dma_wait3A_225 = tpu.memref_slice %arg7[%dma_wait3A_223, %dma_wait3A_224] : memref<10240x128xf32, #tpu.memory_space<vmem_shared>> -> memref<10240x128xf32, #tpu.memory_space<vmem_shared>>
      tpu.wait_indirect_dma semaphore(%run_scoped3A_205 : memref<!tpu.dma_semaphore, #tpu.memory_space<semaphore_mem>>) src(%dma_wait3A_219 : memref<128x128xf32, #tpu.memory_space<vmem>>) dst(%dma_wait3A_225 : memref<10240x128xf32, #tpu.memory_space<vmem_shared>>)
      tpu.yield
    }) : () -> ()
    %barrier3A_164 = arith.constant 0 : index
    tpu.barrier barrier_id(%barrier3A_164)
    %mul3A_165 = arith.constant 640 : i32
    %mul3A_166 = arith.muli %arg1, %mul3A_165 : i32
    %add3A_167 = arith.constant 0 : i32
    %add3A_168 = arith.addi %mul3A_166, %add3A_167 : i32
    %mul3A_169 = arith.constant 640 : i32
    %mul3A_170 = arith.muli %arg1, %mul3A_169 : i32
    %add3A_171 = arith.constant 0 : i32
    %add3A_172 = arith.addi %mul3A_170, %add3A_171 : i32
    "tpu.region"() ({
      %run_scoped3A_205 = tpu.sem_alloc : memref<!tpu.dma_semaphore, #tpu.memory_space<semaphore_mem>>
      %dma_start3A_206 = arith.constant 0 : i32
      %dma_start3A_207 = tpu.memref_slice %arg4[%arg0, %add3A_172, %dma_start3A_206] : memref<2x10240x128xf32, #tpu.memory_space<hbm>> -> memref<1x128x128xf32, #tpu.memory_space<hbm>>
      %dma_start3A_208 = tpu.memref_squeeze %dma_start3A_207 : memref<1x128x128xf32, #tpu.memory_space<hbm>> -> memref<128x128xf32, #tpu.memory_space<hbm>>
      %dma_start3A_209 = arith.constant 0 : i32
      %dma_start3A_210 = tpu.memref_slice %arg7[%add3A_168, %dma_start3A_209] : memref<10240x128xf32, #tpu.memory_space<vmem_shared>> -> memref<128x128xf32, #tpu.memory_space<vmem_shared>>
      tpu.enqueue_dma source(%dma_start3A_210 : memref<128x128xf32, #tpu.memory_space<vmem_shared>>) target(%dma_start3A_208 : memref<128x128xf32, #tpu.memory_space<hbm>>) target_semaphore(%run_scoped3A_205 : memref<!tpu.dma_semaphore, #tpu.memory_space<semaphore_mem>>)
      %dma_wait3A_211 = arith.constant 0 : i32
      %dma_wait3A_212 = tpu.memref_slice %arg4[%arg0, %add3A_172, %dma_wait3A_211] : memref<2x10240x128xf32, #tpu.memory_space<hbm>> -> memref<1x128x128xf32, #tpu.memory_space<hbm>>
      %dma_wait3A_213 = tpu.memref_squeeze %dma_wait3A_212 : memref<1x128x128xf32, #tpu.memory_space<hbm>> -> memref<128x128xf32, #tpu.memory_space<hbm>>
      %dma_wait3A_214 = arith.constant 0 : i32
      %dma_wait3A_215 = tpu.memref_slice %arg7[%add3A_168, %dma_wait3A_214] : memref<10240x128xf32, #tpu.memory_space<vmem_shared>> -> memref<128x128xf32, #tpu.memory_space<vmem_shared>>
      tpu.wait_dma2 semaphore(%run_scoped3A_205 : memref<!tpu.dma_semaphore, #tpu.memory_space<semaphore_mem>>) src(%dma_wait3A_215 : memref<128x128xf32, #tpu.memory_space<vmem_shared>>) dst(%dma_wait3A_213 : memref<128x128xf32, #tpu.memory_space<hbm>>)
      tpu.yield
    }) : () -> ()
    %mul3A_173 = arith.constant 640 : i32
    %mul3A_174 = arith.muli %arg1, %mul3A_173 : i32
    %add3A_175 = arith.constant 128 : i32
    %add3A_176 = arith.addi %mul3A_174, %add3A_175 : i32
    %mul3A_177 = arith.constant 640 : i32
    %mul3A_178 = arith.muli %arg1, %mul3A_177 : i32
    %add3A_179 = arith.constant 128 : i32
    %add3A_180 = arith.addi %mul3A_178, %add3A_179 : i32
    "tpu.region"() ({
      %run_scoped3A_205 = tpu.sem_alloc : memref<!tpu.dma_semaphore, #tpu.memory_space<semaphore_mem>>
      %dma_start3A_206 = arith.constant 0 : i32
      %dma_start3A_207 = tpu.memref_slice %arg4[%arg0, %add3A_180, %dma_start3A_206] : memref<2x10240x128xf32, #tpu.memory_space<hbm>> -> memref<1x128x128xf32, #tpu.memory_space<hbm>>
      %dma_start3A_208 = tpu.memref_squeeze %dma_start3A_207 : memref<1x128x128xf32, #tpu.memory_space<hbm>> -> memref<128x128xf32, #tpu.memory_space<hbm>>
      %dma_start3A_209 = arith.constant 0 : i32
      %dma_start3A_210 = tpu.memref_slice %arg7[%add3A_176, %dma_start3A_209] : memref<10240x128xf32, #tpu.memory_space<vmem_shared>> -> memref<128x128xf32, #tpu.memory_space<vmem_shared>>
      tpu.enqueue_dma source(%dma_start3A_210 : memref<128x128xf32, #tpu.memory_space<vmem_shared>>) target(%dma_start3A_208 : memref<128x128xf32, #tpu.memory_space<hbm>>) target_semaphore(%run_scoped3A_205 : memref<!tpu.dma_semaphore, #tpu.memory_space<semaphore_mem>>)
      %dma_wait3A_211 = arith.constant 0 : i32
      %dma_wait3A_212 = tpu.memref_slice %arg4[%arg0, %add3A_180, %dma_wait3A_211] : memref<2x10240x128xf32, #tpu.memory_space<hbm>> -> memref<1x128x128xf32, #tpu.memory_space<hbm>>
      %dma_wait3A_213 = tpu.memref_squeeze %dma_wait3A_212 : memref<1x128x128xf32, #tpu.memory_space<hbm>> -> memref<128x128xf32, #tpu.memory_space<hbm>>
      %dma_wait3A_214 = arith.constant 0 : i32
      %dma_wait3A_215 = tpu.memref_slice %arg7[%add3A_176, %dma_wait3A_214] : memref<10240x128xf32, #tpu.memory_space<vmem_shared>> -> memref<128x128xf32, #tpu.memory_space<vmem_shared>>
      tpu.wait_dma2 semaphore(%run_scoped3A_205 : memref<!tpu.dma_semaphore, #tpu.memory_space<semaphore_mem>>) src(%dma_wait3A_215 : memref<128x128xf32, #tpu.memory_space<vmem_shared>>) dst(%dma_wait3A_213 : memref<128x128xf32, #tpu.memory_space<hbm>>)
      tpu.yield
    }) : () -> ()
    %mul3A_181 = arith.constant 640 : i32
    %mul3A_182 = arith.muli %arg1, %mul3A_181 : i32
    %add3A_183 = arith.constant 256 : i32
    %add3A_184 = arith.addi %mul3A_182, %add3A_183 : i32
    %mul3A_185 = arith.constant 640 : i32
    %mul3A_186 = arith.muli %arg1, %mul3A_185 : i32
    %add3A_187 = arith.constant 256 : i32
    %add3A_188 = arith.addi %mul3A_186, %add3A_187 : i32
    "tpu.region"() ({
      %run_scoped3A_205 = tpu.sem_alloc : memref<!tpu.dma_semaphore, #tpu.memory_space<semaphore_mem>>
      %dma_start3A_206 = arith.constant 0 : i32
      %dma_start3A_207 = tpu.memref_slice %arg4[%arg0, %add3A_188, %dma_start3A_206] : memref<2x10240x128xf32, #tpu.memory_space<hbm>> -> memref<1x128x128xf32, #tpu.memory_space<hbm>>
      %dma_start3A_208 = tpu.memref_squeeze %dma_start3A_207 : memref<1x128x128xf32, #tpu.memory_space<hbm>> -> memref<128x128xf32, #tpu.memory_space<hbm>>
      %dma_start3A_209 = arith.constant 0 : i32
      %dma_start3A_210 = tpu.memref_slice %arg7[%add3A_184, %dma_start3A_209] : memref<10240x128xf32, #tpu.memory_space<vmem_shared>> -> memref<128x128xf32, #tpu.memory_space<vmem_shared>>
      tpu.enqueue_dma source(%dma_start3A_210 : memref<128x128xf32, #tpu.memory_space<vmem_shared>>) target(%dma_start3A_208 : memref<128x128xf32, #tpu.memory_space<hbm>>) target_semaphore(%run_scoped3A_205 : memref<!tpu.dma_semaphore, #tpu.memory_space<semaphore_mem>>)
      %dma_wait3A_211 = arith.constant 0 : i32
      %dma_wait3A_212 = tpu.memref_slice %arg4[%arg0, %add3A_188, %dma_wait3A_211] : memref<2x10240x128xf32, #tpu.memory_space<hbm>> -> memref<1x128x128xf32, #tpu.memory_space<hbm>>
      %dma_wait3A_213 = tpu.memref_squeeze %dma_wait3A_212 : memref<1x128x128xf32, #tpu.memory_space<hbm>> -> memref<128x128xf32, #tpu.memory_space<hbm>>
      %dma_wait3A_214 = arith.constant 0 : i32
      %dma_wait3A_215 = tpu.memref_slice %arg7[%add3A_184, %dma_wait3A_214] : memref<10240x128xf32, #tpu.memory_space<vmem_shared>> -> memref<128x128xf32, #tpu.memory_space<vmem_shared>>
      tpu.wait_dma2 semaphore(%run_scoped3A_205 : memref<!tpu.dma_semaphore, #tpu.memory_space<semaphore_mem>>) src(%dma_wait3A_215 : memref<128x128xf32, #tpu.memory_space<vmem_shared>>) dst(%dma_wait3A_213 : memref<128x128xf32, #tpu.memory_space<hbm>>)
      tpu.yield
    }) : () -> ()
    %mul3A_189 = arith.constant 640 : i32
    %mul3A_190 = arith.muli %arg1, %mul3A_189 : i32
    %add3A_191 = arith.constant 384 : i32
    %add3A_192 = arith.addi %mul3A_190, %add3A_191 : i32
    %mul3A_193 = arith.constant 640 : i32
    %mul3A_194 = arith.muli %arg1, %mul3A_193 : i32
    %add3A_195 = arith.constant 384 : i32
    %add3A_196 = arith.addi %mul3A_194, %add3A_195 : i32
    "tpu.region"() ({
      %run_scoped3A_205 = tpu.sem_alloc : memref<!tpu.dma_semaphore, #tpu.memory_space<semaphore_mem>>
      %dma_start3A_206 = arith.constant 0 : i32
      %dma_start3A_207 = tpu.memref_slice %arg4[%arg0, %add3A_196, %dma_start3A_206] : memref<2x10240x128xf32, #tpu.memory_space<hbm>> -> memref<1x128x128xf32, #tpu.memory_space<hbm>>
      %dma_start3A_208 = tpu.memref_squeeze %dma_start3A_207 : memref<1x128x128xf32, #tpu.memory_space<hbm>> -> memref<128x128xf32, #tpu.memory_space<hbm>>
      %dma_start3A_209 = arith.constant 0 : i32
      %dma_start3A_210 = tpu.memref_slice %arg7[%add3A_192, %dma_start3A_209] : memref<10240x128xf32, #tpu.memory_space<vmem_shared>> -> memref<128x128xf32, #tpu.memory_space<vmem_shared>>
      tpu.enqueue_dma source(%dma_start3A_210 : memref<128x128xf32, #tpu.memory_space<vmem_shared>>) target(%dma_start3A_208 : memref<128x128xf32, #tpu.memory_space<hbm>>) target_semaphore(%run_scoped3A_205 : memref<!tpu.dma_semaphore, #tpu.memory_space<semaphore_mem>>)
      %dma_wait3A_211 = arith.constant 0 : i32
      %dma_wait3A_212 = tpu.memref_slice %arg4[%arg0, %add3A_196, %dma_wait3A_211] : memref<2x10240x128xf32, #tpu.memory_space<hbm>> -> memref<1x128x128xf32, #tpu.memory_space<hbm>>
      %dma_wait3A_213 = tpu.memref_squeeze %dma_wait3A_212 : memref<1x128x128xf32, #tpu.memory_space<hbm>> -> memref<128x128xf32, #tpu.memory_space<hbm>>
      %dma_wait3A_214 = arith.constant 0 : i32
      %dma_wait3A_215 = tpu.memref_slice %arg7[%add3A_192, %dma_wait3A_214] : memref<10240x128xf32, #tpu.memory_space<vmem_shared>> -> memref<128x128xf32, #tpu.memory_space<vmem_shared>>
      tpu.wait_dma2 semaphore(%run_scoped3A_205 : memref<!tpu.dma_semaphore, #tpu.memory_space<semaphore_mem>>) src(%dma_wait3A_215 : memref<128x128xf32, #tpu.memory_space<vmem_shared>>) dst(%dma_wait3A_213 : memref<128x128xf32, #tpu.memory_space<hbm>>)
      tpu.yield
    }) : () -> ()
    %mul3A_197 = arith.constant 640 : i32
    %mul3A_198 = arith.muli %arg1, %mul3A_197 : i32
    %add3A_199 = arith.constant 512 : i32
    %add3A_200 = arith.addi %mul3A_198, %add3A_199 : i32
    %mul3A_201 = arith.constant 640 : i32
    %mul3A_202 = arith.muli %arg1, %mul3A_201 : i32
    %add3A_203 = arith.constant 512 : i32
    %add3A_204 = arith.addi %mul3A_202, %add3A_203 : i32
    "tpu.region"() ({
      %run_scoped3A_205 = tpu.sem_alloc : memref<!tpu.dma_semaphore, #tpu.memory_space<semaphore_mem>>
      %dma_start3A_206 = arith.constant 0 : i32
      %dma_start3A_207 = tpu.memref_slice %arg4[%arg0, %add3A_204, %dma_start3A_206] : memref<2x10240x128xf32, #tpu.memory_space<hbm>> -> memref<1x128x128xf32, #tpu.memory_space<hbm>>
      %dma_start3A_208 = tpu.memref_squeeze %dma_start3A_207 : memref<1x128x128xf32, #tpu.memory_space<hbm>> -> memref<128x128xf32, #tpu.memory_space<hbm>>
      %dma_start3A_209 = arith.constant 0 : i32
      %dma_start3A_210 = tpu.memref_slice %arg7[%add3A_200, %dma_start3A_209] : memref<10240x128xf32, #tpu.memory_space<vmem_shared>> -> memref<128x128xf32, #tpu.memory_space<vmem_shared>>
      tpu.enqueue_dma source(%dma_start3A_210 : memref<128x128xf32, #tpu.memory_space<vmem_shared>>) target(%dma_start3A_208 : memref<128x128xf32, #tpu.memory_space<hbm>>) target_semaphore(%run_scoped3A_205 : memref<!tpu.dma_semaphore, #tpu.memory_space<semaphore_mem>>)
      %dma_wait3A_211 = arith.constant 0 : i32
      %dma_wait3A_212 = tpu.memref_slice %arg4[%arg0, %add3A_204, %dma_wait3A_211] : memref<2x10240x128xf32, #tpu.memory_space<hbm>> -> memref<1x128x128xf32, #tpu.memory_space<hbm>>
      %dma_wait3A_213 = tpu.memref_squeeze %dma_wait3A_212 : memref<1x128x128xf32, #tpu.memory_space<hbm>> -> memref<128x128xf32, #tpu.memory_space<hbm>>
      %dma_wait3A_214 = arith.constant 0 : i32
      %dma_wait3A_215 = tpu.memref_slice %arg7[%add3A_200, %dma_wait3A_214] : memref<10240x128xf32, #tpu.memory_space<vmem_shared>> -> memref<128x128xf32, #tpu.memory_space<vmem_shared>>
      tpu.wait_dma2 semaphore(%run_scoped3A_205 : memref<!tpu.dma_semaphore, #tpu.memory_space<semaphore_mem>>) src(%dma_wait3A_215 : memref<128x128xf32, #tpu.memory_space<vmem_shared>>) dst(%dma_wait3A_213 : memref<128x128xf32, #tpu.memory_space<hbm>>)
      tpu.yield
    }) : () -> ()
    return
  }
}

module attributes {stable_mosaic.version = 14 : i64} {
  func.func @_tc1_body(%arg0: memref<10000x128xf32, #tpu.memory_space<vmem>>, %arg1: memref<128x128xf32, #tpu.memory_space<vmem>>, %arg2: memref<2x10240xf32, #tpu.memory_space<vmem>>, %arg3: memref<10000x128xf32, #tpu.memory_space<vmem>>) attributes {dimension_semantics = [], scalar_prefetch = 0 : i64, scratch_operands = 0 : i64, tpu.core_type = #tpu.core_type<tc>} {
    %get3A = arith.constant 0 : index
    %get3A_0 = arith.constant 0 : index
    %get3A_1 = vector.load %arg2[%get3A, %get3A_0] : memref<2x10240xf32, #tpu.memory_space<vmem>>, vector<1x10000xf32>
    %get3A_2 = vector.shape_cast %get3A_1 : vector<1x10000xf32> to vector<10000xf32>
    %get3A_3 = arith.constant 1 : index
    %get3A_4 = arith.constant 0 : index
    %get3A_5 = vector.load %arg2[%get3A_3, %get3A_4] : memref<2x10240xf32, #tpu.memory_space<vmem>>, vector<1x10000xf32>
    %get3A_6 = vector.shape_cast %get3A_5 : vector<1x10000xf32> to vector<10000xf32>
    %add3A = arith.addf %get3A_2, %get3A_6 : vector<10000xf32>
    %add3A_7 = arith.constant 1.000000e+00 : f32
    %add3A_8 = vector.broadcast %add3A_7 : f32 to vector<10000xf32>
    %add3A_9 = arith.addf %add3A, %add3A_8 : vector<10000xf32>
    %rsqrt3A = math.rsqrt %add3A_9 : vector<10000xf32>
    %get3A_10 = arith.constant 0 : index
    %get3A_11 = arith.constant 0 : index
    %get3A_12 = vector.load %arg0[%get3A_10, %get3A_11] : memref<10000x128xf32, #tpu.memory_space<vmem>>, vector<10000x128xf32>
    %get3A_13 = arith.constant 0 : index
    %get3A_14 = arith.constant 0 : index
    %get3A_15 = vector.load %arg1[%get3A_13, %get3A_14] : memref<128x128xf32, #tpu.memory_space<vmem>>, vector<128x128xf32>
    %dot_general3A = arith.constant dense<0.000000e+00> : vector<10000x128xf32>
    %dot_general3A_16 = tpu.matmul %get3A_12, %get3A_15, %dot_general3A {dimension_numbers = #tpu.dot_dimension_numbers<[1], [0], [0], [1], [0, 0, 1, 1], [], []>, transpose_lhs_hint = false} : vector<10000x128xf32>, vector<128x128xf32>, vector<10000x128xf32> -> vector<10000x128xf32>
    %broadcast_in_dim3A = vector.shape_cast %rsqrt3A : vector<10000xf32> to vector<10000x1xf32>
    %mul3A = vector.broadcast %broadcast_in_dim3A : vector<10000x1xf32> to vector<10000x128xf32>
    %mul3A_17 = arith.mulf %dot_general3A_16, %mul3A : vector<10000x128xf32>
    %swap3A = arith.constant 0 : index
    %swap3A_18 = arith.constant 0 : index
    %swap3A_19 = vector.load %arg3[%swap3A, %swap3A_18] : memref<10000x128xf32, #tpu.memory_space<vmem>>, vector<10000x128xf32>
    tpu.vector_store %arg3[%swap3A, %swap3A_18], %mul3A_17 {strides = array<i32>} : memref<10000x128xf32, #tpu.memory_space<vmem>>, vector<10000x128xf32>,
    return
  }
}

module attributes {stable_mosaic.version = 14 : i64} {
  func.func @_tc2_body(%arg0: memref<2x10240x128xf32, #tpu.memory_space<vmem>>, %arg1: memref<10000x128xf32, #tpu.memory_space<vmem>>, %arg2: memref<2x10240xf32, #tpu.memory_space<vmem>>, %arg3: memref<128xf32, #tpu.memory_space<vmem>>, %arg4: memref<128xf32, #tpu.memory_space<vmem>>, %arg5: memref<128xf32, #tpu.memory_space<vmem>>, %arg6: memref<128x128xf32, #tpu.memory_space<vmem>>, %arg7: memref<10000x128xf32, #tpu.memory_space<vmem>>) attributes {dimension_semantics = [], scalar_prefetch = 0 : i64, scratch_operands = 0 : i64, tpu.core_type = #tpu.core_type<tc>} {
    %get3A = arith.constant 0 : index
    %get3A_0 = arith.constant 0 : index
    %get3A_1 = vector.load %arg2[%get3A, %get3A_0] : memref<2x10240xf32, #tpu.memory_space<vmem>>, vector<1x10000xf32>
    %get3A_2 = vector.shape_cast %get3A_1 : vector<1x10000xf32> to vector<10000xf32>
    %get3A_3 = arith.constant 1 : index
    %get3A_4 = arith.constant 0 : index
    %get3A_5 = vector.load %arg2[%get3A_3, %get3A_4] : memref<2x10240xf32, #tpu.memory_space<vmem>>, vector<1x10000xf32>
    %get3A_6 = vector.shape_cast %get3A_5 : vector<1x10000xf32> to vector<10000xf32>
    %add3A = arith.addf %get3A_2, %get3A_6 : vector<10000xf32>
    %add3A_7 = arith.constant 1.000000e+00 : f32
    %add3A_8 = vector.broadcast %add3A_7 : f32 to vector<10000xf32>
    %add3A_9 = arith.addf %add3A, %add3A_8 : vector<10000xf32>
    %rsqrt3A = math.rsqrt %add3A_9 : vector<10000xf32>
    %get3A_10 = arith.constant 0 : index
    %get3A_11 = arith.constant 0 : index
    %get3A_12 = arith.constant 0 : index
    %get3A_13 = vector.load %arg0[%get3A_10, %get3A_11, %get3A_12] : memref<2x10240x128xf32, #tpu.memory_space<vmem>>, vector<1x10000x128xf32>
    %get3A_14 = vector.shape_cast %get3A_13 : vector<1x10000x128xf32> to vector<10000x128xf32>
    %get3A_15 = arith.constant 1 : index
    %get3A_16 = arith.constant 0 : index
    %get3A_17 = arith.constant 0 : index
    %get3A_18 = vector.load %arg0[%get3A_15, %get3A_16, %get3A_17] : memref<2x10240x128xf32, #tpu.memory_space<vmem>>, vector<1x10000x128xf32>
    %get3A_19 = vector.shape_cast %get3A_18 : vector<1x10000x128xf32> to vector<10000x128xf32>
    %add3A_20 = arith.addf %get3A_14, %get3A_19 : vector<10000x128xf32>
    %get3A_21 = arith.constant 0 : index
    %get3A_22 = arith.constant 0 : index
    %get3A_23 = vector.load %arg1[%get3A_21, %get3A_22] : memref<10000x128xf32, #tpu.memory_space<vmem>>, vector<10000x128xf32>
    %add3A_24 = arith.addf %add3A_20, %get3A_23 : vector<10000x128xf32>
    %broadcast_in_dim3A = vector.shape_cast %rsqrt3A : vector<10000xf32> to vector<10000x1xf32>
    %mul3A = vector.broadcast %broadcast_in_dim3A : vector<10000x1xf32> to vector<10000x128xf32>
    %mul3A_25 = arith.mulf %add3A_24, %mul3A : vector<10000x128xf32>
    %get3A_26 = arith.constant 0 : index
    %get3A_27 = vector.load %arg3[%get3A_26] : memref<128xf32, #tpu.memory_space<vmem>>, vector<128xf32>
    %broadcast_in_dim3A_28 = vector.shape_cast %get3A_27 : vector<128xf32> to vector<1x128xf32>
    %add3A_29 = vector.broadcast %broadcast_in_dim3A_28 : vector<1x128xf32> to vector<10000x128xf32>
    %add3A_30 = arith.addf %mul3A_25, %add3A_29 : vector<10000x128xf32>
    %reduce_sum3A = arith.constant dense<0.000000e+00> : vector<128xf32>
    %reduce_sum3A_31 = vector.multi_reduction <add>, %add3A_30, %reduce_sum3A [0] : vector<10000x128xf32> to vector<128xf32>
    %div3A = arith.constant 1.000000e+04 : f32
    %div3A_32 = vector.broadcast %div3A : f32 to vector<128xf32>
    %div3A_33 = arith.divf %reduce_sum3A_31, %div3A_32 : vector<128xf32>
    %broadcast_in_dim3A_34 = vector.shape_cast %div3A_33 : vector<128xf32> to vector<1x128xf32>
    %sub3A = vector.broadcast %broadcast_in_dim3A_34 : vector<1x128xf32> to vector<10000x128xf32>
    %sub3A_35 = arith.subf %add3A_30, %sub3A : vector<10000x128xf32>
    %integer_pow3A = arith.mulf %sub3A_35, %sub3A_35 : vector<10000x128xf32>
    %reduce_sum3A_36 = arith.constant dense<0.000000e+00> : vector<128xf32>
    %reduce_sum3A_37 = vector.multi_reduction <add>, %integer_pow3A, %reduce_sum3A_36 [0] : vector<10000x128xf32> to vector<128xf32>
    %div3A_38 = arith.constant 1.000000e+04 : f32
    %div3A_39 = vector.broadcast %div3A_38 : f32 to vector<128xf32>
    %div3A_40 = arith.divf %reduce_sum3A_37, %div3A_39 : vector<128xf32>
    %broadcast_in_dim3A_41 = vector.shape_cast %div3A_33 : vector<128xf32> to vector<1x128xf32>
    %sub3A_42 = vector.broadcast %broadcast_in_dim3A_41 : vector<1x128xf32> to vector<10000x128xf32>
    %sub3A_43 = arith.subf %add3A_30, %sub3A_42 : vector<10000x128xf32>
    %add3A_44 = arith.constant 9.99999974E-6 : f32
    %add3A_45 = vector.broadcast %add3A_44 : f32 to vector<128xf32>
    %add3A_46 = arith.addf %div3A_40, %add3A_45 : vector<128xf32>
    %rsqrt3A_47 = math.rsqrt %add3A_46 : vector<128xf32>
    %broadcast_in_dim3A_48 = vector.shape_cast %rsqrt3A_47 : vector<128xf32> to vector<1x128xf32>
    %mul3A_49 = vector.broadcast %broadcast_in_dim3A_48 : vector<1x128xf32> to vector<10000x128xf32>
    %mul3A_50 = arith.mulf %sub3A_43, %mul3A_49 : vector<10000x128xf32>
    %get3A_51 = arith.constant 0 : index
    %get3A_52 = vector.load %arg4[%get3A_51] : memref<128xf32, #tpu.memory_space<vmem>>, vector<128xf32>
    %broadcast_in_dim3A_53 = vector.shape_cast %get3A_52 : vector<128xf32> to vector<1x128xf32>
    %mul3A_54 = vector.broadcast %broadcast_in_dim3A_53 : vector<1x128xf32> to vector<10000x128xf32>
    %mul3A_55 = arith.mulf %mul3A_50, %mul3A_54 : vector<10000x128xf32>
    %get3A_56 = arith.constant 0 : index
    %get3A_57 = vector.load %arg5[%get3A_56] : memref<128xf32, #tpu.memory_space<vmem>>, vector<128xf32>
    %broadcast_in_dim3A_58 = vector.shape_cast %get3A_57 : vector<128xf32> to vector<1x128xf32>
    %add3A_59 = vector.broadcast %broadcast_in_dim3A_58 : vector<1x128xf32> to vector<10000x128xf32>
    %add3A_60 = arith.addf %mul3A_55, %add3A_59 : vector<10000x128xf32>
    %max3A = arith.constant 0.000000e+00 : f32
    %max3A_61 = vector.broadcast %max3A : f32 to vector<10000x128xf32>
    %max3A_62 = arith.maximumf %add3A_60, %max3A_61 : vector<10000x128xf32>
    %get3A_63 = arith.constant 0 : index
    %get3A_64 = arith.constant 0 : index
    %get3A_65 = vector.load %arg6[%get3A_63, %get3A_64] : memref<128x128xf32, #tpu.memory_space<vmem>>, vector<128x128xf32>
    %dot_general3A = arith.constant dense<0.000000e+00> : vector<10000x128xf32>
    %dot_general3A_66 = tpu.matmul %max3A_62, %get3A_65, %dot_general3A {dimension_numbers = #tpu.dot_dimension_numbers<[1], [0], [0], [1], [0, 0, 1, 1], [], []>, transpose_lhs_hint = false} : vector<10000x128xf32>, vector<128x128xf32>, vector<10000x128xf32> -> vector<10000x128xf32>
    %broadcast_in_dim3A_67 = vector.shape_cast %rsqrt3A : vector<10000xf32> to vector<10000x1xf32>
    %mul3A_68 = vector.broadcast %broadcast_in_dim3A_67 : vector<10000x1xf32> to vector<10000x128xf32>
    %mul3A_69 = arith.mulf %dot_general3A_66, %mul3A_68 : vector<10000x128xf32>
    %swap3A = arith.constant 0 : index
    %swap3A_70 = arith.constant 0 : index
    %swap3A_71 = vector.load %arg7[%swap3A, %swap3A_70] : memref<10000x128xf32, #tpu.memory_space<vmem>>, vector<10000x128xf32>
    tpu.vector_store %arg7[%swap3A, %swap3A_70], %mul3A_69 {strides = array<i32>} : memref<10000x128xf32, #tpu.memory_space<vmem>>, vector<10000x128xf32>,
    return
  }
}

module attributes {stable_mosaic.version = 14 : i64} {
  func.func @_tc3_body(%arg0: memref<2x10240x128xf32, #tpu.memory_space<vmem>>, %arg1: memref<10000x128xf32, #tpu.memory_space<vmem>>, %arg2: memref<2x10240xf32, #tpu.memory_space<vmem>>, %arg3: memref<128xf32, #tpu.memory_space<vmem>>, %arg4: memref<10000x128xf32, #tpu.memory_space<vmem>>) attributes {dimension_semantics = [], scalar_prefetch = 0 : i64, scratch_operands = 0 : i64, tpu.core_type = #tpu.core_type<tc>} {
    %get3A = arith.constant 0 : index
    %get3A_0 = arith.constant 0 : index
    %get3A_1 = vector.load %arg2[%get3A, %get3A_0] : memref<2x10240xf32, #tpu.memory_space<vmem>>, vector<1x10000xf32>
    %get3A_2 = vector.shape_cast %get3A_1 : vector<1x10000xf32> to vector<10000xf32>
    %get3A_3 = arith.constant 1 : index
    %get3A_4 = arith.constant 0 : index
    %get3A_5 = vector.load %arg2[%get3A_3, %get3A_4] : memref<2x10240xf32, #tpu.memory_space<vmem>>, vector<1x10000xf32>
    %get3A_6 = vector.shape_cast %get3A_5 : vector<1x10000xf32> to vector<10000xf32>
    %add3A = arith.addf %get3A_2, %get3A_6 : vector<10000xf32>
    %add3A_7 = arith.constant 1.000000e+00 : f32
    %add3A_8 = vector.broadcast %add3A_7 : f32 to vector<10000xf32>
    %add3A_9 = arith.addf %add3A, %add3A_8 : vector<10000xf32>
    %rsqrt3A = math.rsqrt %add3A_9 : vector<10000xf32>
    %get3A_10 = arith.constant 0 : index
    %get3A_11 = arith.constant 0 : index
    %get3A_12 = arith.constant 0 : index
    %get3A_13 = vector.load %arg0[%get3A_10, %get3A_11, %get3A_12] : memref<2x10240x128xf32, #tpu.memory_space<vmem>>, vector<1x10000x128xf32>
    %get3A_14 = vector.shape_cast %get3A_13 : vector<1x10000x128xf32> to vector<10000x128xf32>
    %get3A_15 = arith.constant 1 : index
    %get3A_16 = arith.constant 0 : index
    %get3A_17 = arith.constant 0 : index
    %get3A_18 = vector.load %arg0[%get3A_15, %get3A_16, %get3A_17] : memref<2x10240x128xf32, #tpu.memory_space<vmem>>, vector<1x10000x128xf32>
    %get3A_19 = vector.shape_cast %get3A_18 : vector<1x10000x128xf32> to vector<10000x128xf32>
    %add3A_20 = arith.addf %get3A_14, %get3A_19 : vector<10000x128xf32>
    %get3A_21 = arith.constant 0 : index
    %get3A_22 = arith.constant 0 : index
    %get3A_23 = vector.load %arg1[%get3A_21, %get3A_22] : memref<10000x128xf32, #tpu.memory_space<vmem>>, vector<10000x128xf32>
    %add3A_24 = arith.addf %add3A_20, %get3A_23 : vector<10000x128xf32>
    %broadcast_in_dim3A = vector.shape_cast %rsqrt3A : vector<10000xf32> to vector<10000x1xf32>
    %mul3A = vector.broadcast %broadcast_in_dim3A : vector<10000x1xf32> to vector<10000x128xf32>
    %mul3A_25 = arith.mulf %add3A_24, %mul3A : vector<10000x128xf32>
    %get3A_26 = arith.constant 0 : index
    %get3A_27 = vector.load %arg3[%get3A_26] : memref<128xf32, #tpu.memory_space<vmem>>, vector<128xf32>
    %broadcast_in_dim3A_28 = vector.shape_cast %get3A_27 : vector<128xf32> to vector<1x128xf32>
    %add3A_29 = vector.broadcast %broadcast_in_dim3A_28 : vector<1x128xf32> to vector<10000x128xf32>
    %add3A_30 = arith.addf %mul3A_25, %add3A_29 : vector<10000x128xf32>
    %swap3A = arith.constant 0 : index
    %swap3A_31 = arith.constant 0 : index
    %swap3A_32 = vector.load %arg4[%swap3A, %swap3A_31] : memref<10000x128xf32, #tpu.memory_space<vmem>>, vector<10000x128xf32>
    tpu.vector_store %arg4[%swap3A, %swap3A_31], %add3A_30 {strides = array<i32>} : memref<10000x128xf32, #tpu.memory_space<vmem>>, vector<10000x128xf32>,
    return
  }
}

</mosaic_0001>

<sc_bundles>
// kernel: kernel.11.cloned.1.call-start
scs
__scs_entry_jumppad:
0x0: {  	(pc) =	sbr.rel $0x88, $3  }
0x1: {  	(tag) =	ssettag $0x0;
	lr =	simm.s32 $0x1  }
0x2: {  	[smem:$0x3F99] =	sst lr;
	_ =	strace $0xD0000000  }
0x3: {  	_ = 	snop  }
0x4: {  	_ = 	snop  }
0x5: {  	_ = 	snop  }
0x6: {  	_ = 	snop  }
0x7: {  	_ = 	snop  }
__scs_overlays_trampoline_lowered:
0x8: {  	[smem:$0x3FA8] =	sst s0  }
0x9: {  	[smem:$0x3FA9] =	sst s1  }
0xa: {  	[smem:$0x3FAA] =	sst s2  }
0xb: {  	[smem:$0x3FAB] =	sst s3  }
0xc: {  	[smem:$0x3FAC] =	sst s4  }
0xd: {  	[smem:$0x3FAD] =	sst s5  }
0xe: {  	[smem:$0x3FAE] =	sst s6  }
0xf: {  	[smem:$0x3FAF] =	sst s7  }
0x10: {  	[smem:$0x3FB0] =	sst s8  }
0x11: {  	[smem:$0x3FB1] =	sst s9;
	s0 =	simm.s32 @!p0 $0x0  }
0x12: {  	s1 =	sld [smem:$0x3F97];
	s0 =	simm.s32 @p0 $0x1  }
0x13: {  	[smem:$0x3FB2] =	sst s0;
	s0 =	simm.s32 @!p1 $0x0  }
0x14: {  	s2 =	sld [smem:$0x3F96];
	s0 =	simm.s32 @p1 $0x1  }
0x15: {  	[smem:$0x3FB3] =	sst s0;
	s0 =	simm.s32 @!p2 $0x0  }
0x16: {  	s3 =	sld [smem:$0x3FDB];
	s0 =	simm.s32 @p2 $0x1  }
0x17: {  	s4 =	simm.s32 $0x1BF5;
	[smem:$0x3FB5] =	sst s0  }
0x18: {  	s0 =	sld [smem:$0x3F98];
	_ =	swait.ge [sflag:s4], $0x0  }
0x19: {  	s7 =	sld [smem:$0x3F99]  }
0x1a: {  	s8 =	sadd.s32 $0xFFFFE003, lr  }
0x1b: {  	s9 =	sadd.s32 $0xFFFFFEF7, lr;
	s5 =	simm.s32 $0xFFFFFFFF;
	p2 =	slt.u32 s8, $0xFFFFF086  }
0x1c: {  	p1 =	slt.u32 s9, $0xF7A;
	s5 =	simm.s32 @!p2 $0x0  }
0x1d: {  	s5 =	simm.s32 @p1 $0x1;
	p0 =	seq.s32 s7, s2  }
0x1e: {  	s7 =	smul.u32 @!p0 $0xF7A, s2;
	p2 =	seq.s32 @!p0 s5, $0x0  }
0x1f: {  	s9 =	smul.u32 $0xF7A, s1;
	s8 =	simm.s32 @!p0 $0x1BF5;
	p2 =	por !p2, p0  }
0x20: {  	[sflag:s8] =	ssyncset.s32 @!p0 $0xFFFFF086;
	s6 =	sadd.s32 @!p0 s3, s7;
	s7 =	simm.s32 @!p0 $0x108  }
0x21: {  	s3 =	sadd.s32 s3, s9;
	s6 =	sadd.s32 @!p0 $0x88, s6;
	s7 =	simm.s32 @p2 $0x1082  }
0x22: {  	[simem:s7], [sflag:s8] =	dma.local @!p0 [hbm:s6], $0xF7A  }
0x23: {  	s9 =	sor.u32 $0xD0000000, s2;
	s6 =	simm.s32 $0x108;
	_ =	swait.ge @!p0 [sflag:s8], $0x0  }
0x24: {  	s3 =	sadd.s32 $0x88, s3;
	s6 =	simm.s32 @!p1 $0x1082;
	[sflag:s4] =	ssyncset.s32 $0xFFFFF086  }
0x25: {  	[simem:s6], [sflag:s4] =	dma.local [hbm:s3], $0xF7A  }
0x26: {  	[smem:$0x3F99] =	sst s1;
	(tag) =	ssettag s2;
	_ =	strace s9  }
0x27: {  	s1 =	sld [smem:$0x3FA9]  }
0x28: {  	s2 =	sld [smem:$0x3FAA]  }
0x29: {  	s4 =	sld [smem:$0x3FAC]  }
0x2a: {  	p0 =	seq.s32 s5, $0x0;
	s5 =	sld [smem:$0x3FAD]  }
0x2b: {  	s6 =	sld [smem:$0x3FAE]  }
0x2c: {  	s7 =	sld [smem:$0x3FAF]  }
0x2d: {  	s3 =	simm.s32 $0x108;
	s8 =	sld [smem:$0x3FB0]  }
0x2e: {  	s3 =	simm.s32 @!p0 $0x1082;
	s9 =	sld [smem:$0x3FB1]  }
0x2f: {  	lr =	sadd.s32 s0, s3;
	s0 =	sld [smem:$0x3FA8]  }
0x30: {  	s3 =	sld [smem:$0x3FAB]  }
0x31: {  	[smem:$0x3FB4] =	sst s10  }
0x32: {  	s10 =	sld [smem:$0x3FB2];
	_ =	sdelay $0x3  }
0x33: {  	p0 =	seq.s32 s10, $0x1;
	s10 =	sld [smem:$0x3FB4];
	_ =	sdelay $0x3  }
0x34: {  	[smem:$0x3FB4] =	sst s10  }
0x35: {  	s10 =	sld [smem:$0x3FB3];
	_ =	sdelay $0x3  }
0x36: {  	p1 =	seq.s32 s10, $0x1;
	s10 =	sld [smem:$0x3FB4];
	_ =	sdelay $0x3  }
0x37: {  	[smem:$0x3FB4] =	sst s10  }
0x38: {  	s10 =	sld [smem:$0x3FB5]  }
0x39: {  	_ = 	snop;
	(pc) =	sbr.ind lr, $3  }
0x3a: {  	_ = 	snop  }
0x3b: {  	_ = 	snop  }
0x3c: {  	p2 =	seq.s32 s10, $0x1;
	s10 =	sld [smem:$0x3FB4]  }
0x3d: {  	_ =	shalt  }
0x3e: {  	_ =	shalt  }
0x3f: {  	_ =	shalt  }
0x40: {  	_ =	shalt  }
0x41: {  	_ =	shalt  }
0x42: {  	_ =	shalt  }
0x43: {  	_ =	shalt  }
0x44: {  	_ =	shalt  }
0x45: {  	_ =	shalt  }
0x46: {  	_ =	shalt  }
0x47: {  	_ =	shalt  }
0x48: {  	_ =	shalt  }
0x49: {  	_ =	shalt  }
0x4a: {  	_ =	shalt  }
0x4b: {  	_ =	shalt  }
0x4c: {  	_ =	shalt  }
0x4d: {  	_ =	shalt  }
0x4e: {  	_ =	shalt  }
0x4f: {  	_ =	shalt  }
0x50: {  	_ =	shalt  }
0x51: {  	_ =	shalt  }
0x52: {  	_ =	shalt  }
0x53: {  	_ =	shalt  }
0x54: {  	_ =	shalt  }
0x55: {  	_ =	shalt  }
0x56: {  	_ =	shalt  }
0x57: {  	_ =	shalt  }
0x58: {  	_ =	shalt  }
0x59: {  	_ =	shalt  }
0x5a: {  	_ =	shalt  }
0x5b: {  	_ =	shalt  }
0x5c: {  	_ =	shalt  }
0x5d: {  	_ =	shalt  }
0x5e: {  	_ =	shalt  }
0x5f: {  	_ =	shalt  }
0x60: {  	_ =	shalt  }
0x61: {  	_ =	shalt  }
0x62: {  	_ =	shalt  }
0x63: {  	_ =	shalt  }
0x64: {  	_ =	shalt  }
0x65: {  	_ =	shalt  }
0x66: {  	_ =	shalt  }
0x67: {  	_ =	shalt  }
0x68: {  	_ =	shalt  }
0x69: {  	_ =	shalt  }
0x6a: {  	_ =	shalt  }
0x6b: {  	_ =	shalt  }
0x6c: {  	_ =	shalt  }
0x6d: {  	_ =	shalt  }
0x6e: {  	_ =	shalt  }
0x6f: {  	_ =	shalt  }
0x70: {  	_ =	shalt  }
0x71: {  	_ =	shalt  }
0x72: {  	_ =	shalt  }
0x73: {  	_ =	shalt  }
0x74: {  	_ =	shalt  }
0x75: {  	_ =	shalt  }
0x76: {  	_ =	shalt  }
0x77: {  	_ =	shalt  }
0x78: {  	_ =	shalt  }
0x79: {  	_ =	shalt  }
0x7a: {  	_ =	shalt  }
0x7b: {  	_ =	shalt  }
0x7c: {  	_ =	shalt  }
0x7d: {  	_ =	shalt  }
0x7e: {  	_ =	shalt  }
0x7f: {  	_ =	shalt  }
0x80: {  	_ =	shalt  }
0x81: {  	_ =	shalt  }
0x82: {  	_ =	shalt  }
0x83: {  	_ =	shalt  }
0x84: {  	_ =	shalt  }
0x85: {  	_ =	shalt  }
0x86: {  	_ =	shalt  }
0x87: {  	_ =	shalt  }
.Lfunc_end0:
.L_simem_size_0:
called_computation.1_lowered:
.L_overlay_start_0:
0x88: {  	s2 =	sld [smem:$0x3FD9]  }
0x89: {  	s3 =	sld [smem:$0x3FFE];
	_ =	sdelay $0x1  }
0x8a: {  	s1 =	srdreg.scid  }
0x8b: {  	s0 =	sand.u32 $0x1, s1  }
0x8c: {  	s17 =	sshll.u32 s0, $0xA;
	s2 =	sadd.s32 s3, s2  }
0x8d: {  	s2 =	sadd.s32 s2, s17  }
0x8e: {  	[smem:$0x3FC0] =	sst s2  }
0x8f: {  	_ = 	snop  }
0x90: {  	s2 =	sld [smem:$0x3FD0];
	(tm) =	ssettm $0x1  }
0x91: {  	s18 =	sld [smem:$0x3FFB];
	_ =	sdelay $0x3  }
0x92: {  	_ =	strace s18  }
0x93: {  	s3 =	sld [smem:$0x3FFC];
	_ =	sdelay $0x3  }
0x94: {  	_ =	strace s3  }
0x95: {  	s3 =	sld [smem:$0x3FFD];
	_ =	sdelay $0x3  }
0x96: {  	_ =	strace s3  }
0x97: {  	_ =	strace $0x8FFFFFFF  }
0x98: {  	s19 =	sld [smem:$0x3FDB];
	_ =	sdelay $0x1  }
0x99: {  	s4 =	simm.s32 $_scs_section_size  }
0x9a: {  	s5 =	simm.s32 $_size__tile_overlayer_lowered;
	s6 =	simm.s32 $_tile_overlayer_lowered  }
0x9b: {  	s22 =	simm.s32 $0x1BFF;
	s21 =	sshll.u32 s6, $0x1;
	s3 =	sadd.s32 s4, s19  }
0x9c: {  	s7 =	simm.s32 $0x0;
	s20 =	sshll.u32 s5, $0x1;
	s5 =	sadd.s32 s21, s3  }
0x9d: {  	[timem:s7], [sflag:s22] =	dma.local [hbm:s5], s20  }
0x9e: {  	_ =	swait.ge [sflag:s22], s20  }
0x9f: {  	s4 =	ssub.s32 $0x0, s20;
	[sflag:s22] =	ssyncset.done $0x0  }
0xa0: {  	[sflag:s22] =	ssyncadd.s32 s4;
	_ =	sdelay $0x1  }
0xa1: {  	s23 =	simm.s32 $0x1B8B  }
0xa2: {  	_ =	swait.ge [sflag:s23], $0x1  }
0xa3: {  	[sflag:s23] =	ssyncset.done $0x0  }
0xa4: {  	s25 =	simm.s32 $0x1B8E;
	s24 =	sld [smem:$0x3FFE];
	[sflag:s23] =	ssyncadd.s32 $0xFFFFFFFF  }
0xa5: {  	s26 =	simm.s32 $execute0_lowered;
	[smem:$0x3FD2] =	sst s25  }
0xa6: {  	s5 =	sshll.u32 s26, $0x1;
	_ =	strace $0x80000049;
	[dreg:$0x1] =	wrdreg $0xFFFFFFFF  }
0xa7: {  	s28 =	simm.s32 $_size_execute0_lowered;
	s3 =	sadd.s32 s3, s5;
	[dreg:$0x0] =	wrdreg $0x0  }
0xa8: {  	s5 =	sshll.u32 s28, $0x1;
	[dreg:$0x2] =	wrdreg s3  }
0xa9: {  	[dreg:$0x3] =	wrdreg s5  }
0xaa: {  	[dreg:$0x4] =	wrdreg $0xC0  }
0xab: {  	_ =	task [dreg:s7], $0x5FFFF  }
0xac: {  	[dreg:$0x1] =	wrdreg $0xFFFFFFFF  }
0xad: {  	[dreg:$0x0] =	wrdreg $0x60  }
0xae: {  	[dreg:$0x2] =	wrdreg s2  }
0xaf: {  	[dreg:$0x3] =	wrdreg s24  }
0xb0: {  	[dreg:$0x4] =	wrdreg $0x82000  }
0xb1: {  	[dreg:$0x5] =	wrdreg $0x9  }
0xb2: {  	_ =	task.clear_ibuf [dreg:s7], $0x6FFFF;
	_ =	strace $0x90000049  }
0xb3: {  	s29 =	simm.s32 $0x9;
	_ =	strace $0x8000004B  }
0xb4: {  	_ =	swait.ge [sflag:s29], $0x1  }
0xb5: {  	[sflag:s29] =	ssyncadd.s32 $0xFFFFFFFF  }
0xb6: {  	_ =	strace $0x9000004B  }
0xb7: {  	_ =	sfence  }
0xb8: {  	s30 =	sld [smem:$0x0];
	_ =	sdelay $0x2  }
0xb9: {  	s31 =	sshll.u32 s1, $0xD;
	s1 =	sshrl.u32 s1, $0x2  }
0xba: {  	s3 =	sand.u32 $0x4000, s31;
	s1 =	sadd.s32 s1, s30  }
0xbb: {  	s0 =	sor.u32 s3, s0;
	s1 =	sshll.u32 s1, $0x11  }
0xbc: {  	s0 =	sor.u32 s1, s0  }
0xbd: {  	s0 =	sadd.s32 $0x8F2B, s0  }
0xbe: {  	[sflag:s0] =	ssyncadd.remote.s32 $0x1  }
0xbf: {  	_ =	sfence.sel $0xFFFF  }
0xc0: {  	[dreg:$0x0] =	wrdreg $0xFFFFFFFF;
	(pc) =	sbr.abs _section_cstart, $3  }
0xc1: {  	[dreg:$0x1] =	wrdreg $0xFFFFFFFF  }
0xc2: {  	_ =	task.clear_ibuf [dreg:s7], $0x2FFFF;
	_ =	strace $0x9FFFFFFF  }
0xc3: {  	(tm) =	ssettm $0x7FFFFFFF  }
tec
execute0_lowered:
.L_overlay_start_1:
0x0: {  	(tag) =	ssettag $0x1  }
0x1: {  	s1 =	rddreg [dreg:$0x0]  }
0x2: {  	s0 =	rddreg [dreg:$0x1]  }
0x3: {  	s2 =	rddreg [dreg:$0x2];
	s4 =	simm.s32 $0x0  }
0x4: {  	s3 =	srdreg.scid;
	s20 =	stileid.u32;
	s21 =	simm.s32 $0x5  }
0x5: {  	s28 =	simm.s32 $0x1;
	s29 =	simm.s32 $0x2;
	s30 =	simm.s32 $0x180  }
0x6: {  	s31 =	simm.s32 $0x0;
	[smem:$0x7FF] =	sst s4;
	s6 =	smul.u32 $0x50000, s20  }
0x7: {  	s3 =	sand.u32 $0x1, s3;
	s19 =	sadd.s32 $0x3400, s0;
	s9 =	smul.u32 $0x14000, s20  }
0x8: {  	s0 =	sadd.s32 $0x17400, s0;
	_ =	strace $0x8000004A;
	s15 =	smul.u32 $0x140000, s3  }
0x9: {  	s5 =	ssub.s32 $0x2, s3;
	s8 =	sshll.u32 s3, $0x4;
	s3 =	smul.u32 $0x50000, s3  }
0xa: {  	s7 =	sshrl.u32 s5, $0x1;
	s8 =	sor.u32 s20, s8;
	s6 =	sshrl.u32 s6, $0x2  }
0xb: {  	s13 =	sadd.s32 $0x4000, s9;
	s14 =	sadd.s32 $0x8000, s9;
	s16 =	sadd.s32 $0xC000, s9  }
0xc: {  	s18 =	sadd.s32 $0x10000, s9;
	s20 =	smul.u32 $0x5000, s20;
	s17 =	ssub.s32 s5, s7  }
0xd: {  	s5 =	sadd.s32 s6, s2;
	s10 =	smul.u32 $0x5000, s8;
	s6 =	sadd.s32 s13, s2  }
0xe: {  	s7 =	sadd.s32 s14, s2;
	s8 =	sadd.s32 s16, s2;
	s11 =	sadd.s32 s9, s15  }
0xf: {  	s13 =	sadd.s32 s15, s13;
	s14 =	sadd.s32 s15, s14;
	s16 =	sadd.s32 s15, s16  }
0x10: {  	s12 =	sshrl.u32 s11, $0x3;
	s13 =	sshrl.u32 s13, $0x3;
	s14 =	sshrl.u32 s14, $0x3  }
0x11: {  	s16 =	sshrl.u32 s16, $0x3;
	s3 =	sadd.s32 s20, s3;
	s17 =	smax.u32 s17, $0x1  }
0x12: {  	s20 =	simm.s32 $0x200;
	s10 =	sshrl.u32 s10, $0x3;
	s12 =	sadd.s32 s0, s12  }
0x13: {  	s13 =	sadd.s32 s0, s13;
	s14 =	sadd.s32 s0, s14;
	s24 =	sor.u32 $0x300, s3  }
0x14: {  	s3 =	sor.u32 $0x200, s3;
	s9 =	sadd.s32 s19, s10;
	s10 =	sadd.s32 s18, s2  }
0x15: {  	s18 =	sadd.s32 s15, s18;
	s15 =	sadd.s32 s0, s16;
	s25 =	sshrl.u32 s24, $0x3  }
0x16: {  	s26 =	sshrl.u32 s3, $0x3;
	s24 =	simm.s32 $0x80;
	s22 =	sadd.s32 $0x20, s9  }
0x17: {  	s23 =	sshrl.u32 s18, $0x3;
	s18 =	sadd.s32 s25, s19;
	s19 =	sadd.s32 s26, s19  }
0x18: {  	s25 =	simm.s32 $0x4;
	s26 =	simm.s32 $0x4200;
	[dreg:$0x4] =	wrdreg s22  }
0x19: {  	v0 =	vimm.f32 $0.0e+00;
	s16 =	sadd.s32 s0, s23;
	s22 =	simm.s32 $0x100;
	s23 =	simm.s32 $0x3  }
.LBB2_1:
0x1a: {  	s0 =	simm.s32 $0x0;
	s3 =	simm.s32 $0x200  }
.LBB2_2:
0x1b: {  	p0 =	sne.s32 s3, $0xFE00;
	[tilespmem:s0+$0x270] =	vst v0  }
0x1c: {  	[tilespmem:s0+$0x200] =	vst v0  }
0x1d: {  	[tilespmem:s0+$0x210] =	vst v0  }
.Ltmp0:
0x1e: {  	[tilespmem:s0+$0x220] =	vst v0;
	(pc) =	sbr.rel @p0 .LBB2_2-.Ltmp0, $4  }
0x1f: {  	[tilespmem:s0+$0x230] =	vst v0  }
0x20: {  	[tilespmem:s0+$0x240] =	vst v0  }
0x21: {  	[tilespmem:s0+$0x250] =	vst v0  }
0x22: {  	[tilespmem:s0+$0x260] =	vst v0;
	s0 =	sshra.s32 s3, $0x2;
	s3 =	sadd.s32 $0x200, s3  }
0x23: {  	[tilespmem:s0+$0x270] =	vst v0  }
0x24: {  	[tilespmem:s0+$0x200] =	vst v0  }
0x25: {  	[tilespmem:s0+$0x210] =	vst v0  }
0x26: {  	[tilespmem:s0+$0x220] =	vst v0  }
0x27: {  	[tilespmem:s0+$0x230] =	vst v0  }
0x28: {  	[tilespmem:s0+$0x240] =	vst v0  }
0x29: {  	[tilespmem:s0+$0x250] =	vst v0  }
0x2a: {  	[tilespmem:s0+$0x260] =	vst v0  }
0x2b: {  	[spmem:s5] =	stream.linear.scatter [tilespmem:s20], [sflag:$0x5], $0x4000, $0x38;
	[tilespmem:$0x1C200] =	vst v63  }
0x2c: {  	_ =	swait.ge [sflag:s21], $0x4000  }
0x2d: {  	[sflag:s21] =	ssyncset.done $0x0  }
0x2e: {  	[sflag:s21] =	ssyncadd.s32 $0xFFFFC000  }
0x2f: {  	[spmem:s6] =	stream.linear.scatter [tilespmem:s20], [sflag:$0x5], $0x4000, $0x38;
	[tilespmem:$0x1C200] =	vst v63  }
0x30: {  	_ =	swait.ge [sflag:s21], $0x4000  }
0x31: {  	[sflag:s21] =	ssyncset.done $0x0  }
0x32: {  	[sflag:s21] =	ssyncadd.s32 $0xFFFFC000  }
0x33: {  	[spmem:s7] =	stream.linear.scatter [tilespmem:s20], [sflag:$0x5], $0x4000, $0x38;
	[tilespmem:$0x1C200] =	vst v63  }
0x34: {  	_ =	swait.ge [sflag:s21], $0x4000  }
0x35: {  	[sflag:s21] =	ssyncset.done $0x0  }
0x36: {  	[sflag:s21] =	ssyncadd.s32 $0xFFFFC000  }
0x37: {  	[spmem:s8] =	stream.linear.scatter [tilespmem:s20], [sflag:$0x5], $0x4000, $0x38;
	[tilespmem:$0x1C200] =	vst v63  }
0x38: {  	_ =	swait.ge [sflag:s21], $0x4000  }
0x39: {  	[sflag:s21] =	ssyncset.done $0x0  }
0x3a: {  	[sflag:s21] =	ssyncadd.s32 $0xFFFFC000  }
0x3b: {  	[spmem:s10] =	stream.linear.scatter [tilespmem:s20], [sflag:$0x5], $0x4000, $0x38;
	[tilespmem:$0x1C200] =	vst v63  }
0x3c: {  	_ =	swait.ge [sflag:s21], $0x4000  }
0x3d: {  	[sflag:s21] =	ssyncset.done $0x0  }
0x3e: {  	[sflag:s21] =	ssyncadd.s32 $0xFFFFC000  }
0x3f: {  	s11 =	simm.s32 $0x0;
	[bflag:$0x0] =	sbarrier.arrive $0xFFFF  }
0x40: {  	[tilespmem:s11], [sflag:$0x3] =	stream.linear.gather [hbm4b:s9+s11], $0x100, $0x38;
	[tilespmem:$0x1C200] =	vst v63  }
0x41: {  	s3 =	rddreg [dreg:$0x4]  }
0x42: {  	[tilespmem:s22], [sflag:$0x4] =	stream.linear.gather [hbm4b:s3+s11], $0x100, $0x38;
	[tilespmem:$0x1C200] =	vst v63  }
0x43: {  	_ =	swait.ge [sflag:s23], $0x100  }
0x44: {  	[sflag:s23] =	ssyncset.done $0x0  }
0x45: {  	[sflag:s23] =	ssyncadd.s32 $0xFFFFFF00  }
0x46: {  	[tilespmem:s20], [sflag:$0x1] =	stream.indirect.gather [hbm4b:s1+s24], $0x80, s11, s24, $0xb8;
	[tilespmem:$0x1C200] =	vst v63  }
0x47: {  	_ =	swait.ge [sflag:s25], $0x100  }
0x48: {  	[sflag:s25] =	ssyncset.done $0x0  }
0x49: {  	[sflag:s25] =	ssyncadd.s32 $0xFFFFFF00  }
0x4a: {  	[tilespmem:s26], [sflag:$0x2] =	stream.indirect.gather [hbm4b:s1+s24], $0x80, s22, s24, $0xb8;
	[tilespmem:$0x1C200] =	vst v63  }
0x4b: {  	_ =	swait.ge [sflag:s28], $0x4000  }
0x4c: {  	[sflag:s28] =	ssyncset.done $0x0  }
0x4d: {  	[sflag:s28] =	ssyncadd.s32 $0xFFFFC000  }
0x4e: {  	[spmem:s2] =	stream.indirect.scatter.add.f32 [tilespmem:s20], [sflag:$0x5], $0x80, s24, s24, $0xb8;
	[tilespmem:$0x1C200] =	vst v63  }
0x4f: {  	_ =	swait.ge [sflag:s21], $0x4000  }
0x50: {  	[sflag:s21] =	ssyncset.done $0x0  }
0x51: {  	s11 =	sadd.s32 $0x0, s19;
	[sflag:s21] =	ssyncadd.s32 $0xFFFFC000  }
0x52: {  	[tilespmem:s4], [sflag:$0x3] =	stream.linear.gather [hbm4b:s11+s4], $0x100, $0x38;
	[tilespmem:$0x1C200] =	vst v63  }
0x53: {  	_ =	swait.ge [sflag:s23], $0x100  }
0x54: {  	[sflag:s23] =	ssyncset.done $0x0  }
0x55: {  	[sflag:s23] =	ssyncadd.s32 $0xFFFFFF00  }
0x56: {  	[tilespmem:s20], [sflag:$0x1] =	stream.indirect.gather [hbm4b:s1+s24], $0x80, s4, s24, $0xb8;
	[tilespmem:$0x1C200] =	vst v63  }
0x57: {  	_ =	swait.ge [sflag:s29], $0x4000  }
0x58: {  	[sflag:s29] =	ssyncset.done $0x0  }
0x59: {  	[sflag:s29] =	ssyncadd.s32 $0xFFFFC000  }
0x5a: {  	[spmem:s2] =	stream.indirect.scatter.add.f32 [tilespmem:s26], [sflag:$0x5], $0x80, s30, s24, $0xb8;
	[tilespmem:$0x1C200] =	vst v63  }
0x5b: {  	_ =	swait.ge [sflag:s21], $0x4000  }
0x5c: {  	[sflag:s21] =	ssyncset.done $0x0  }
0x5d: {  	s0 =	simm.s32 $0x40;
	s3 =	sadd.s32 $0x0, s18;
	[sflag:s21] =	ssyncadd.s32 $0xFFFFC000  }
.LBB2_4:
0x5e: {  	[tilespmem:s22], [sflag:$0x4] =	stream.linear.gather [hbm4b:s3+s4], $0x100, $0x38;
	[tilespmem:$0x1C200] =	vst v63  }
0x5f: {  	s3 =	smov.u32 s0  }
0x60: {  	p0 =	sne.s32 s0, $0x980;
	s0 =	sadd.s32 $0x40, s0;
	_ =	swait.ge [sflag:s25], $0x100  }
0x61: {  	[sflag:s25] =	ssyncset.done $0x0  }
0x62: {  	[sflag:s25] =	ssyncadd.s32 $0xFFFFFF00  }
0x63: {  	[tilespmem:s26], [sflag:$0x2] =	stream.indirect.gather [hbm4b:s1+s24], $0x80, s22, s24, $0xb8;
	[tilespmem:$0x1C200] =	vst v63  }
0x64: {  	_ =	swait.ge [sflag:s28], $0x4000  }
0x65: {  	[sflag:s28] =	ssyncset.done $0x0  }
0x66: {  	[sflag:s28] =	ssyncadd.s32 $0xFFFFC000  }
0x67: {  	[spmem:s2] =	stream.indirect.scatter.add.f32 [tilespmem:s20], [sflag:$0x5], $0x80, s24, s24, $0xb8;
	[tilespmem:$0x1C200] =	vst v63  }
0x68: {  	_ =	swait.ge [sflag:s21], $0x4000  }
0x69: {  	[sflag:s21] =	ssyncset.done $0x0  }
0x6a: {  	s11 =	sadd.s32 s3, s19;
	[sflag:s21] =	ssyncadd.s32 $0xFFFFC000  }
0x6b: {  	[tilespmem:s4], [sflag:$0x3] =	stream.linear.gather [hbm4b:s11+s4], $0x100, $0x38;
	[tilespmem:$0x1C200] =	vst v63  }
0x6c: {  	_ =	swait.ge [sflag:s23], $0x100  }
0x6d: {  	[sflag:s23] =	ssyncset.done $0x0  }
0x6e: {  	[sflag:s23] =	ssyncadd.s32 $0xFFFFFF00  }
0x6f: {  	[tilespmem:s20], [sflag:$0x1] =	stream.indirect.gather [hbm4b:s1+s24], $0x80, s4, s24, $0xb8;
	[tilespmem:$0x1C200] =	vst v63  }
0x70: {  	_ =	swait.ge [sflag:s29], $0x4000  }
0x71: {  	[sflag:s29] =	ssyncset.done $0x0  }
.Ltmp1:
0x72: {  	[sflag:s29] =	ssyncadd.s32 $0xFFFFC000;
	(pc) =	sbr.rel @p0 .LBB2_4-.Ltmp1, $4  }
0x73: {  	[spmem:s2] =	stream.indirect.scatter.add.f32 [tilespmem:s26], [sflag:$0x5], $0x80, s30, s24, $0xb8;
	[tilespmem:$0x1C200] =	vst v63  }
0x74: {  	_ =	swait.ge [sflag:s21], $0x4000  }
0x75: {  	[sflag:s21] =	ssyncset.done $0x0  }
0x76: {  	s3 =	sadd.s32 s3, s18;
	[sflag:s21] =	ssyncadd.s32 $0xFFFFC000  }
0x77: {  	[tilespmem:s22], [sflag:$0x4] =	stream.linear.gather [hbm4b:s3+s4], $0x100, $0x38;
	[tilespmem:$0x1C200] =	vst v63  }
0x78: {  	_ =	swait.ge [sflag:s25], $0x100  }
0x79: {  	[sflag:s25] =	ssyncset.done $0x0  }
0x7a: {  	[sflag:s25] =	ssyncadd.s32 $0xFFFFFF00  }
0x7b: {  	[tilespmem:s26], [sflag:$0x2] =	stream.indirect.gather [hbm4b:s1+s24], $0x80, s22, s24, $0xb8;
	[tilespmem:$0x1C200] =	vst v63  }
0x7c: {  	_ =	swait.ge [sflag:s28], $0x4000  }
0x7d: {  	[sflag:s28] =	ssyncset.done $0x0  }
0x7e: {  	[sflag:s28] =	ssyncadd.s32 $0xFFFFC000  }
0x7f: {  	[spmem:s2] =	stream.indirect.scatter.add.f32 [tilespmem:s20], [sflag:$0x5], $0x80, s24, s24, $0xb8;
	[tilespmem:$0x1C200] =	vst v63  }
0x80: {  	_ =	swait.ge [sflag:s21], $0x4000  }
0x81: {  	[sflag:s21] =	ssyncset.done $0x0  }
0x82: {  	[sflag:s21] =	ssyncadd.s32 $0xFFFFC000  }
0x83: {  	_ =	swait.ge [sflag:s29], $0x4000  }
0x84: {  	[sflag:s29] =	ssyncset.done $0x0  }
0x85: {  	[sflag:s29] =	ssyncadd.s32 $0xFFFFC000  }
0x86: {  	[spmem:s2] =	stream.indirect.scatter.add.f32 [tilespmem:s26], [sflag:$0x5], $0x80, s30, s24, $0xb8;
	[tilespmem:$0x1C200] =	vst v63  }
0x87: {  	_ =	swait.ge [sflag:s21], $0x4000  }
0x88: {  	s0 =	stileid.u32;
	[sflag:s21] =	ssyncset.done $0x0  }
0x89: {  	s0 =	sshll.u32 s0, $0x6;
	[sflag:s21] =	ssyncadd.s32 $0xFFFFC000  }
0x8a: {  	s11 =	sshrl.u32 s5, $0x3;
	s0 =	sor.u32 $0x1C05, s0;
	[bflag:$0x0] =	sbarrier.arrive $0xFFFF  }
0x8b: {  	[hbm:s12], [sflag:s0] =	dma.local [spmem:s11], $0x800  }
0x8c: {  	_ =	swait.ge [sflag:s21], $0x800  }
0x8d: {  	[sflag:s21] =	ssyncset.done $0x0  }
0x8e: {  	s11 =	sshrl.u32 s6, $0x3;
	[sflag:s21] =	ssyncadd.s32 $0xFFFFF800  }
0x8f: {  	[hbm:s13], [sflag:s0] =	dma.local [spmem:s11], $0x800  }
0x90: {  	_ =	swait.ge [sflag:s21], $0x800  }
0x91: {  	[sflag:s21] =	ssyncset.done $0x0  }
0x92: {  	s11 =	sshrl.u32 s7, $0x3;
	[sflag:s21] =	ssyncadd.s32 $0xFFFFF800  }
0x93: {  	[hbm:s14], [sflag:s0] =	dma.local [spmem:s11], $0x800  }
0x94: {  	_ =	swait.ge [sflag:s21], $0x800  }
0x95: {  	[sflag:s21] =	ssyncset.done $0x0  }
0x96: {  	s11 =	sshrl.u32 s8, $0x3;
	[sflag:s21] =	ssyncadd.s32 $0xFFFFF800  }
0x97: {  	[hbm:s15], [sflag:s0] =	dma.local [spmem:s11], $0x800  }
0x98: {  	s31 =	sadd.s32 $0x1, s31;
	_ =	swait.ge [sflag:s21], $0x800  }
0x99: {  	p0 =	sne.s32 s31, s17;
	[sflag:s21] =	ssyncset.done $0x0  }
.Ltmp2:
0x9a: {  	s11 =	sshrl.u32 s10, $0x3;
	[sflag:s21] =	ssyncadd.s32 $0xFFFFF800;
	(pc) =	sbr.rel @p0 .LBB2_1-.Ltmp2, $4  }
0x9b: {  	[hbm:s16], [sflag:s0] =	dma.local [spmem:s11], $0x800  }
0x9c: {  	_ =	swait.ge [sflag:s21], $0x800  }
0x9d: {  	[sflag:s21] =	ssyncset.done $0x0  }
0x9e: {  	[sflag:s21] =	ssyncadd.s32 $0xFFFFF800  }
0x9f: {  	_ =	sfence.sel $0x180000  }
0xa0: {  	[bflag:$0x0] =	sbarrier.arrive $0xFFFF  }
0xa1: {  	_ =	strace $0x9000004A  }
0xa2: {  	s0 =	stileid.u32;
	[bflag:$0x2] =	sbarrier.arrive $0xFFFF  }
0xa3: {  	p0 =	sne.s32 s0, $0x0;
	s0 =	rddreg [dreg:$0x3]  }
0xa4: {  	s0 =	sadd.s32 @!p0 $0x100000, s0  }
0xa5: {  	[sflag:s0] =	ssyncadd.tile.s32 @!p0 $0x1;
	_ =	shalt  }
.Lfunc_end2:
_tile_overlayer_lowered:
.L_overlay_start_2:
0xa6: {  	(tag) =	ssettag $0x2  }
0xa7: {  	s0 =	rddreg [dreg:$0x0];
	s2 =	stileid.u32  }
0xa8: {  	s1 =	rddreg [dreg:$0x1];
	p0 =	sne.s32 s2, $0x0  }
0xa9: {  	s3 =	rddreg [dreg:$0x2];
	[bflag:$0x3] =	sbarrier.arrive $0xFFFF;
	s2 =	simm.s32 @!p0 $0x1C05  }
0xaa: {  	[timem:s3], [sflag:s2] =	dma.local @!p0 [hbm:s0], s1  }
0xab: {  	s0 =	simm.s32 @!p0 $0x5  }
0xac: {  	_ =	swait.ge @!p0 [sflag:s0], s1  }
0xad: {  	s1 =	ssub.s32 @!p0 $0x0, s1;
	[sflag:s0] =	ssyncset.done @!p0 $0x0  }
0xae: {  	[sflag:s0] =	ssyncadd.s32 @!p0 s1  }
0xaf: {  	[bflag:$0x3] =	sbarrier.arrive $0xFFFF  }
0xb0: {  	_ =	shalt  }

// kernel: kernel.14.cloned.1.call-start
scs
__scs_entry_jumppad:
0x0: {  	(pc) =	sbr.rel $0x88, $3  }
0x1: {  	(tag) =	ssettag $0x0;
	lr =	simm.s32 $0x1  }
0x2: {  	[smem:$0x3F99] =	sst lr;
	_ =	strace $0xD0000000  }
0x3: {  	_ = 	snop  }
0x4: {  	_ = 	snop  }
0x5: {  	_ = 	snop  }
0x6: {  	_ = 	snop  }
0x7: {  	_ = 	snop  }
__scs_overlays_trampoline_lowered:
0x8: {  	[smem:$0x3FA8] =	sst s0  }
0x9: {  	[smem:$0x3FA9] =	sst s1  }
0xa: {  	[smem:$0x3FAA] =	sst s2  }
0xb: {  	[smem:$0x3FAB] =	sst s3  }
0xc: {  	[smem:$0x3FAC] =	sst s4  }
0xd: {  	[smem:$0x3FAD] =	sst s5  }
0xe: {  	[smem:$0x3FAE] =	sst s6  }
0xf: {  	[smem:$0x3FAF] =	sst s7  }
0x10: {  	[smem:$0x3FB0] =	sst s8  }
0x11: {  	[smem:$0x3FB1] =	sst s9;
	s0 =	simm.s32 @!p0 $0x0  }
0x12: {  	s1 =	sld [smem:$0x3F97];
	s0 =	simm.s32 @p0 $0x1  }
0x13: {  	[smem:$0x3FB2] =	sst s0;
	s0 =	simm.s32 @!p1 $0x0  }
0x14: {  	s2 =	sld [smem:$0x3F96];
	s0 =	simm.s32 @p1 $0x1  }
0x15: {  	[smem:$0x3FB3] =	sst s0;
	s0 =	simm.s32 @!p2 $0x0  }
0x16: {  	s3 =	sld [smem:$0x3FDB];
	s0 =	simm.s32 @p2 $0x1  }
0x17: {  	s4 =	simm.s32 $0x1BF5;
	[smem:$0x3FB5] =	sst s0  }
0x18: {  	s0 =	sld [smem:$0x3F98];
	_ =	swait.ge [sflag:s4], $0x0  }
0x19: {  	s7 =	sld [smem:$0x3F99]  }
0x1a: {  	s8 =	sadd.s32 $0xFFFFE003, lr  }
0x1b: {  	s9 =	sadd.s32 $0xFFFFFEF7, lr;
	s5 =	simm.s32 $0xFFFFFFFF;
	p2 =	slt.u32 s8, $0xFFFFF086  }
0x1c: {  	p1 =	slt.u32 s9, $0xF7A;
	s5 =	simm.s32 @!p2 $0x0  }
0x1d: {  	s5 =	simm.s32 @p1 $0x1;
	p0 =	seq.s32 s7, s2  }
0x1e: {  	s7 =	smul.u32 @!p0 $0xF7A, s2;
	p2 =	seq.s32 @!p0 s5, $0x0  }
0x1f: {  	s9 =	smul.u32 $0xF7A, s1;
	s8 =	simm.s32 @!p0 $0x1BF5;
	p2 =	por !p2, p0  }
0x20: {  	[sflag:s8] =	ssyncset.s32 @!p0 $0xFFFFF086;
	s6 =	sadd.s32 @!p0 s3, s7;
	s7 =	simm.s32 @!p0 $0x108  }
0x21: {  	s3 =	sadd.s32 s3, s9;
	s6 =	sadd.s32 @!p0 $0x88, s6;
	s7 =	simm.s32 @p2 $0x1082  }
0x22: {  	[simem:s7], [sflag:s8] =	dma.local @!p0 [hbm:s6], $0xF7A  }
0x23: {  	s9 =	sor.u32 $0xD0000000, s2;
	s6 =	simm.s32 $0x108;
	_ =	swait.ge @!p0 [sflag:s8], $0x0  }
0x24: {  	s3 =	sadd.s32 $0x88, s3;
	s6 =	simm.s32 @!p1 $0x1082;
	[sflag:s4] =	ssyncset.s32 $0xFFFFF086  }
0x25: {  	[simem:s6], [sflag:s4] =	dma.local [hbm:s3], $0xF7A  }
0x26: {  	[smem:$0x3F99] =	sst s1;
	(tag) =	ssettag s2;
	_ =	strace s9  }
0x27: {  	s1 =	sld [smem:$0x3FA9]  }
0x28: {  	s2 =	sld [smem:$0x3FAA]  }
0x29: {  	s4 =	sld [smem:$0x3FAC]  }
0x2a: {  	p0 =	seq.s32 s5, $0x0;
	s5 =	sld [smem:$0x3FAD]  }
0x2b: {  	s6 =	sld [smem:$0x3FAE]  }
0x2c: {  	s7 =	sld [smem:$0x3FAF]  }
0x2d: {  	s3 =	simm.s32 $0x108;
	s8 =	sld [smem:$0x3FB0]  }
0x2e: {  	s3 =	simm.s32 @!p0 $0x1082;
	s9 =	sld [smem:$0x3FB1]  }
0x2f: {  	lr =	sadd.s32 s0, s3;
	s0 =	sld [smem:$0x3FA8]  }
0x30: {  	s3 =	sld [smem:$0x3FAB]  }
0x31: {  	[smem:$0x3FB4] =	sst s10  }
0x32: {  	s10 =	sld [smem:$0x3FB2];
	_ =	sdelay $0x3  }
0x33: {  	p0 =	seq.s32 s10, $0x1;
	s10 =	sld [smem:$0x3FB4];
	_ =	sdelay $0x3  }
0x34: {  	[smem:$0x3FB4] =	sst s10  }
0x35: {  	s10 =	sld [smem:$0x3FB3];
	_ =	sdelay $0x3  }
0x36: {  	p1 =	seq.s32 s10, $0x1;
	s10 =	sld [smem:$0x3FB4];
	_ =	sdelay $0x3  }
0x37: {  	[smem:$0x3FB4] =	sst s10  }
0x38: {  	s10 =	sld [smem:$0x3FB5]  }
0x39: {  	_ = 	snop;
	(pc) =	sbr.ind lr, $3  }
0x3a: {  	_ = 	snop  }
0x3b: {  	_ = 	snop  }
0x3c: {  	p2 =	seq.s32 s10, $0x1;
	s10 =	sld [smem:$0x3FB4]  }
0x3d: {  	_ =	shalt  }
0x3e: {  	_ =	shalt  }
0x3f: {  	_ =	shalt  }
0x40: {  	_ =	shalt  }
0x41: {  	_ =	shalt  }
0x42: {  	_ =	shalt  }
0x43: {  	_ =	shalt  }
0x44: {  	_ =	shalt  }
0x45: {  	_ =	shalt  }
0x46: {  	_ =	shalt  }
0x47: {  	_ =	shalt  }
0x48: {  	_ =	shalt  }
0x49: {  	_ =	shalt  }
0x4a: {  	_ =	shalt  }
0x4b: {  	_ =	shalt  }
0x4c: {  	_ =	shalt  }
0x4d: {  	_ =	shalt  }
0x4e: {  	_ =	shalt  }
0x4f: {  	_ =	shalt  }
0x50: {  	_ =	shalt  }
0x51: {  	_ =	shalt  }
0x52: {  	_ =	shalt  }
0x53: {  	_ =	shalt  }
0x54: {  	_ =	shalt  }
0x55: {  	_ =	shalt  }
0x56: {  	_ =	shalt  }
0x57: {  	_ =	shalt  }
0x58: {  	_ =	shalt  }
0x59: {  	_ =	shalt  }
0x5a: {  	_ =	shalt  }
0x5b: {  	_ =	shalt  }
0x5c: {  	_ =	shalt  }
0x5d: {  	_ =	shalt  }
0x5e: {  	_ =	shalt  }
0x5f: {  	_ =	shalt  }
0x60: {  	_ =	shalt  }
0x61: {  	_ =	shalt  }
0x62: {  	_ =	shalt  }
0x63: {  	_ =	shalt  }
0x64: {  	_ =	shalt  }
0x65: {  	_ =	shalt  }
0x66: {  	_ =	shalt  }
0x67: {  	_ =	shalt  }
0x68: {  	_ =	shalt  }
0x69: {  	_ =	shalt  }
0x6a: {  	_ =	shalt  }
0x6b: {  	_ =	shalt  }
0x6c: {  	_ =	shalt  }
0x6d: {  	_ =	shalt  }
0x6e: {  	_ =	shalt  }
0x6f: {  	_ =	shalt  }
0x70: {  	_ =	shalt  }
0x71: {  	_ =	shalt  }
0x72: {  	_ =	shalt  }
0x73: {  	_ =	shalt  }
0x74: {  	_ =	shalt  }
0x75: {  	_ =	shalt  }
0x76: {  	_ =	shalt  }
0x77: {  	_ =	shalt  }
0x78: {  	_ =	shalt  }
0x79: {  	_ =	shalt  }
0x7a: {  	_ =	shalt  }
0x7b: {  	_ =	shalt  }
0x7c: {  	_ =	shalt  }
0x7d: {  	_ =	shalt  }
0x7e: {  	_ =	shalt  }
0x7f: {  	_ =	shalt  }
0x80: {  	_ =	shalt  }
0x81: {  	_ =	shalt  }
0x82: {  	_ =	shalt  }
0x83: {  	_ =	shalt  }
0x84: {  	_ =	shalt  }
0x85: {  	_ =	shalt  }
0x86: {  	_ =	shalt  }
0x87: {  	_ =	shalt  }
.Lfunc_end0:
.L_simem_size_0:
called_computation.2_lowered:
.L_overlay_start_0:
0x88: {  	s2 =	sld [smem:$0x3FD9]  }
0x89: {  	s3 =	sld [smem:$0x3FFE];
	_ =	sdelay $0x1  }
0x8a: {  	s1 =	srdreg.scid  }
0x8b: {  	s0 =	sand.u32 $0x1, s1  }
0x8c: {  	s17 =	sshll.u32 s0, $0xA;
	s2 =	sadd.s32 s3, s2  }
0x8d: {  	s2 =	sadd.s32 s2, s17  }
0x8e: {  	[smem:$0x3FC0] =	sst s2  }
0x8f: {  	_ = 	snop  }
0x90: {  	s2 =	sld [smem:$0x3FD0];
	(tm) =	ssettm $0x1  }
0x91: {  	s18 =	sld [smem:$0x3FFB];
	_ =	sdelay $0x3  }
0x92: {  	_ =	strace s18  }
0x93: {  	s3 =	sld [smem:$0x3FFC];
	_ =	sdelay $0x3  }
0x94: {  	_ =	strace s3  }
0x95: {  	s3 =	sld [smem:$0x3FFD];
	_ =	sdelay $0x3  }
0x96: {  	_ =	strace s3  }
0x97: {  	_ =	strace $0x8FFFFFFF  }
0x98: {  	s19 =	sld [smem:$0x3FDB];
	_ =	sdelay $0x1  }
0x99: {  	s4 =	simm.s32 $_scs_section_size  }
0x9a: {  	s5 =	simm.s32 $_size__tile_overlayer_lowered;
	s6 =	simm.s32 $_tile_overlayer_lowered  }
0x9b: {  	s22 =	simm.s32 $0x1BFF;
	s21 =	sshll.u32 s6, $0x1;
	s3 =	sadd.s32 s4, s19  }
0x9c: {  	s7 =	simm.s32 $0x0;
	s20 =	sshll.u32 s5, $0x1;
	s5 =	sadd.s32 s21, s3  }
0x9d: {  	[timem:s7], [sflag:s22] =	dma.local [hbm:s5], s20  }
0x9e: {  	_ =	swait.ge [sflag:s22], s20  }
0x9f: {  	s4 =	ssub.s32 $0x0, s20;
	[sflag:s22] =	ssyncset.done $0x0  }
0xa0: {  	[sflag:s22] =	ssyncadd.s32 s4;
	_ =	sdelay $0x1  }
0xa1: {  	s23 =	simm.s32 $0x1B8B  }
0xa2: {  	_ =	swait.ge [sflag:s23], $0x1  }
0xa3: {  	[sflag:s23] =	ssyncset.done $0x0  }
0xa4: {  	s25 =	simm.s32 $0x1B8E;
	s24 =	sld [smem:$0x3FFE];
	[sflag:s23] =	ssyncadd.s32 $0xFFFFFFFF  }
0xa5: {  	s26 =	simm.s32 $execute0_lowered;
	[smem:$0x3FD2] =	sst s25  }
0xa6: {  	s5 =	sshll.u32 s26, $0x1;
	_ =	strace $0x8000004C;
	[dreg:$0x1] =	wrdreg $0xFFFFFFFF  }
0xa7: {  	s28 =	simm.s32 $_size_execute0_lowered;
	s3 =	sadd.s32 s3, s5;
	[dreg:$0x0] =	wrdreg $0x0  }
0xa8: {  	s5 =	sshll.u32 s28, $0x1;
	[dreg:$0x2] =	wrdreg s3  }
0xa9: {  	[dreg:$0x3] =	wrdreg s5  }
0xaa: {  	[dreg:$0x4] =	wrdreg $0xC0  }
0xab: {  	_ =	task [dreg:s7], $0x5FFFF  }
0xac: {  	[dreg:$0x1] =	wrdreg $0xFFFFFFFF  }
0xad: {  	[dreg:$0x0] =	wrdreg $0x60  }
0xae: {  	[dreg:$0x2] =	wrdreg s2  }
0xaf: {  	[dreg:$0x3] =	wrdreg s24  }
0xb0: {  	[dreg:$0x4] =	wrdreg $0x82000  }
0xb1: {  	[dreg:$0x5] =	wrdreg $0x9  }
0xb2: {  	_ =	task.clear_ibuf [dreg:s7], $0x6FFFF;
	_ =	strace $0x9000004C  }
0xb3: {  	s29 =	simm.s32 $0x9;
	_ =	strace $0x8000004E  }
0xb4: {  	_ =	swait.ge [sflag:s29], $0x1  }
0xb5: {  	[sflag:s29] =	ssyncadd.s32 $0xFFFFFFFF  }
0xb6: {  	_ =	strace $0x9000004E  }
0xb7: {  	_ =	sfence  }
0xb8: {  	s30 =	sld [smem:$0x0];
	_ =	sdelay $0x2  }
0xb9: {  	s31 =	sshll.u32 s1, $0xD;
	s1 =	sshrl.u32 s1, $0x2  }
0xba: {  	s3 =	sand.u32 $0x4000, s31;
	s1 =	sadd.s32 s1, s30  }
0xbb: {  	s0 =	sor.u32 s3, s0;
	s1 =	sshll.u32 s1, $0x11  }
0xbc: {  	s0 =	sor.u32 s1, s0  }
0xbd: {  	s0 =	sadd.s32 $0x8F2B, s0  }
0xbe: {  	[sflag:s0] =	ssyncadd.remote.s32 $0x1  }
0xbf: {  	_ =	sfence.sel $0xFFFF  }
0xc0: {  	[dreg:$0x0] =	wrdreg $0xFFFFFFFF;
	(pc) =	sbr.abs _section_cstart, $3  }
0xc1: {  	[dreg:$0x1] =	wrdreg $0xFFFFFFFF  }
0xc2: {  	_ =	task.clear_ibuf [dreg:s7], $0x2FFFF;
	_ =	strace $0x9FFFFFFF  }
0xc3: {  	(tm) =	ssettm $0x7FFFFFFF  }
tec
execute0_lowered:
.L_overlay_start_1:
0x0: {  	(tag) =	ssettag $0x1  }
0x1: {  	s1 =	rddreg [dreg:$0x0]  }
0x2: {  	s0 =	rddreg [dreg:$0x1]  }
0x3: {  	s2 =	rddreg [dreg:$0x2];
	s4 =	simm.s32 $0x0  }
0x4: {  	s3 =	srdreg.scid;
	s20 =	stileid.u32;
	s21 =	simm.s32 $0x5  }
0x5: {  	s28 =	simm.s32 $0x1;
	s29 =	simm.s32 $0x2;
	s30 =	simm.s32 $0x180  }
0x6: {  	s31 =	simm.s32 $0x0;
	[smem:$0x7FF] =	sst s4;
	s6 =	smul.u32 $0x50000, s20  }
0x7: {  	s3 =	sand.u32 $0x1, s3;
	s19 =	sadd.s32 $0x3400, s0;
	s9 =	smul.u32 $0x14000, s20  }
0x8: {  	s0 =	sadd.s32 $0x17400, s0;
	_ =	strace $0x8000004D;
	s15 =	smul.u32 $0x140000, s3  }
0x9: {  	s5 =	ssub.s32 $0x2, s3;
	s8 =	sshll.u32 s3, $0x4;
	s3 =	smul.u32 $0x50000, s3  }
0xa: {  	s7 =	sshrl.u32 s5, $0x1;
	s8 =	sor.u32 s20, s8;
	s6 =	sshrl.u32 s6, $0x2  }
0xb: {  	s13 =	sadd.s32 $0x4000, s9;
	s14 =	sadd.s32 $0x8000, s9;
	s16 =	sadd.s32 $0xC000, s9  }
0xc: {  	s18 =	sadd.s32 $0x10000, s9;
	s20 =	smul.u32 $0x5000, s20;
	s17 =	ssub.s32 s5, s7  }
0xd: {  	s5 =	sadd.s32 s6, s2;
	s10 =	smul.u32 $0x5000, s8;
	s6 =	sadd.s32 s13, s2  }
0xe: {  	s7 =	sadd.s32 s14, s2;
	s8 =	sadd.s32 s16, s2;
	s11 =	sadd.s32 s9, s15  }
0xf: {  	s13 =	sadd.s32 s15, s13;
	s14 =	sadd.s32 s15, s14;
	s16 =	sadd.s32 s15, s16  }
0x10: {  	s12 =	sshrl.u32 s11, $0x3;
	s13 =	sshrl.u32 s13, $0x3;
	s14 =	sshrl.u32 s14, $0x3  }
0x11: {  	s16 =	sshrl.u32 s16, $0x3;
	s3 =	sadd.s32 s20, s3;
	s17 =	smax.u32 s17, $0x1  }
0x12: {  	s20 =	simm.s32 $0x200;
	s10 =	sshrl.u32 s10, $0x3;
	s12 =	sadd.s32 s0, s12  }
0x13: {  	s13 =	sadd.s32 s0, s13;
	s14 =	sadd.s32 s0, s14;
	s24 =	sor.u32 $0x300, s3  }
0x14: {  	s3 =	sor.u32 $0x200, s3;
	s9 =	sadd.s32 s19, s10;
	s10 =	sadd.s32 s18, s2  }
0x15: {  	s18 =	sadd.s32 s15, s18;
	s15 =	sadd.s32 s0, s16;
	s25 =	sshrl.u32 s24, $0x3  }
0x16: {  	s26 =	sshrl.u32 s3, $0x3;
	s24 =	simm.s32 $0x80;
	s22 =	sadd.s32 $0x20, s9  }
0x17: {  	s23 =	sshrl.u32 s18, $0x3;
	s18 =	sadd.s32 s25, s19;
	s19 =	sadd.s32 s26, s19  }
0x18: {  	s25 =	simm.s32 $0x4;
	s26 =	simm.s32 $0x4200;
	[dreg:$0x4] =	wrdreg s22  }
0x19: {  	v0 =	vimm.f32 $0.0e+00;
	s16 =	sadd.s32 s0, s23;
	s22 =	simm.s32 $0x100;
	s23 =	simm.s32 $0x3  }
.LBB2_1:
0x1a: {  	s0 =	simm.s32 $0x0;
	s3 =	simm.s32 $0x200  }
.LBB2_2:
0x1b: {  	p0 =	sne.s32 s3, $0xFE00;
	[tilespmem:s0+$0x270] =	vst v0  }
0x1c: {  	[tilespmem:s0+$0x200] =	vst v0  }
0x1d: {  	[tilespmem:s0+$0x210] =	vst v0  }
.Ltmp0:
0x1e: {  	[tilespmem:s0+$0x220] =	vst v0;
	(pc) =	sbr.rel @p0 .LBB2_2-.Ltmp0, $4  }
0x1f: {  	[tilespmem:s0+$0x230] =	vst v0  }
0x20: {  	[tilespmem:s0+$0x240] =	vst v0  }
0x21: {  	[tilespmem:s0+$0x250] =	vst v0  }
0x22: {  	[tilespmem:s0+$0x260] =	vst v0;
	s0 =	sshra.s32 s3, $0x2;
	s3 =	sadd.s32 $0x200, s3  }
0x23: {  	[tilespmem:s0+$0x270] =	vst v0  }
0x24: {  	[tilespmem:s0+$0x200] =	vst v0  }
0x25: {  	[tilespmem:s0+$0x210] =	vst v0  }
0x26: {  	[tilespmem:s0+$0x220] =	vst v0  }
0x27: {  	[tilespmem:s0+$0x230] =	vst v0  }
0x28: {  	[tilespmem:s0+$0x240] =	vst v0  }
0x29: {  	[tilespmem:s0+$0x250] =	vst v0  }
0x2a: {  	[tilespmem:s0+$0x260] =	vst v0  }
0x2b: {  	[spmem:s5] =	stream.linear.scatter [tilespmem:s20], [sflag:$0x5], $0x4000, $0x38;
	[tilespmem:$0x1C200] =	vst v63  }
0x2c: {  	_ =	swait.ge [sflag:s21], $0x4000  }
0x2d: {  	[sflag:s21] =	ssyncset.done $0x0  }
0x2e: {  	[sflag:s21] =	ssyncadd.s32 $0xFFFFC000  }
0x2f: {  	[spmem:s6] =	stream.linear.scatter [tilespmem:s20], [sflag:$0x5], $0x4000, $0x38;
	[tilespmem:$0x1C200] =	vst v63  }
0x30: {  	_ =	swait.ge [sflag:s21], $0x4000  }
0x31: {  	[sflag:s21] =	ssyncset.done $0x0  }
0x32: {  	[sflag:s21] =	ssyncadd.s32 $0xFFFFC000  }
0x33: {  	[spmem:s7] =	stream.linear.scatter [tilespmem:s20], [sflag:$0x5], $0x4000, $0x38;
	[tilespmem:$0x1C200] =	vst v63  }
0x34: {  	_ =	swait.ge [sflag:s21], $0x4000  }
0x35: {  	[sflag:s21] =	ssyncset.done $0x0  }
0x36: {  	[sflag:s21] =	ssyncadd.s32 $0xFFFFC000  }
0x37: {  	[spmem:s8] =	stream.linear.scatter [tilespmem:s20], [sflag:$0x5], $0x4000, $0x38;
	[tilespmem:$0x1C200] =	vst v63  }
0x38: {  	_ =	swait.ge [sflag:s21], $0x4000  }
0x39: {  	[sflag:s21] =	ssyncset.done $0x0  }
0x3a: {  	[sflag:s21] =	ssyncadd.s32 $0xFFFFC000  }
0x3b: {  	[spmem:s10] =	stream.linear.scatter [tilespmem:s20], [sflag:$0x5], $0x4000, $0x38;
	[tilespmem:$0x1C200] =	vst v63  }
0x3c: {  	_ =	swait.ge [sflag:s21], $0x4000  }
0x3d: {  	[sflag:s21] =	ssyncset.done $0x0  }
0x3e: {  	[sflag:s21] =	ssyncadd.s32 $0xFFFFC000  }
0x3f: {  	s11 =	simm.s32 $0x0;
	[bflag:$0x0] =	sbarrier.arrive $0xFFFF  }
0x40: {  	[tilespmem:s11], [sflag:$0x3] =	stream.linear.gather [hbm4b:s9+s11], $0x100, $0x38;
	[tilespmem:$0x1C200] =	vst v63  }
0x41: {  	s3 =	rddreg [dreg:$0x4]  }
0x42: {  	[tilespmem:s22], [sflag:$0x4] =	stream.linear.gather [hbm4b:s3+s11], $0x100, $0x38;
	[tilespmem:$0x1C200] =	vst v63  }
0x43: {  	_ =	swait.ge [sflag:s23], $0x100  }
0x44: {  	[sflag:s23] =	ssyncset.done $0x0  }
0x45: {  	[sflag:s23] =	ssyncadd.s32 $0xFFFFFF00  }
0x46: {  	[tilespmem:s20], [sflag:$0x1] =	stream.indirect.gather [hbm4b:s1+s24], $0x80, s11, s24, $0xb8;
	[tilespmem:$0x1C200] =	vst v63  }
0x47: {  	_ =	swait.ge [sflag:s25], $0x100  }
0x48: {  	[sflag:s25] =	ssyncset.done $0x0  }
0x49: {  	[sflag:s25] =	ssyncadd.s32 $0xFFFFFF00  }
0x4a: {  	[tilespmem:s26], [sflag:$0x2] =	stream.indirect.gather [hbm4b:s1+s24], $0x80, s22, s24, $0xb8;
	[tilespmem:$0x1C200] =	vst v63  }
0x4b: {  	_ =	swait.ge [sflag:s28], $0x4000  }
0x4c: {  	[sflag:s28] =	ssyncset.done $0x0  }
0x4d: {  	[sflag:s28] =	ssyncadd.s32 $0xFFFFC000  }
0x4e: {  	[spmem:s2] =	stream.indirect.scatter.add.f32 [tilespmem:s20], [sflag:$0x5], $0x80, s24, s24, $0xb8;
	[tilespmem:$0x1C200] =	vst v63  }
0x4f: {  	_ =	swait.ge [sflag:s21], $0x4000  }
0x50: {  	[sflag:s21] =	ssyncset.done $0x0  }
0x51: {  	s11 =	sadd.s32 $0x0, s19;
	[sflag:s21] =	ssyncadd.s32 $0xFFFFC000  }
0x52: {  	[tilespmem:s4], [sflag:$0x3] =	stream.linear.gather [hbm4b:s11+s4], $0x100, $0x38;
	[tilespmem:$0x1C200] =	vst v63  }
0x53: {  	_ =	swait.ge [sflag:s23], $0x100  }
0x54: {  	[sflag:s23] =	ssyncset.done $0x0  }
0x55: {  	[sflag:s23] =	ssyncadd.s32 $0xFFFFFF00  }
0x56: {  	[tilespmem:s20], [sflag:$0x1] =	stream.indirect.gather [hbm4b:s1+s24], $0x80, s4, s24, $0xb8;
	[tilespmem:$0x1C200] =	vst v63  }
0x57: {  	_ =	swait.ge [sflag:s29], $0x4000  }
0x58: {  	[sflag:s29] =	ssyncset.done $0x0  }
0x59: {  	[sflag:s29] =	ssyncadd.s32 $0xFFFFC000  }
0x5a: {  	[spmem:s2] =	stream.indirect.scatter.add.f32 [tilespmem:s26], [sflag:$0x5], $0x80, s30, s24, $0xb8;
	[tilespmem:$0x1C200] =	vst v63  }
0x5b: {  	_ =	swait.ge [sflag:s21], $0x4000  }
0x5c: {  	[sflag:s21] =	ssyncset.done $0x0  }
0x5d: {  	s0 =	simm.s32 $0x40;
	s3 =	sadd.s32 $0x0, s18;
	[sflag:s21] =	ssyncadd.s32 $0xFFFFC000  }
.LBB2_4:
0x5e: {  	[tilespmem:s22], [sflag:$0x4] =	stream.linear.gather [hbm4b:s3+s4], $0x100, $0x38;
	[tilespmem:$0x1C200] =	vst v63  }
0x5f: {  	s3 =	smov.u32 s0  }
0x60: {  	p0 =	sne.s32 s0, $0x980;
	s0 =	sadd.s32 $0x40, s0;
	_ =	swait.ge [sflag:s25], $0x100  }
0x61: {  	[sflag:s25] =	ssyncset.done $0x0  }
0x62: {  	[sflag:s25] =	ssyncadd.s32 $0xFFFFFF00  }
0x63: {  	[tilespmem:s26], [sflag:$0x2] =	stream.indirect.gather [hbm4b:s1+s24], $0x80, s22, s24, $0xb8;
	[tilespmem:$0x1C200] =	vst v63  }
0x64: {  	_ =	swait.ge [sflag:s28], $0x4000  }
0x65: {  	[sflag:s28] =	ssyncset.done $0x0  }
0x66: {  	[sflag:s28] =	ssyncadd.s32 $0xFFFFC000  }
0x67: {  	[spmem:s2] =	stream.indirect.scatter.add.f32 [tilespmem:s20], [sflag:$0x5], $0x80, s24, s24, $0xb8;
	[tilespmem:$0x1C200] =	vst v63  }
0x68: {  	_ =	swait.ge [sflag:s21], $0x4000  }
0x69: {  	[sflag:s21] =	ssyncset.done $0x0  }
0x6a: {  	s11 =	sadd.s32 s3, s19;
	[sflag:s21] =	ssyncadd.s32 $0xFFFFC000  }
0x6b: {  	[tilespmem:s4], [sflag:$0x3] =	stream.linear.gather [hbm4b:s11+s4], $0x100, $0x38;
	[tilespmem:$0x1C200] =	vst v63  }
0x6c: {  	_ =	swait.ge [sflag:s23], $0x100  }
0x6d: {  	[sflag:s23] =	ssyncset.done $0x0  }
0x6e: {  	[sflag:s23] =	ssyncadd.s32 $0xFFFFFF00  }
0x6f: {  	[tilespmem:s20], [sflag:$0x1] =	stream.indirect.gather [hbm4b:s1+s24], $0x80, s4, s24, $0xb8;
	[tilespmem:$0x1C200] =	vst v63  }
0x70: {  	_ =	swait.ge [sflag:s29], $0x4000  }
0x71: {  	[sflag:s29] =	ssyncset.done $0x0  }
.Ltmp1:
0x72: {  	[sflag:s29] =	ssyncadd.s32 $0xFFFFC000;
	(pc) =	sbr.rel @p0 .LBB2_4-.Ltmp1, $4  }
0x73: {  	[spmem:s2] =	stream.indirect.scatter.add.f32 [tilespmem:s26], [sflag:$0x5], $0x80, s30, s24, $0xb8;
	[tilespmem:$0x1C200] =	vst v63  }
0x74: {  	_ =	swait.ge [sflag:s21], $0x4000  }
0x75: {  	[sflag:s21] =	ssyncset.done $0x0  }
0x76: {  	s3 =	sadd.s32 s3, s18;
	[sflag:s21] =	ssyncadd.s32 $0xFFFFC000  }
0x77: {  	[tilespmem:s22], [sflag:$0x4] =	stream.linear.gather [hbm4b:s3+s4], $0x100, $0x38;
	[tilespmem:$0x1C200] =	vst v63  }
0x78: {  	_ =	swait.ge [sflag:s25], $0x100  }
0x79: {  	[sflag:s25] =	ssyncset.done $0x0  }
0x7a: {  	[sflag:s25] =	ssyncadd.s32 $0xFFFFFF00  }
0x7b: {  	[tilespmem:s26], [sflag:$0x2] =	stream.indirect.gather [hbm4b:s1+s24], $0x80, s22, s24, $0xb8;
	[tilespmem:$0x1C200] =	vst v63  }
0x7c: {  	_ =	swait.ge [sflag:s28], $0x4000  }
0x7d: {  	[sflag:s28] =	ssyncset.done $0x0  }
0x7e: {  	[sflag:s28] =	ssyncadd.s32 $0xFFFFC000  }
0x7f: {  	[spmem:s2] =	stream.indirect.scatter.add.f32 [tilespmem:s20], [sflag:$0x5], $0x80, s24, s24, $0xb8;
	[tilespmem:$0x1C200] =	vst v63  }
0x80: {  	_ =	swait.ge [sflag:s21], $0x4000  }
0x81: {  	[sflag:s21] =	ssyncset.done $0x0  }
0x82: {  	[sflag:s21] =	ssyncadd.s32 $0xFFFFC000  }
0x83: {  	_ =	swait.ge [sflag:s29], $0x4000  }
0x84: {  	[sflag:s29] =	ssyncset.done $0x0  }
0x85: {  	[sflag:s29] =	ssyncadd.s32 $0xFFFFC000  }
0x86: {  	[spmem:s2] =	stream.indirect.scatter.add.f32 [tilespmem:s26], [sflag:$0x5], $0x80, s30, s24, $0xb8;
	[tilespmem:$0x1C200] =	vst v63  }
0x87: {  	_ =	swait.ge [sflag:s21], $0x4000  }
0x88: {  	s0 =	stileid.u32;
	[sflag:s21] =	ssyncset.done $0x0  }
0x89: {  	s0 =	sshll.u32 s0, $0x6;
	[sflag:s21] =	ssyncadd.s32 $0xFFFFC000  }
0x8a: {  	s11 =	sshrl.u32 s5, $0x3;
	s0 =	sor.u32 $0x1C05, s0;
	[bflag:$0x0] =	sbarrier.arrive $0xFFFF  }
0x8b: {  	[hbm:s12], [sflag:s0] =	dma.local [spmem:s11], $0x800  }
0x8c: {  	_ =	swait.ge [sflag:s21], $0x800  }
0x8d: {  	[sflag:s21] =	ssyncset.done $0x0  }
0x8e: {  	s11 =	sshrl.u32 s6, $0x3;
	[sflag:s21] =	ssyncadd.s32 $0xFFFFF800  }
0x8f: {  	[hbm:s13], [sflag:s0] =	dma.local [spmem:s11], $0x800  }
0x90: {  	_ =	swait.ge [sflag:s21], $0x800  }
0x91: {  	[sflag:s21] =	ssyncset.done $0x0  }
0x92: {  	s11 =	sshrl.u32 s7, $0x3;
	[sflag:s21] =	ssyncadd.s32 $0xFFFFF800  }
0x93: {  	[hbm:s14], [sflag:s0] =	dma.local [spmem:s11], $0x800  }
0x94: {  	_ =	swait.ge [sflag:s21], $0x800  }
0x95: {  	[sflag:s21] =	ssyncset.done $0x0  }
0x96: {  	s11 =	sshrl.u32 s8, $0x3;
	[sflag:s21] =	ssyncadd.s32 $0xFFFFF800  }
0x97: {  	[hbm:s15], [sflag:s0] =	dma.local [spmem:s11], $0x800  }
0x98: {  	s31 =	sadd.s32 $0x1, s31;
	_ =	swait.ge [sflag:s21], $0x800  }
0x99: {  	p0 =	sne.s32 s31, s17;
	[sflag:s21] =	ssyncset.done $0x0  }
.Ltmp2:
0x9a: {  	s11 =	sshrl.u32 s10, $0x3;
	[sflag:s21] =	ssyncadd.s32 $0xFFFFF800;
	(pc) =	sbr.rel @p0 .LBB2_1-.Ltmp2, $4  }
0x9b: {  	[hbm:s16], [sflag:s0] =	dma.local [spmem:s11], $0x800  }
0x9c: {  	_ =	swait.ge [sflag:s21], $0x800  }
0x9d: {  	[sflag:s21] =	ssyncset.done $0x0  }
0x9e: {  	[sflag:s21] =	ssyncadd.s32 $0xFFFFF800  }
0x9f: {  	_ =	sfence.sel $0x180000  }
0xa0: {  	[bflag:$0x0] =	sbarrier.arrive $0xFFFF  }
0xa1: {  	_ =	strace $0x9000004D  }
0xa2: {  	s0 =	stileid.u32;
	[bflag:$0x2] =	sbarrier.arrive $0xFFFF  }
0xa3: {  	p0 =	sne.s32 s0, $0x0;
	s0 =	rddreg [dreg:$0x3]  }
0xa4: {  	s0 =	sadd.s32 @!p0 $0x100000, s0  }
0xa5: {  	[sflag:s0] =	ssyncadd.tile.s32 @!p0 $0x1;
	_ =	shalt  }
.Lfunc_end2:
_tile_overlayer_lowered:
.L_overlay_start_2:
0xa6: {  	(tag) =	ssettag $0x2  }
0xa7: {  	s0 =	rddreg [dreg:$0x0];
	s2 =	stileid.u32  }
0xa8: {  	s1 =	rddreg [dreg:$0x1];
	p0 =	sne.s32 s2, $0x0  }
0xa9: {  	s3 =	rddreg [dreg:$0x2];
	[bflag:$0x3] =	sbarrier.arrive $0xFFFF;
	s2 =	simm.s32 @!p0 $0x1C05  }
0xaa: {  	[timem:s3], [sflag:s2] =	dma.local @!p0 [hbm:s0], s1  }
0xab: {  	s0 =	simm.s32 @!p0 $0x5  }
0xac: {  	_ =	swait.ge @!p0 [sflag:s0], s1  }
0xad: {  	s1 =	ssub.s32 @!p0 $0x0, s1;
	[sflag:s0] =	ssyncset.done @!p0 $0x0  }
0xae: {  	[sflag:s0] =	ssyncadd.s32 @!p0 s1  }
0xaf: {  	[bflag:$0x3] =	sbarrier.arrive $0xFFFF  }
0xb0: {  	_ =	shalt  }

// kernel: kernel.8.cloned.1.call-start
scs
__scs_entry_jumppad:
0x0: {  	(pc) =	sbr.rel $0x88, $3  }
0x1: {  	(tag) =	ssettag $0x0;
	lr =	simm.s32 $0x1  }
0x2: {  	[smem:$0x3F99] =	sst lr;
	_ =	strace $0xD0000000  }
0x3: {  	_ = 	snop  }
0x4: {  	_ = 	snop  }
0x5: {  	_ = 	snop  }
0x6: {  	_ = 	snop  }
0x7: {  	_ = 	snop  }
__scs_overlays_trampoline_lowered:
0x8: {  	[smem:$0x3FA8] =	sst s0  }
0x9: {  	[smem:$0x3FA9] =	sst s1  }
0xa: {  	[smem:$0x3FAA] =	sst s2  }
0xb: {  	[smem:$0x3FAB] =	sst s3  }
0xc: {  	[smem:$0x3FAC] =	sst s4  }
0xd: {  	[smem:$0x3FAD] =	sst s5  }
0xe: {  	[smem:$0x3FAE] =	sst s6  }
0xf: {  	[smem:$0x3FAF] =	sst s7  }
0x10: {  	[smem:$0x3FB0] =	sst s8  }
0x11: {  	[smem:$0x3FB1] =	sst s9;
	s0 =	simm.s32 @!p0 $0x0  }
0x12: {  	s1 =	sld [smem:$0x3F97];
	s0 =	simm.s32 @p0 $0x1  }
0x13: {  	[smem:$0x3FB2] =	sst s0;
	s0 =	simm.s32 @!p1 $0x0  }
0x14: {  	s2 =	sld [smem:$0x3F96];
	s0 =	simm.s32 @p1 $0x1  }
0x15: {  	[smem:$0x3FB3] =	sst s0;
	s0 =	simm.s32 @!p2 $0x0  }
0x16: {  	s3 =	sld [smem:$0x3FDB];
	s0 =	simm.s32 @p2 $0x1  }
0x17: {  	s4 =	simm.s32 $0x1BF5;
	[smem:$0x3FB5] =	sst s0  }
0x18: {  	s0 =	sld [smem:$0x3F98];
	_ =	swait.ge [sflag:s4], $0x0  }
0x19: {  	s7 =	sld [smem:$0x3F99]  }
0x1a: {  	s8 =	sadd.s32 $0xFFFFE003, lr  }
0x1b: {  	s9 =	sadd.s32 $0xFFFFFEF7, lr;
	s5 =	simm.s32 $0xFFFFFFFF;
	p2 =	slt.u32 s8, $0xFFFFF086  }
0x1c: {  	p1 =	slt.u32 s9, $0xF7A;
	s5 =	simm.s32 @!p2 $0x0  }
0x1d: {  	s5 =	simm.s32 @p1 $0x1;
	p0 =	seq.s32 s7, s2  }
0x1e: {  	s7 =	smul.u32 @!p0 $0xF7A, s2;
	p2 =	seq.s32 @!p0 s5, $0x0  }
0x1f: {  	s9 =	smul.u32 $0xF7A, s1;
	s8 =	simm.s32 @!p0 $0x1BF5;
	p2 =	por !p2, p0  }
0x20: {  	[sflag:s8] =	ssyncset.s32 @!p0 $0xFFFFF086;
	s6 =	sadd.s32 @!p0 s3, s7;
	s7 =	simm.s32 @!p0 $0x108  }
0x21: {  	s3 =	sadd.s32 s3, s9;
	s6 =	sadd.s32 @!p0 $0x88, s6;
	s7 =	simm.s32 @p2 $0x1082  }
0x22: {  	[simem:s7], [sflag:s8] =	dma.local @!p0 [hbm:s6], $0xF7A  }
0x23: {  	s9 =	sor.u32 $0xD0000000, s2;
	s6 =	simm.s32 $0x108;
	_ =	swait.ge @!p0 [sflag:s8], $0x0  }
0x24: {  	s3 =	sadd.s32 $0x88, s3;
	s6 =	simm.s32 @!p1 $0x1082;
	[sflag:s4] =	ssyncset.s32 $0xFFFFF086  }
0x25: {  	[simem:s6], [sflag:s4] =	dma.local [hbm:s3], $0xF7A  }
0x26: {  	[smem:$0x3F99] =	sst s1;
	(tag) =	ssettag s2;
	_ =	strace s9  }
0x27: {  	s1 =	sld [smem:$0x3FA9]  }
0x28: {  	s2 =	sld [smem:$0x3FAA]  }
0x29: {  	s4 =	sld [smem:$0x3FAC]  }
0x2a: {  	p0 =	seq.s32 s5, $0x0;
	s5 =	sld [smem:$0x3FAD]  }
0x2b: {  	s6 =	sld [smem:$0x3FAE]  }
0x2c: {  	s7 =	sld [smem:$0x3FAF]  }
0x2d: {  	s3 =	simm.s32 $0x108;
	s8 =	sld [smem:$0x3FB0]  }
0x2e: {  	s3 =	simm.s32 @!p0 $0x1082;
	s9 =	sld [smem:$0x3FB1]  }
0x2f: {  	lr =	sadd.s32 s0, s3;
	s0 =	sld [smem:$0x3FA8]  }
0x30: {  	s3 =	sld [smem:$0x3FAB]  }
0x31: {  	[smem:$0x3FB4] =	sst s10  }
0x32: {  	s10 =	sld [smem:$0x3FB2];
	_ =	sdelay $0x3  }
0x33: {  	p0 =	seq.s32 s10, $0x1;
	s10 =	sld [smem:$0x3FB4];
	_ =	sdelay $0x3  }
0x34: {  	[smem:$0x3FB4] =	sst s10  }
0x35: {  	s10 =	sld [smem:$0x3FB3];
	_ =	sdelay $0x3  }
0x36: {  	p1 =	seq.s32 s10, $0x1;
	s10 =	sld [smem:$0x3FB4];
	_ =	sdelay $0x3  }
0x37: {  	[smem:$0x3FB4] =	sst s10  }
0x38: {  	s10 =	sld [smem:$0x3FB5]  }
0x39: {  	_ = 	snop;
	(pc) =	sbr.ind lr, $3  }
0x3a: {  	_ = 	snop  }
0x3b: {  	_ = 	snop  }
0x3c: {  	p2 =	seq.s32 s10, $0x1;
	s10 =	sld [smem:$0x3FB4]  }
0x3d: {  	_ =	shalt  }
0x3e: {  	_ =	shalt  }
0x3f: {  	_ =	shalt  }
0x40: {  	_ =	shalt  }
0x41: {  	_ =	shalt  }
0x42: {  	_ =	shalt  }
0x43: {  	_ =	shalt  }
0x44: {  	_ =	shalt  }
0x45: {  	_ =	shalt  }
0x46: {  	_ =	shalt  }
0x47: {  	_ =	shalt  }
0x48: {  	_ =	shalt  }
0x49: {  	_ =	shalt  }
0x4a: {  	_ =	shalt  }
0x4b: {  	_ =	shalt  }
0x4c: {  	_ =	shalt  }
0x4d: {  	_ =	shalt  }
0x4e: {  	_ =	shalt  }
0x4f: {  	_ =	shalt  }
0x50: {  	_ =	shalt  }
0x51: {  	_ =	shalt  }
0x52: {  	_ =	shalt  }
0x53: {  	_ =	shalt  }
0x54: {  	_ =	shalt  }
0x55: {  	_ =	shalt  }
0x56: {  	_ =	shalt  }
0x57: {  	_ =	shalt  }
0x58: {  	_ =	shalt  }
0x59: {  	_ =	shalt  }
0x5a: {  	_ =	shalt  }
0x5b: {  	_ =	shalt  }
0x5c: {  	_ =	shalt  }
0x5d: {  	_ =	shalt  }
0x5e: {  	_ =	shalt  }
0x5f: {  	_ =	shalt  }
0x60: {  	_ =	shalt  }
0x61: {  	_ =	shalt  }
0x62: {  	_ =	shalt  }
0x63: {  	_ =	shalt  }
0x64: {  	_ =	shalt  }
0x65: {  	_ =	shalt  }
0x66: {  	_ =	shalt  }
0x67: {  	_ =	shalt  }
0x68: {  	_ =	shalt  }
0x69: {  	_ =	shalt  }
0x6a: {  	_ =	shalt  }
0x6b: {  	_ =	shalt  }
0x6c: {  	_ =	shalt  }
0x6d: {  	_ =	shalt  }
0x6e: {  	_ =	shalt  }
0x6f: {  	_ =	shalt  }
0x70: {  	_ =	shalt  }
0x71: {  	_ =	shalt  }
0x72: {  	_ =	shalt  }
0x73: {  	_ =	shalt  }
0x74: {  	_ =	shalt  }
0x75: {  	_ =	shalt  }
0x76: {  	_ =	shalt  }
0x77: {  	_ =	shalt  }
0x78: {  	_ =	shalt  }
0x79: {  	_ =	shalt  }
0x7a: {  	_ =	shalt  }
0x7b: {  	_ =	shalt  }
0x7c: {  	_ =	shalt  }
0x7d: {  	_ =	shalt  }
0x7e: {  	_ =	shalt  }
0x7f: {  	_ =	shalt  }
0x80: {  	_ =	shalt  }
0x81: {  	_ =	shalt  }
0x82: {  	_ =	shalt  }
0x83: {  	_ =	shalt  }
0x84: {  	_ =	shalt  }
0x85: {  	_ =	shalt  }
0x86: {  	_ =	shalt  }
0x87: {  	_ =	shalt  }
.Lfunc_end0:
.L_simem_size_0:
called_computation_lowered:
.L_overlay_start_0:
0x88: {  	s2 =	sld [smem:$0x3FD9]  }
0x89: {  	s3 =	sld [smem:$0x3FFE];
	_ =	sdelay $0x1  }
0x8a: {  	s1 =	srdreg.scid  }
0x8b: {  	s0 =	sand.u32 $0x1, s1  }
0x8c: {  	s17 =	sshll.u32 s0, $0xA;
	s2 =	sadd.s32 s3, s2  }
0x8d: {  	s2 =	sadd.s32 s2, s17  }
0x8e: {  	[smem:$0x3FC0] =	sst s2  }
0x8f: {  	_ = 	snop  }
0x90: {  	s2 =	sld [smem:$0x3FD0];
	(tm) =	ssettm $0x1  }
0x91: {  	s18 =	sld [smem:$0x3FFB];
	_ =	sdelay $0x3  }
0x92: {  	_ =	strace s18  }
0x93: {  	s3 =	sld [smem:$0x3FFC];
	_ =	sdelay $0x3  }
0x94: {  	_ =	strace s3  }
0x95: {  	s3 =	sld [smem:$0x3FFD];
	_ =	sdelay $0x3  }
0x96: {  	_ =	strace s3  }
0x97: {  	_ =	strace $0x8FFFFFFF  }
0x98: {  	s19 =	sld [smem:$0x3FDB];
	_ =	sdelay $0x1  }
0x99: {  	s4 =	simm.s32 $_scs_section_size  }
0x9a: {  	s5 =	simm.s32 $_size__tile_overlayer_lowered;
	s6 =	simm.s32 $_tile_overlayer_lowered  }
0x9b: {  	s22 =	simm.s32 $0x1BFF;
	s21 =	sshll.u32 s6, $0x1;
	s3 =	sadd.s32 s4, s19  }
0x9c: {  	s7 =	simm.s32 $0x0;
	s20 =	sshll.u32 s5, $0x1;
	s5 =	sadd.s32 s21, s3  }
0x9d: {  	[timem:s7], [sflag:s22] =	dma.local [hbm:s5], s20  }
0x9e: {  	_ =	swait.ge [sflag:s22], s20  }
0x9f: {  	s4 =	ssub.s32 $0x0, s20;
	[sflag:s22] =	ssyncset.done $0x0  }
0xa0: {  	[sflag:s22] =	ssyncadd.s32 s4;
	_ =	sdelay $0x1  }
0xa1: {  	s23 =	simm.s32 $0x1B8B  }
0xa2: {  	_ =	swait.ge [sflag:s23], $0x1  }
0xa3: {  	[sflag:s23] =	ssyncset.done $0x0  }
0xa4: {  	s25 =	simm.s32 $0x1B8E;
	s24 =	sld [smem:$0x3FFE];
	[sflag:s23] =	ssyncadd.s32 $0xFFFFFFFF  }
0xa5: {  	s26 =	simm.s32 $execute0_lowered;
	[smem:$0x3FD2] =	sst s25  }
0xa6: {  	s5 =	sshll.u32 s26, $0x1;
	_ =	strace $0x80000046;
	[dreg:$0x1] =	wrdreg $0xFFFFFFFF  }
0xa7: {  	s28 =	simm.s32 $_size_execute0_lowered;
	s3 =	sadd.s32 s3, s5;
	[dreg:$0x0] =	wrdreg $0x0  }
0xa8: {  	s5 =	sshll.u32 s28, $0x1;
	[dreg:$0x2] =	wrdreg s3  }
0xa9: {  	[dreg:$0x3] =	wrdreg s5  }
0xaa: {  	[dreg:$0x4] =	wrdreg $0xC0  }
0xab: {  	_ =	task [dreg:s7], $0x5FFFF  }
0xac: {  	[dreg:$0x1] =	wrdreg $0xFFFFFFFF  }
0xad: {  	[dreg:$0x0] =	wrdreg $0x60  }
0xae: {  	[dreg:$0x2] =	wrdreg s2  }
0xaf: {  	[dreg:$0x3] =	wrdreg s24  }
0xb0: {  	[dreg:$0x4] =	wrdreg $0x2B000  }
0xb1: {  	[dreg:$0x5] =	wrdreg $0x9  }
0xb2: {  	_ =	task.clear_ibuf [dreg:s7], $0x6FFFF;
	_ =	strace $0x90000046  }
0xb3: {  	s29 =	simm.s32 $0x9;
	_ =	strace $0x80000048  }
0xb4: {  	_ =	swait.ge [sflag:s29], $0x1  }
0xb5: {  	[sflag:s29] =	ssyncadd.s32 $0xFFFFFFFF  }
0xb6: {  	_ =	strace $0x90000048  }
0xb7: {  	_ =	sfence  }
0xb8: {  	s30 =	sld [smem:$0x0];
	_ =	sdelay $0x2  }
0xb9: {  	s31 =	sshll.u32 s1, $0xD;
	s1 =	sshrl.u32 s1, $0x2  }
0xba: {  	s3 =	sand.u32 $0x4000, s31;
	s1 =	sadd.s32 s1, s30  }
0xbb: {  	s0 =	sor.u32 s3, s0;
	s1 =	sshll.u32 s1, $0x11  }
0xbc: {  	s0 =	sor.u32 s1, s0  }
0xbd: {  	s0 =	sadd.s32 $0x8F2B, s0  }
0xbe: {  	[sflag:s0] =	ssyncadd.remote.s32 $0x1  }
0xbf: {  	_ =	sfence.sel $0xFFFF  }
0xc0: {  	[dreg:$0x0] =	wrdreg $0xFFFFFFFF;
	(pc) =	sbr.abs _section_cstart, $3  }
0xc1: {  	[dreg:$0x1] =	wrdreg $0xFFFFFFFF  }
0xc2: {  	_ =	task.clear_ibuf [dreg:s7], $0x2FFFF;
	_ =	strace $0x9FFFFFFF  }
0xc3: {  	(tm) =	ssettm $0x7FFFFFFF  }
tec
execute0_lowered:
.L_overlay_start_1:
0x0: {  	(tag) =	ssettag $0x1  }
0x1: {  	s5 =	rddreg [dreg:$0x0]  }
0x2: {  	s4 =	rddreg [dreg:$0x1]  }
0x3: {  	s2 =	rddreg [dreg:$0x2]  }
0x4: {  	s0 =	rddreg [dreg:$0x3]  }
0x5: {  	s3 =	simm.s32 $0x0;
	s6 =	srdreg.scid;
	s1 =	stileid.u32  }
0x6: {  	s11 =	simm.s32 $0x2800;
	s14 =	simm.s32 $0x20;
	s15 =	simm.s32 $0x10  }
0x7: {  	s16 =	simm.s32 $0x0;
	[smem:$0x7FF] =	sst s3;
	s7 =	smul.u32 $0x500, s1  }
0x8: {  	s6 =	sand.u32 $0x1, s6;
	s30 =	smul.u32 $0xA00, s1;
	s12 =	sshll.u32 s1, $0x6  }
0x9: {  	_ =	strace $0x80000047;
	s8 =	sshll.u32 s6, $0x7;
	s9 =	sshll.u32 s6, $0x4  }
0xa: {  	s6 =	ssub.s32 $0x2, s6;
	s12 =	sor.u32 $0x1C01, s12;
	s7 =	sor.u32 s8, s7  }
0xb: {  	s29 =	sor.u32 s1, s9;
	s31 =	sshrl.u32 s6, $0x1;
	s9 =	sshrl.u32 s30, $0x2  }
0xc: {  	s7 =	sshrl.u32 s7, $0x3;
	s8 =	smul.u32 $0x500, s29;
	s10 =	ssub.s32 s6, s31  }
0xd: {  	s7 =	sadd.s32 s7, s4;
	s4 =	sadd.s32 s9, s2;
	s9 =	simm.s32 $0x1  }
0xe: {  	s5 =	sadd.s32 s5, s8;
	s6 =	sadd.s32 $0x2A00, s7;
	s7 =	smax.u32 s10, $0x1  }
0xf: {  	v0 =	vimm.f32 $1.000000000e+00;
	v1 =	vimm.f32 $0.0e+00;
	s8 =	simm.s32 $0x2880;
	s10 =	simm.s32 $0x80;
	s13 =	sshrl.u32 s4, $0x3  }
.LBB2_1:
0x10: {  	[tilespmem:$0x2800] =	vst v0  }
0x11: {  	[tilespmem:$0x2810] =	vst v0  }
0x12: {  	[tilespmem:$0x2820] =	vst v0  }
0x13: {  	[tilespmem:$0x2830] =	vst v0  }
0x14: {  	[tilespmem:$0x2840] =	vst v0  }
0x15: {  	[tilespmem:$0x2850] =	vst v0  }
0x16: {  	[tilespmem:$0x2860] =	vst v0  }
0x17: {  	[tilespmem:$0x2870] =	vst v0  }
0x18: {  	[tilespmem:$0x2880] =	vst v1  }
0x19: {  	[tilespmem:$0x2890] =	vst v1  }
0x1a: {  	[tilespmem:$0x28A0] =	vst v1  }
0x1b: {  	[tilespmem:$0x28B0] =	vst v1  }
0x1c: {  	[tilespmem:$0x28C0] =	vst v1  }
0x1d: {  	[tilespmem:$0x28D0] =	vst v1  }
0x1e: {  	[tilespmem:$0x28E0] =	vst v1  }
0x1f: {  	[tilespmem:$0x28F0] =	vst v1  }
0x20: {  	[tilespmem:$0x2900] =	vst v1  }
0x21: {  	[tilespmem:$0x2910] =	vst v1  }
0x22: {  	[tilespmem:$0x2920] =	vst v1  }
0x23: {  	[tilespmem:$0x2930] =	vst v1  }
0x24: {  	[tilespmem:$0x2940] =	vst v1  }
0x25: {  	[tilespmem:$0x2950] =	vst v1  }
0x26: {  	[tilespmem:$0x2960] =	vst v1  }
0x27: {  	[tilespmem:$0x2970] =	vst v1  }
0x28: {  	[tilespmem:$0x2980] =	vst v1  }
0x29: {  	[tilespmem:$0x2990] =	vst v1  }
0x2a: {  	[tilespmem:$0x29A0] =	vst v1  }
0x2b: {  	[tilespmem:$0x29B0] =	vst v1  }
0x2c: {  	[tilespmem:$0x29C0] =	vst v1  }
0x2d: {  	[tilespmem:$0x29D0] =	vst v1  }
0x2e: {  	[tilespmem:$0x29E0] =	vst v1  }
0x2f: {  	[tilespmem:$0x29F0] =	vst v1  }
0x30: {  	[tilespmem:$0x2A00] =	vst v1  }
0x31: {  	[tilespmem:$0x2A10] =	vst v1  }
0x32: {  	[tilespmem:$0x2A20] =	vst v1  }
0x33: {  	[tilespmem:$0x2A30] =	vst v1  }
0x34: {  	[tilespmem:$0x2A40] =	vst v1  }
0x35: {  	[tilespmem:$0x2A50] =	vst v1  }
0x36: {  	[tilespmem:$0x2A60] =	vst v1  }
0x37: {  	[tilespmem:$0x2A70] =	vst v1  }
0x38: {  	[tilespmem:$0x2A80] =	vst v1  }
0x39: {  	[tilespmem:$0x2A90] =	vst v1  }
0x3a: {  	[tilespmem:$0x2AA0] =	vst v1  }
0x3b: {  	[tilespmem:$0x2AB0] =	vst v1  }
0x3c: {  	[tilespmem:$0x2AC0] =	vst v1  }
0x3d: {  	[tilespmem:$0x2AD0] =	vst v1  }
0x3e: {  	[tilespmem:$0x2AE0] =	vst v1  }
0x3f: {  	[tilespmem:$0x2AF0] =	vst v1  }
0x40: {  	[spmem:s4] =	stream.linear.scatter [tilespmem:s8], [sflag:$0x1], $0x280, $0x38;
	[tilespmem:$0x2D80] =	vst v63  }
0x41: {  	_ =	swait.ge [sflag:s9], $0x280  }
0x42: {  	[sflag:s9] =	ssyncset.done $0x0  }
0x43: {  	[sflag:s9] =	ssyncadd.s32 $0xFFFFFD80  }
0x44: {  	[bflag:$0x0] =	sbarrier.arrive $0xFFFF  }
0x45: {  	[tilespmem:s3], [sflag:$0x1] =	stream.linear.gather [hbm4b:s5+s3], $0x2800, $0x38;
	[tilespmem:$0x2D80] =	vst v63  }
0x46: {  	_ =	swait.ge [sflag:s9], $0x2800  }
0x47: {  	[sflag:s9] =	ssyncset.done $0x0  }
0x48: {  	s17 =	simm.s32 $0x0;
	[sflag:s9] =	ssyncadd.s32 $0xFFFFD800  }
0x49: {  	[spmem:s2] =	stream.indirect.scatter.add.f32 [tilespmem:s11], [sflag:$0x1], $0x1, s17, s10, $0xb8;
	[tilespmem:$0x2D80] =	vst v63  }
0x4a: {  	_ =	swait.ge [sflag:s9], $0x80  }
0x4b: {  	s17 =	simm.s32 $0x200;
	[sflag:s9] =	ssyncset.done $0x0  }
.LBB2_2:
0x4c: {  	s18 =	sshra.s32 s17, $0x2;
	[sflag:s9] =	ssyncadd.s32 $0xFFFFFF80;
	p0 =	sne.s32 s17, $0x9E00  }
0x4d: {  	[spmem:s2] =	stream.indirect.scatter.add.f32 [tilespmem:s11], [sflag:$0x1], $0x1, s18, s10, $0xb8;
	[tilespmem:$0x2D80] =	vst v63  }
.Ltmp0:
0x4e: {  	_ = 	snop;
	(pc) =	sbr.rel @p0 .LBB2_2-.Ltmp0, $4  }
0x4f: {  	_ = 	snop  }
0x50: {  	s17 =	sadd.s32 $0x200, s17  }
0x51: {  	_ =	swait.ge [sflag:s9], $0x80  }
0x52: {  	[sflag:s9] =	ssyncset.done $0x0  }
0x53: {  	s16 =	sadd.s32 $0x1, s16  }
0x54: {  	[sflag:s9] =	ssyncadd.s32 $0xFFFFFF80;
	p0 =	sne.s32 s16, s7  }
.Ltmp1:
0x55: {  	[bflag:$0x0] =	sbarrier.arrive $0xFFFF;
	(pc) =	sbr.rel @p0 .LBB2_1-.Ltmp1, $4  }
0x56: {  	[hbm:s6@s14], [sflag:s12] =	dma.strided [spmem:s13@s15], $0x50, s9, $0x10   }
0x57: {  	_ =	swait.ge [sflag:s9], $0x50  }
0x58: {  	[sflag:s9] =	ssyncset.done $0x0  }
0x59: {  	[sflag:s9] =	ssyncadd.s32 $0xFFFFFFB0  }
0x5a: {  	_ =	sfence.sel $0x180000  }
0x5b: {  	[bflag:$0x0] =	sbarrier.arrive $0xFFFF  }
0x5c: {  	p0 =	sne.s32 s1, $0x0;
	_ =	strace $0x90000047  }
0x5d: {  	s0 =	sadd.s32 @!p0 $0x100000, s0;
	[bflag:$0x2] =	sbarrier.arrive $0xFFFF  }
0x5e: {  	[sflag:s0] =	ssyncadd.tile.s32 @!p0 $0x1;
	_ =	shalt  }
.Lfunc_end2:
_tile_overlayer_lowered:
.L_overlay_start_2:
0x5f: {  	(tag) =	ssettag $0x2  }
0x60: {  	s0 =	rddreg [dreg:$0x0];
	s2 =	stileid.u32  }
0x61: {  	s1 =	rddreg [dreg:$0x1];
	p0 =	sne.s32 s2, $0x0  }
0x62: {  	s3 =	rddreg [dreg:$0x2];
	[bflag:$0x3] =	sbarrier.arrive $0xFFFF;
	s2 =	simm.s32 @!p0 $0x1C01  }
0x63: {  	[timem:s3], [sflag:s2] =	dma.local @!p0 [hbm:s0], s1  }
0x64: {  	s0 =	simm.s32 @!p0 $0x1  }
0x65: {  	_ =	swait.ge @!p0 [sflag:s0], s1  }
0x66: {  	s1 =	ssub.s32 @!p0 $0x0, s1;
	[sflag:s0] =	ssyncset.done @!p0 $0x0  }
0x67: {  	[sflag:s0] =	ssyncadd.s32 @!p0 s1  }
0x68: {  	[bflag:$0x3] =	sbarrier.arrive $0xFFFF  }
0x69: {  	_ =	shalt  }

</sc_bundles>
